<compile_context>
chip_gen: v7x
topology: tpu7x:2x2x1
jax: 0.10.2.dev20260603
libtpu: 0.0.44.dev20260713+nightly
codegen_flags: <defaults>
</compile_context>

<pallas_src>
import functools

import jax
import jax.numpy as jnp
from jax import lax
from jax.experimental import pallas as pl
from jax.experimental.pallas import tpu as pltpu
from jax.experimental.pallas import tpu_sc as plsc

N = 10000
E = 320000
D = 128

NC = 2
NS = 16
NW = NC * NS
EPW = E // NW
C = 80
NCHUNK = EPW // C
NP = 10240
RPS = NP // NS
ZB = 32
CD = 128
NCHD = EPW // CD

_mesh = plsc.VectorSubcoreMesh(
    core_axis_name="c", subcore_axis_name="s", num_cores=NC, num_subcores=NS)


@functools.partial(
    pl.kernel,
    out_type=jax.ShapeDtypeStruct((NC, NP, 16), jnp.float32),
    mesh=_mesh,
    scratch_types=[
        pltpu.VMEM((CD,), jnp.int32),
        pltpu.VMEM((16,), jnp.int32),
        pltpu.VMEM((CD, 16), jnp.float32),
        pltpu.VMEM_SHARED((NP, 16), jnp.float32),
    ],
)
def _sc_degree(dst_hbm, ones_hbm, zeros_hbm, out_hbm,
               didx, didx_t, ones_v, deg_sh):
    cid = lax.axis_index("c")
    sid = lax.axis_index("s")
    wid = sid * NC + cid
    pltpu.sync_copy(ones_hbm, ones_v)
    row0 = sid * RPS
    pltpu.sync_copy(zeros_hbm, deg_sh.at[pl.ds(row0, RPS)])
    plsc.subcore_barrier()

    def body(k, carry):
        base = pl.multiple_of(wid * EPW + k * CD, 8)
        pltpu.sync_copy(dst_hbm.at[pl.ds(base, CD)], didx)
        pltpu.sync_copy(ones_v, deg_sh.at[didx], add=True)
        return carry

    lax.fori_loop(0, NCHD, body, 0)
    tbase = pl.multiple_of(wid * EPW + NCHD * CD, 8)
    pltpu.sync_copy(dst_hbm.at[pl.ds(tbase, 16)], didx_t)
    pltpu.sync_copy(ones_v.at[pl.ds(0, 16)], deg_sh.at[didx_t], add=True)
    plsc.subcore_barrier()
    pltpu.sync_copy(deg_sh.at[pl.ds(row0, RPS)],
                    out_hbm.at[cid, pl.ds(row0, RPS)])


NB = 3
NGROUP = NCHUNK // NB


_SC_SCATTER_KW = dict(
    out_type=jax.ShapeDtypeStruct((NC, NP, D), jnp.float32),
    mesh=_mesh,
    scratch_types=[
        [pltpu.VMEM((C,), jnp.int32)] * NB,
        [pltpu.VMEM((C,), jnp.int32)] * NB,
        [pltpu.VMEM((C, D), jnp.float32)] * NB,
        pltpu.VMEM_SHARED((NP, D), jnp.float32),
        [pltpu.SemaphoreType.DMA] * NB,
        [pltpu.SemaphoreType.DMA] * NB,
        [pltpu.SemaphoreType.DMA] * NB,
    ],
)


def _sc_scatter_body(y_hbm, src_hbm, dst_hbm, zeros_hbm, out_hbm,
                     sidx, didx, rows, z_sh, ssems, dsems, gsems):
    cid = lax.axis_index("c")
    sid = lax.axis_index("s")
    wid = sid * NC + cid
    row0 = sid * RPS
    pltpu.sync_copy(zeros_hbm, z_sh.at[pl.ds(row0, RPS)])
    plsc.subcore_barrier()

    def run(k0, nb):
        ds, dd = [], []
        for b in range(nb):
            base = pl.multiple_of(wid * EPW + (k0 + b) * C, 8)
            ds.append(pltpu.async_copy(src_hbm.at[pl.ds(base, C)],
                                       sidx[b], ssems[b]))
            dd.append(pltpu.async_copy(dst_hbm.at[pl.ds(base, C)],
                                       didx[b], dsems[b]))
        dg = []
        for b in range(nb):
            ds[b].wait()
            dg.append(pltpu.async_copy(y_hbm.at[sidx[b]],
                                       rows[b], gsems[b]))
        for b in range(nb):
            dg[b].wait()
            dd[b].wait()
            pltpu.sync_copy(rows[b], z_sh.at[didx[b]], add=True)

    def group(g, carry):
        run(g * NB, NB)
        return carry

    lax.fori_loop(0, NGROUP, group, 0)
    run(NGROUP * NB, NCHUNK - NGROUP * NB)

    plsc.subcore_barrier()
    pltpu.sync_copy(z_sh.at[pl.ds(row0, RPS)],
                    out_hbm.at[cid, pl.ds(row0, RPS)])


_sc_scatter = pl.kernel(_sc_scatter_body, **_SC_SCATTER_KW)


BN = 1000


def _tc_mm_body(x_ref, w_ref, out_ref):
    out_ref[...] = jnp.dot(x_ref[...], w_ref[...],
                           preferred_element_type=jnp.float32)


def _tc_finish_body(degp_ref, xw_ref, dinv_ref, y_ref):
    deg = degp_ref[0, :, 0:1] + degp_ref[1, :, 0:1] + 1.0
    dinv = jnp.broadcast_to(lax.rsqrt(deg), (BN, D))
    dinv_ref[...] = dinv
    y_ref[...] = xw_ref[...] * dinv


def _tc_mid_body(zp_ref, y_ref, dinv_ref, b_ref, w_ref, out_ref):
    dinv = dinv_ref[...]
    h = zp_ref[0] + zp_ref[1] + y_ref[...]
    h = jax.nn.relu(dinv * h + b_ref[...])
    out_ref[...] = jnp.dot(h, w_ref[...],
                           preferred_element_type=jnp.float32) * dinv


def _tc_last_body(zp_ref, y_ref, dinv_ref, b_ref, out_ref):
    dinv = dinv_ref[...]
    out_ref[...] = dinv * (zp_ref[0] + zp_ref[1] + y_ref[...]) + b_ref[...]


def _row_spec(shape3=False):
    if shape3:
        return pl.BlockSpec((NC, BN, D), lambda i: (0, i, 0))
    return pl.BlockSpec((BN, D), lambda i: (i, 0))


_full_w = pl.BlockSpec((D, D), lambda i: (0, 0))
_full_b = pl.BlockSpec((1, D), lambda i: (0, 0))

_tc_mm = pl.pallas_call(
    _tc_mm_body,
    grid=(N // BN,),
    in_specs=[_row_spec(), _full_w],
    out_specs=_row_spec(),
    out_shape=jax.ShapeDtypeStruct((N, D), jnp.float32),
)

_tc_finish = pl.pallas_call(
    _tc_finish_body,
    grid=(N // BN,),
    in_specs=[pl.BlockSpec((NC, BN, 16), lambda i: (0, i, 0)),
              _row_spec()],
    out_specs=[_row_spec(), _row_spec()],
    out_shape=[jax.ShapeDtypeStruct((N, D), jnp.float32),
               jax.ShapeDtypeStruct((N, D), jnp.float32)],
)

_tc_mid = pl.pallas_call(
    _tc_mid_body,
    grid=(N // BN,),
    in_specs=[_row_spec(True), _row_spec(), _row_spec(), _full_b, _full_w],
    out_specs=_row_spec(),
    out_shape=jax.ShapeDtypeStruct((N, D), jnp.float32),
)

_tc_last = pl.pallas_call(
    _tc_last_body,
    grid=(N // BN,),
    in_specs=[_row_spec(True), _row_spec(), _row_spec(), _full_b],
    out_specs=_row_spec(),
    out_shape=jax.ShapeDtypeStruct((N, D), jnp.float32),
)


def kernel(x, edge_index, W1, b1, W2, b2, W3, b3):
    src = edge_index[0].astype(jnp.int32)
    dst = edge_index[1].astype(jnp.int32)
    ones16 = jnp.ones((CD, 16), jnp.float32)
    zeros16 = jnp.zeros((RPS, 16), jnp.float32)
    zerosd = jnp.zeros((RPS, D), jnp.float32)
    xw = _tc_mm(x, W1)
    degp = _sc_degree(dst, ones16, zeros16)
    dinv_b, y = _tc_finish(degp, xw)
    zp = _sc_scatter(y, src, dst, zerosd)
    y = _tc_mid(zp, y, dinv_b, b1.reshape(1, D), W2)
    zp = _sc_scatter(y, src, dst, zerosd)
    y = _tc_mid(zp, y, dinv_b, b2.reshape(1, D), W3)
    zp = _sc_scatter(y, src, dst, zerosd)
    return _tc_last(zp, y, dinv_b, b3.reshape(1, D))

# --- scband reference (transcript-rebuilt; emitter-appended) ---
"""Pipeline reference for scband-model-29515015258439 (READ-ONLY COPY).

The authoritative reference and input builder live on the scoring server;
editing this copy changes nothing except your own understanding.
"""

import jax, jax.numpy as jnp
import numpy as np

N = 10000
E = 320000
D = 128


def setup_inputs(seed: int = 0) -> dict:
    key = jax.random.key(seed)
    ks = jax.random.split(key, 10)
    x = jax.random.normal(ks[0], (N, D), dtype=jnp.float32)
    edge_index = jax.random.randint(ks[1], (2, E), 0, N).astype(jnp.int64)
    s = 1.0 / np.sqrt(D)
    W1 = jax.random.normal(ks[2], (D, D), dtype=jnp.float32) * s
    b1 = jnp.zeros((D,), dtype=jnp.float32)
    W2 = jax.random.normal(ks[3], (D, D), dtype=jnp.float32) * s
    b2 = jnp.zeros((D,), dtype=jnp.float32)
    W3 = jax.random.normal(ks[4], (D, D), dtype=jnp.float32) * s
    b3 = jnp.zeros((D,), dtype=jnp.float32)
    return {"x": x, "edge_index": edge_index, "W1": W1, "b1": b1, "W2": W2, "b2": b2, "W3": W3, "b3": b3}


def _gcn_layer(h, W, b, src, dst):
    # GCN: symmetric normalization with self-loops; drop_rate=0 so DropMessage/Dropout is identity
    h = h @ W
    loops = jnp.arange(N, dtype=src.dtype)
    src2 = jnp.concatenate([src, loops])
    dst2 = jnp.concatenate([dst, loops])
    deg = jax.ops.segment_sum(jnp.ones_like(dst2, dtype=h.dtype), dst2, num_segments=N)
    dinv = jnp.where(deg > 0, jax.lax.rsqrt(deg), 0.0)
    norm = dinv[src2] * dinv[dst2]
    msg = h[src2] * norm[:, None]
    out = jax.ops.segment_sum(msg, dst2, num_segments=N)
    return out + b


def reference(x, edge_index, W1, b1, W2, b2, W3, b3):
    src = edge_index[0]
    dst = edge_index[1]
    h = jax.nn.relu(_gcn_layer(x, W1, b1, src, dst))
    h = jax.nn.relu(_gcn_layer(h, W2, b2, src, dst))
    return _gcn_layer(h, W3, b3, src, dst)

if __name__ == "__main__":
    import jax
    _d = setup_inputs()
    print(jax.jit(kernel)(*tuple(_d.values())))

</pallas_src>

<mosaic_0001>
#map = affine_map<(d0, d1) -> (0, 0)>
#map1 = affine_map<(d0, d1) -> (0)>
#map2 = affine_map<(d0, d1) -> (0, 0, 0)>
module attributes {stable_mosaic.version = 14 : i64} {
  func.func @_sc_scatter_body(%arg0: i32, %arg1: i32, %arg2: memref<10000x128xf32, #tpu.memory_space<hbm>>, %arg3: memref<320000xi32, #tpu.memory_space<hbm>>, %arg4: memref<320000xi32, #tpu.memory_space<hbm>>, %arg5: memref<640x128xf32, #tpu.memory_space<hbm>>, %arg6: memref<2x10240x128xf32, #tpu.memory_space<hbm>>, %arg7: memref<80xi32, #tpu.memory_space<vmem>>, %arg8: memref<80xi32, #tpu.memory_space<vmem>>, %arg9: memref<80xi32, #tpu.memory_space<vmem>>, %arg10: memref<80xi32, #tpu.memory_space<vmem>>, %arg11: memref<80xi32, #tpu.memory_space<vmem>>, %arg12: memref<80xi32, #tpu.memory_space<vmem>>, %arg13: memref<80x128xf32, #tpu.memory_space<vmem>>, %arg14: memref<80x128xf32, #tpu.memory_space<vmem>>, %arg15: memref<80x128xf32, #tpu.memory_space<vmem>>, %arg16: memref<10240x128xf32, #tpu.memory_space<vmem_shared>>, %arg17: memref<!tpu.dma_semaphore, #tpu.memory_space<semaphore_mem>>, %arg18: memref<!tpu.dma_semaphore, #tpu.memory_space<semaphore_mem>>, %arg19: memref<!tpu.dma_semaphore, #tpu.memory_space<semaphore_mem>>, %arg20: memref<!tpu.dma_semaphore, #tpu.memory_space<semaphore_mem>>, %arg21: memref<!tpu.dma_semaphore, #tpu.memory_space<semaphore_mem>>, %arg22: memref<!tpu.dma_semaphore, #tpu.memory_space<semaphore_mem>>, %arg23: memref<!tpu.dma_semaphore, #tpu.memory_space<semaphore_mem>>, %arg24: memref<!tpu.dma_semaphore, #tpu.memory_space<semaphore_mem>>, %arg25: memref<!tpu.dma_semaphore, #tpu.memory_space<semaphore_mem>>) attributes {dimension_semantics = [#tpu.dimension_semantics<core_parallel>, #tpu.dimension_semantics<subcore_parallel>], iteration_bounds = array<i64: 2, 16>, scalar_prefetch = 0 : i64, scratch_operands = 19 : i64, tpu.core_type = #tpu.core_type<sc_vector_subcore>, window_params = [{transform_indices = #map}, {transform_indices = #map1}, {transform_indices = #map1}, {transform_indices = #map}, {transform_indices = #map2}]} {
    %mul3A = arith.constant 2 : i32
    %mul3A_0 = arith.muli %arg1, %mul3A : i32
    %add3A = arith.addi %mul3A_0, %arg0 : i32
    %mul3A_1 = arith.constant 640 : i32
    %mul3A_2 = arith.muli %arg1, %mul3A_1 : i32
    "tpu.region"() ({
      %run_scoped3A = tpu.sem_alloc : memref<!tpu.dma_semaphore, #tpu.memory_space<semaphore_mem>>
      %dma_start3A_44 = arith.constant 0 : i32
      %dma_start3A_45 = tpu.memref_slice %arg16[%mul3A_2, %dma_start3A_44] : memref<10240x128xf32, #tpu.memory_space<vmem_shared>> -> memref<640x128xf32, #tpu.memory_space<vmem_shared>>
      tpu.enqueue_dma source(%arg5 : memref<640x128xf32, #tpu.memory_space<hbm>>) target(%dma_start3A_45 : memref<640x128xf32, #tpu.memory_space<vmem_shared>>) target_semaphore(%run_scoped3A : memref<!tpu.dma_semaphore, #tpu.memory_space<semaphore_mem>>)
      %dma_wait3A_46 = arith.constant 0 : i32
      %dma_wait3A_47 = tpu.memref_slice %arg16[%mul3A_2, %dma_wait3A_46] : memref<10240x128xf32, #tpu.memory_space<vmem_shared>> -> memref<640x128xf32, #tpu.memory_space<vmem_shared>>
      tpu.wait_dma2 semaphore(%run_scoped3A : memref<!tpu.dma_semaphore, #tpu.memory_space<semaphore_mem>>) src(%arg5 : memref<640x128xf32, #tpu.memory_space<hbm>>) dst(%dma_wait3A_47 : memref<640x128xf32, #tpu.memory_space<vmem_shared>>)
      tpu.yield
    }) : () -> ()
    %barrier3A = arith.constant 0 : index
    tpu.barrier barrier_id(%barrier3A)
    %scan3A = arith.constant 0 : i32
    %scan3A_3 = arith.constant 0 : i32
    %scan3A_4 = arith.constant 41 : i32
    %scan3A_5 = arith.addi %scan3A_3, %scan3A_4 : i32
    %scan3A_6 = arith.constant 1 : i32
    scf.for %scan3A_44 = %scan3A_3 to %scan3A_5 step %scan3A_6  : i32 {
      %mul3A_45 = arith.constant 3 : i32
      %mul3A_46 = arith.muli %scan3A_44, %mul3A_45 : i32
      %mul3A_47 = arith.constant 10000 : i32
      %mul3A_48 = arith.muli %add3A, %mul3A_47 : i32
      %add3A_49 = arith.constant 0 : i32
      %add3A_50 = arith.addi %mul3A_46, %add3A_49 : i32
      %mul3A_51 = arith.constant 80 : i32
      %mul3A_52 = arith.muli %add3A_50, %mul3A_51 : i32
      %add3A_53 = arith.addi %mul3A_48, %mul3A_52 : i32
      %multiple_of3A_54 = tpu.assume_multiple %add3A_53, 8 : i32
      %dma_start3A_55 = tpu.memref_slice %arg3[%multiple_of3A_54] : memref<320000xi32, #tpu.memory_space<hbm>> -> memref<80xi32, #tpu.memory_space<hbm>>
      %dma_start3A_56 = tpu.memref_slice %arg3[%multiple_of3A_54] : memref<320000xi32, #tpu.memory_space<hbm>> -> memref<80xi32, #tpu.memory_space<hbm>>
      tpu.enqueue_dma source(%dma_start3A_56 : memref<80xi32, #tpu.memory_space<hbm>>) target(%arg7 : memref<80xi32, #tpu.memory_space<vmem>>) target_semaphore(%arg17 : memref<!tpu.dma_semaphore, #tpu.memory_space<semaphore_mem>>)
      %dma_start3A_57 = tpu.memref_slice %arg4[%multiple_of3A_54] : memref<320000xi32, #tpu.memory_space<hbm>> -> memref<80xi32, #tpu.memory_space<hbm>>
      %dma_start3A_58 = tpu.memref_slice %arg4[%multiple_of3A_54] : memref<320000xi32, #tpu.memory_space<hbm>> -> memref<80xi32, #tpu.memory_space<hbm>>
      tpu.enqueue_dma source(%dma_start3A_58 : memref<80xi32, #tpu.memory_space<hbm>>) target(%arg10 : memref<80xi32, #tpu.memory_space<vmem>>) target_semaphore(%arg20 : memref<!tpu.dma_semaphore, #tpu.memory_space<semaphore_mem>>)
      %mul3A_59 = arith.constant 10000 : i32
      %mul3A_60 = arith.muli %add3A, %mul3A_59 : i32
      %add3A_61 = arith.constant 1 : i32
      %add3A_62 = arith.addi %mul3A_46, %add3A_61 : i32
      %mul3A_63 = arith.constant 80 : i32
      %mul3A_64 = arith.muli %add3A_62, %mul3A_63 : i32
      %add3A_65 = arith.addi %mul3A_60, %mul3A_64 : i32
      %multiple_of3A_66 = tpu.assume_multiple %add3A_65, 8 : i32
      %dma_start3A_67 = tpu.memref_slice %arg3[%multiple_of3A_66] : memref<320000xi32, #tpu.memory_space<hbm>> -> memref<80xi32, #tpu.memory_space<hbm>>
      %dma_start3A_68 = tpu.memref_slice %arg3[%multiple_of3A_66] : memref<320000xi32, #tpu.memory_space<hbm>> -> memref<80xi32, #tpu.memory_space<hbm>>
      tpu.enqueue_dma source(%dma_start3A_68 : memref<80xi32, #tpu.memory_space<hbm>>) target(%arg8 : memref<80xi32, #tpu.memory_space<vmem>>) target_semaphore(%arg18 : memref<!tpu.dma_semaphore, #tpu.memory_space<semaphore_mem>>)
      %dma_start3A_69 = tpu.memref_slice %arg4[%multiple_of3A_66] : memref<320000xi32, #tpu.memory_space<hbm>> -> memref<80xi32, #tpu.memory_space<hbm>>
      %dma_start3A_70 = tpu.memref_slice %arg4[%multiple_of3A_66] : memref<320000xi32, #tpu.memory_space<hbm>> -> memref<80xi32, #tpu.memory_space<hbm>>
      tpu.enqueue_dma source(%dma_start3A_70 : memref<80xi32, #tpu.memory_space<hbm>>) target(%arg11 : memref<80xi32, #tpu.memory_space<vmem>>) target_semaphore(%arg21 : memref<!tpu.dma_semaphore, #tpu.memory_space<semaphore_mem>>)
      %mul3A_71 = arith.constant 10000 : i32
      %mul3A_72 = arith.muli %add3A, %mul3A_71 : i32
      %add3A_73 = arith.constant 2 : i32
      %add3A_74 = arith.addi %mul3A_46, %add3A_73 : i32
      %mul3A_75 = arith.constant 80 : i32
      %mul3A_76 = arith.muli %add3A_74, %mul3A_75 : i32
      %add3A_77 = arith.addi %mul3A_72, %mul3A_76 : i32
      %multiple_of3A_78 = tpu.assume_multiple %add3A_77, 8 : i32
      %dma_start3A_79 = tpu.memref_slice %arg3[%multiple_of3A_78] : memref<320000xi32, #tpu.memory_space<hbm>> -> memref<80xi32, #tpu.memory_space<hbm>>
      %dma_start3A_80 = tpu.memref_slice %arg3[%multiple_of3A_78] : memref<320000xi32, #tpu.memory_space<hbm>> -> memref<80xi32, #tpu.memory_space<hbm>>
      tpu.enqueue_dma source(%dma_start3A_80 : memref<80xi32, #tpu.memory_space<hbm>>) target(%arg9 : memref<80xi32, #tpu.memory_space<vmem>>) target_semaphore(%arg19 : memref<!tpu.dma_semaphore, #tpu.memory_space<semaphore_mem>>)
      %dma_start3A_81 = tpu.memref_slice %arg4[%multiple_of3A_78] : memref<320000xi32, #tpu.memory_space<hbm>> -> memref<80xi32, #tpu.memory_space<hbm>>
      %dma_start3A_82 = tpu.memref_slice %arg4[%multiple_of3A_78] : memref<320000xi32, #tpu.memory_space<hbm>> -> memref<80xi32, #tpu.memory_space<hbm>>
      tpu.enqueue_dma source(%dma_start3A_82 : memref<80xi32, #tpu.memory_space<hbm>>) target(%arg12 : memref<80xi32, #tpu.memory_space<vmem>>) target_semaphore(%arg22 : memref<!tpu.dma_semaphore, #tpu.memory_space<semaphore_mem>>)
      %dma_wait3A_83 = tpu.memref_slice %arg3[%multiple_of3A_54] : memref<320000xi32, #tpu.memory_space<hbm>> -> memref<80xi32, #tpu.memory_space<hbm>>
      %dma_wait3A_84 = tpu.memref_slice %arg3[%multiple_of3A_54] : memref<320000xi32, #tpu.memory_space<hbm>> -> memref<80xi32, #tpu.memory_space<hbm>>
      tpu.wait_dma2 semaphore(%arg17 : memref<!tpu.dma_semaphore, #tpu.memory_space<semaphore_mem>>) src(%dma_wait3A_84 : memref<80xi32, #tpu.memory_space<hbm>>) dst(%arg7 : memref<80xi32, #tpu.memory_space<vmem>>)
      %dma_start3A_85 = arith.constant 0 : i32
      %dma_start3A_86 = arith.constant 0 : i32
      %dma_start3A_87 = tpu.memref_slice %arg2[%dma_start3A_85, %dma_start3A_86] : memref<10000x128xf32, #tpu.memory_space<hbm>> -> memref<10000x128xf32, #tpu.memory_space<hbm>>
      tpu.enqueue_indirect_dma source(%dma_start3A_87 : memref<10000x128xf32, #tpu.memory_space<hbm>>) target(%arg13 : memref<80x128xf32, #tpu.memory_space<vmem>>) offsets(%arg7 : memref<80xi32, #tpu.memory_space<vmem>>) semaphore(%arg23 : memref<!tpu.dma_semaphore, #tpu.memory_space<semaphore_mem>>)
      %dma_wait3A_88 = tpu.memref_slice %arg3[%multiple_of3A_66] : memref<320000xi32, #tpu.memory_space<hbm>> -> memref<80xi32, #tpu.memory_space<hbm>>
      %dma_wait3A_89 = tpu.memref_slice %arg3[%multiple_of3A_66] : memref<320000xi32, #tpu.memory_space<hbm>> -> memref<80xi32, #tpu.memory_space<hbm>>
      tpu.wait_dma2 semaphore(%arg18 : memref<!tpu.dma_semaphore, #tpu.memory_space<semaphore_mem>>) src(%dma_wait3A_89 : memref<80xi32, #tpu.memory_space<hbm>>) dst(%arg8 : memref<80xi32, #tpu.memory_space<vmem>>)
      %dma_start3A_90 = arith.constant 0 : i32
      %dma_start3A_91 = arith.constant 0 : i32
      %dma_start3A_92 = tpu.memref_slice %arg2[%dma_start3A_90, %dma_start3A_91] : memref<10000x128xf32, #tpu.memory_space<hbm>> -> memref<10000x128xf32, #tpu.memory_space<hbm>>
      tpu.enqueue_indirect_dma source(%dma_start3A_92 : memref<10000x128xf32, #tpu.memory_space<hbm>>) target(%arg14 : memref<80x128xf32, #tpu.memory_space<vmem>>) offsets(%arg8 : memref<80xi32, #tpu.memory_space<vmem>>) semaphore(%arg24 : memref<!tpu.dma_semaphore, #tpu.memory_space<semaphore_mem>>)
      %dma_wait3A_93 = tpu.memref_slice %arg3[%multiple_of3A_78] : memref<320000xi32, #tpu.memory_space<hbm>> -> memref<80xi32, #tpu.memory_space<hbm>>
      %dma_wait3A_94 = tpu.memref_slice %arg3[%multiple_of3A_78] : memref<320000xi32, #tpu.memory_space<hbm>> -> memref<80xi32, #tpu.memory_space<hbm>>
      tpu.wait_dma2 semaphore(%arg19 : memref<!tpu.dma_semaphore, #tpu.memory_space<semaphore_mem>>) src(%dma_wait3A_94 : memref<80xi32, #tpu.memory_space<hbm>>) dst(%arg9 : memref<80xi32, #tpu.memory_space<vmem>>)
      %dma_start3A_95 = arith.constant 0 : i32
      %dma_start3A_96 = arith.constant 0 : i32
      %dma_start3A_97 = tpu.memref_slice %arg2[%dma_start3A_95, %dma_start3A_96] : memref<10000x128xf32, #tpu.memory_space<hbm>> -> memref<10000x128xf32, #tpu.memory_space<hbm>>
      tpu.enqueue_indirect_dma source(%dma_start3A_97 : memref<10000x128xf32, #tpu.memory_space<hbm>>) target(%arg15 : memref<80x128xf32, #tpu.memory_space<vmem>>) offsets(%arg9 : memref<80xi32, #tpu.memory_space<vmem>>) semaphore(%arg25 : memref<!tpu.dma_semaphore, #tpu.memory_space<semaphore_mem>>)
      %dma_wait3A_98 = arith.constant 0 : i32
      %dma_wait3A_99 = arith.constant 0 : i32
      %dma_wait3A_100 = tpu.memref_slice %arg2[%dma_wait3A_98, %dma_wait3A_99] : memref<10000x128xf32, #tpu.memory_space<hbm>> -> memref<10000x128xf32, #tpu.memory_space<hbm>>
      tpu.wait_indirect_dma semaphore(%arg23 : memref<!tpu.dma_semaphore, #tpu.memory_space<semaphore_mem>>) src(%dma_wait3A_100 : memref<10000x128xf32, #tpu.memory_space<hbm>>) dst(%arg13 : memref<80x128xf32, #tpu.memory_space<vmem>>)
      %dma_wait3A_101 = tpu.memref_slice %arg4[%multiple_of3A_54] : memref<320000xi32, #tpu.memory_space<hbm>> -> memref<80xi32, #tpu.memory_space<hbm>>
      %dma_wait3A_102 = tpu.memref_slice %arg4[%multiple_of3A_54] : memref<320000xi32, #tpu.memory_space<hbm>> -> memref<80xi32, #tpu.memory_space<hbm>>
      tpu.wait_dma2 semaphore(%arg20 : memref<!tpu.dma_semaphore, #tpu.memory_space<semaphore_mem>>) src(%dma_wait3A_102 : memref<80xi32, #tpu.memory_space<hbm>>) dst(%arg10 : memref<80xi32, #tpu.memory_space<vmem>>)
      "tpu.region"() ({
        %run_scoped3A = tpu.sem_alloc : memref<!tpu.dma_semaphore, #tpu.memory_space<semaphore_mem>>
        %dma_start3A_113 = arith.constant 0 : i32
        %dma_start3A_114 = arith.constant 0 : i32
        %dma_start3A_115 = tpu.memref_slice %arg16[%dma_start3A_113, %dma_start3A_114] : memref<10240x128xf32, #tpu.memory_space<vmem_shared>> -> memref<10240x128xf32, #tpu.memory_space<vmem_shared>>
        tpu.enqueue_indirect_dma source(%arg13 : memref<80x128xf32, #tpu.memory_space<vmem>>) target(%dma_start3A_115 : memref<10240x128xf32, #tpu.memory_space<vmem_shared>>) offsets(%arg10 : memref<80xi32, #tpu.memory_space<vmem>>) semaphore(%run_scoped3A : memref<!tpu.dma_semaphore, #tpu.memory_space<semaphore_mem>>) {add = true}
        %dma_wait3A_116 = arith.constant 0 : i32
        %dma_wait3A_117 = arith.constant 0 : i32
        %dma_wait3A_118 = tpu.memref_slice %arg16[%dma_wait3A_116, %dma_wait3A_117] : memref<10240x128xf32, #tpu.memory_space<vmem_shared>> -> memref<10240x128xf32, #tpu.memory_space<vmem_shared>>
        tpu.wait_indirect_dma semaphore(%run_scoped3A : memref<!tpu.dma_semaphore, #tpu.memory_space<semaphore_mem>>) src(%arg13 : memref<80x128xf32, #tpu.memory_space<vmem>>) dst(%dma_wait3A_118 : memref<10240x128xf32, #tpu.memory_space<vmem_shared>>)
        tpu.yield
      }) : () -> ()
      %dma_wait3A_103 = arith.constant 0 : i32
      %dma_wait3A_104 = arith.constant 0 : i32
      %dma_wait3A_105 = tpu.memref_slice %arg2[%dma_wait3A_103, %dma_wait3A_104] : memref<10000x128xf32, #tpu.memory_space<hbm>> -> memref<10000x128xf32, #tpu.memory_space<hbm>>
      tpu.wait_indirect_dma semaphore(%arg24 : memref<!tpu.dma_semaphore, #tpu.memory_space<semaphore_mem>>) src(%dma_wait3A_105 : memref<10000x128xf32, #tpu.memory_space<hbm>>) dst(%arg14 : memref<80x128xf32, #tpu.memory_space<vmem>>)
      %dma_wait3A_106 = tpu.memref_slice %arg4[%multiple_of3A_66] : memref<320000xi32, #tpu.memory_space<hbm>> -> memref<80xi32, #tpu.memory_space<hbm>>
      %dma_wait3A_107 = tpu.memref_slice %arg4[%multiple_of3A_66] : memref<320000xi32, #tpu.memory_space<hbm>> -> memref<80xi32, #tpu.memory_space<hbm>>
      tpu.wait_dma2 semaphore(%arg21 : memref<!tpu.dma_semaphore, #tpu.memory_space<semaphore_mem>>) src(%dma_wait3A_107 : memref<80xi32, #tpu.memory_space<hbm>>) dst(%arg11 : memref<80xi32, #tpu.memory_space<vmem>>)
      "tpu.region"() ({
        %run_scoped3A = tpu.sem_alloc : memref<!tpu.dma_semaphore, #tpu.memory_space<semaphore_mem>>
        %dma_start3A_113 = arith.constant 0 : i32
        %dma_start3A_114 = arith.constant 0 : i32
        %dma_start3A_115 = tpu.memref_slice %arg16[%dma_start3A_113, %dma_start3A_114] : memref<10240x128xf32, #tpu.memory_space<vmem_shared>> -> memref<10240x128xf32, #tpu.memory_space<vmem_shared>>
        tpu.enqueue_indirect_dma source(%arg14 : memref<80x128xf32, #tpu.memory_space<vmem>>) target(%dma_start3A_115 : memref<10240x128xf32, #tpu.memory_space<vmem_shared>>) offsets(%arg11 : memref<80xi32, #tpu.memory_space<vmem>>) semaphore(%run_scoped3A : memref<!tpu.dma_semaphore, #tpu.memory_space<semaphore_mem>>) {add = true}
        %dma_wait3A_116 = arith.constant 0 : i32
        %dma_wait3A_117 = arith.constant 0 : i32
        %dma_wait3A_118 = tpu.memref_slice %arg16[%dma_wait3A_116, %dma_wait3A_117] : memref<10240x128xf32, #tpu.memory_space<vmem_shared>> -> memref<10240x128xf32, #tpu.memory_space<vmem_shared>>
        tpu.wait_indirect_dma semaphore(%run_scoped3A : memref<!tpu.dma_semaphore, #tpu.memory_space<semaphore_mem>>) src(%arg14 : memref<80x128xf32, #tpu.memory_space<vmem>>) dst(%dma_wait3A_118 : memref<10240x128xf32, #tpu.memory_space<vmem_shared>>)
        tpu.yield
      }) : () -> ()
      %dma_wait3A_108 = arith.constant 0 : i32
      %dma_wait3A_109 = arith.constant 0 : i32
      %dma_wait3A_110 = tpu.memref_slice %arg2[%dma_wait3A_108, %dma_wait3A_109] : memref<10000x128xf32, #tpu.memory_space<hbm>> -> memref<10000x128xf32, #tpu.memory_space<hbm>>
      tpu.wait_indirect_dma semaphore(%arg25 : memref<!tpu.dma_semaphore, #tpu.memory_space<semaphore_mem>>) src(%dma_wait3A_110 : memref<10000x128xf32, #tpu.memory_space<hbm>>) dst(%arg15 : memref<80x128xf32, #tpu.memory_space<vmem>>)
      %dma_wait3A_111 = tpu.memref_slice %arg4[%multiple_of3A_78] : memref<320000xi32, #tpu.memory_space<hbm>> -> memref<80xi32, #tpu.memory_space<hbm>>
      %dma_wait3A_112 = tpu.memref_slice %arg4[%multiple_of3A_78] : memref<320000xi32, #tpu.memory_space<hbm>> -> memref<80xi32, #tpu.memory_space<hbm>>
      tpu.wait_dma2 semaphore(%arg22 : memref<!tpu.dma_semaphore, #tpu.memory_space<semaphore_mem>>) src(%dma_wait3A_112 : memref<80xi32, #tpu.memory_space<hbm>>) dst(%arg12 : memref<80xi32, #tpu.memory_space<vmem>>)
      "tpu.region"() ({
        %run_scoped3A = tpu.sem_alloc : memref<!tpu.dma_semaphore, #tpu.memory_space<semaphore_mem>>
        %dma_start3A_113 = arith.constant 0 : i32
        %dma_start3A_114 = arith.constant 0 : i32
        %dma_start3A_115 = tpu.memref_slice %arg16[%dma_start3A_113, %dma_start3A_114] : memref<10240x128xf32, #tpu.memory_space<vmem_shared>> -> memref<10240x128xf32, #tpu.memory_space<vmem_shared>>
        tpu.enqueue_indirect_dma source(%arg15 : memref<80x128xf32, #tpu.memory_space<vmem>>) target(%dma_start3A_115 : memref<10240x128xf32, #tpu.memory_space<vmem_shared>>) offsets(%arg12 : memref<80xi32, #tpu.memory_space<vmem>>) semaphore(%run_scoped3A : memref<!tpu.dma_semaphore, #tpu.memory_space<semaphore_mem>>) {add = true}
        %dma_wait3A_116 = arith.constant 0 : i32
        %dma_wait3A_117 = arith.constant 0 : i32
        %dma_wait3A_118 = tpu.memref_slice %arg16[%dma_wait3A_116, %dma_wait3A_117] : memref<10240x128xf32, #tpu.memory_space<vmem_shared>> -> memref<10240x128xf32, #tpu.memory_space<vmem_shared>>
        tpu.wait_indirect_dma semaphore(%run_scoped3A : memref<!tpu.dma_semaphore, #tpu.memory_space<semaphore_mem>>) src(%arg15 : memref<80x128xf32, #tpu.memory_space<vmem>>) dst(%dma_wait3A_118 : memref<10240x128xf32, #tpu.memory_space<vmem_shared>>)
        tpu.yield
      }) : () -> ()
    }
    %scan3A_7 = arith.constant 41 : i32
    %mul3A_8 = arith.constant 10000 : i32
    %mul3A_9 = arith.muli %add3A, %mul3A_8 : i32
    %add3A_10 = arith.constant 9840 : i32
    %add3A_11 = arith.addi %mul3A_9, %add3A_10 : i32
    %multiple_of3A = tpu.assume_multiple %add3A_11, 8 : i32
    %dma_start3A = tpu.memref_slice %arg3[%multiple_of3A] : memref<320000xi32, #tpu.memory_space<hbm>> -> memref<80xi32, #tpu.memory_space<hbm>>
    %dma_start3A_12 = tpu.memref_slice %arg3[%multiple_of3A] : memref<320000xi32, #tpu.memory_space<hbm>> -> memref<80xi32, #tpu.memory_space<hbm>>
    tpu.enqueue_dma source(%dma_start3A_12 : memref<80xi32, #tpu.memory_space<hbm>>) target(%arg7 : memref<80xi32, #tpu.memory_space<vmem>>) target_semaphore(%arg17 : memref<!tpu.dma_semaphore, #tpu.memory_space<semaphore_mem>>)
    %dma_start3A_13 = tpu.memref_slice %arg4[%multiple_of3A] : memref<320000xi32, #tpu.memory_space<hbm>> -> memref<80xi32, #tpu.memory_space<hbm>>
    %dma_start3A_14 = tpu.memref_slice %arg4[%multiple_of3A] : memref<320000xi32, #tpu.memory_space<hbm>> -> memref<80xi32, #tpu.memory_space<hbm>>
    tpu.enqueue_dma source(%dma_start3A_14 : memref<80xi32, #tpu.memory_space<hbm>>) target(%arg10 : memref<80xi32, #tpu.memory_space<vmem>>) target_semaphore(%arg20 : memref<!tpu.dma_semaphore, #tpu.memory_space<semaphore_mem>>)
    %mul3A_15 = arith.constant 10000 : i32
    %mul3A_16 = arith.muli %add3A, %mul3A_15 : i32
    %add3A_17 = arith.constant 9920 : i32
    %add3A_18 = arith.addi %mul3A_16, %add3A_17 : i32
    %multiple_of3A_19 = tpu.assume_multiple %add3A_18, 8 : i32
    %dma_start3A_20 = tpu.memref_slice %arg3[%multiple_of3A_19] : memref<320000xi32, #tpu.memory_space<hbm>> -> memref<80xi32, #tpu.memory_space<hbm>>
    %dma_start3A_21 = tpu.memref_slice %arg3[%multiple_of3A_19] : memref<320000xi32, #tpu.memory_space<hbm>> -> memref<80xi32, #tpu.memory_space<hbm>>
    tpu.enqueue_dma source(%dma_start3A_21 : memref<80xi32, #tpu.memory_space<hbm>>) target(%arg8 : memref<80xi32, #tpu.memory_space<vmem>>) target_semaphore(%arg18 : memref<!tpu.dma_semaphore, #tpu.memory_space<semaphore_mem>>)
    %dma_start3A_22 = tpu.memref_slice %arg4[%multiple_of3A_19] : memref<320000xi32, #tpu.memory_space<hbm>> -> memref<80xi32, #tpu.memory_space<hbm>>
    %dma_start3A_23 = tpu.memref_slice %arg4[%multiple_of3A_19] : memref<320000xi32, #tpu.memory_space<hbm>> -> memref<80xi32, #tpu.memory_space<hbm>>
    tpu.enqueue_dma source(%dma_start3A_23 : memref<80xi32, #tpu.memory_space<hbm>>) target(%arg11 : memref<80xi32, #tpu.memory_space<vmem>>) target_semaphore(%arg21 : memref<!tpu.dma_semaphore, #tpu.memory_space<semaphore_mem>>)
    %dma_wait3A = tpu.memref_slice %arg3[%multiple_of3A] : memref<320000xi32, #tpu.memory_space<hbm>> -> memref<80xi32, #tpu.memory_space<hbm>>
    %dma_wait3A_24 = tpu.memref_slice %arg3[%multiple_of3A] : memref<320000xi32, #tpu.memory_space<hbm>> -> memref<80xi32, #tpu.memory_space<hbm>>
    tpu.wait_dma2 semaphore(%arg17 : memref<!tpu.dma_semaphore, #tpu.memory_space<semaphore_mem>>) src(%dma_wait3A_24 : memref<80xi32, #tpu.memory_space<hbm>>) dst(%arg7 : memref<80xi32, #tpu.memory_space<vmem>>)
    %dma_start3A_25 = arith.constant 0 : i32
    %dma_start3A_26 = arith.constant 0 : i32
    %dma_start3A_27 = tpu.memref_slice %arg2[%dma_start3A_25, %dma_start3A_26] : memref<10000x128xf32, #tpu.memory_space<hbm>> -> memref<10000x128xf32, #tpu.memory_space<hbm>>
    tpu.enqueue_indirect_dma source(%dma_start3A_27 : memref<10000x128xf32, #tpu.memory_space<hbm>>) target(%arg13 : memref<80x128xf32, #tpu.memory_space<vmem>>) offsets(%arg7 : memref<80xi32, #tpu.memory_space<vmem>>) semaphore(%arg23 : memref<!tpu.dma_semaphore, #tpu.memory_space<semaphore_mem>>)
    %dma_wait3A_28 = tpu.memref_slice %arg3[%multiple_of3A_19] : memref<320000xi32, #tpu.memory_space<hbm>> -> memref<80xi32, #tpu.memory_space<hbm>>
    %dma_wait3A_29 = tpu.memref_slice %arg3[%multiple_of3A_19] : memref<320000xi32, #tpu.memory_space<hbm>> -> memref<80xi32, #tpu.memory_space<hbm>>
    tpu.wait_dma2 semaphore(%arg18 : memref<!tpu.dma_semaphore, #tpu.memory_space<semaphore_mem>>) src(%dma_wait3A_29 : memref<80xi32, #tpu.memory_space<hbm>>) dst(%arg8 : memref<80xi32, #tpu.memory_space<vmem>>)
    %dma_start3A_30 = arith.constant 0 : i32
    %dma_start3A_31 = arith.constant 0 : i32
    %dma_start3A_32 = tpu.memref_slice %arg2[%dma_start3A_30, %dma_start3A_31] : memref<10000x128xf32, #tpu.memory_space<hbm>> -> memref<10000x128xf32, #tpu.memory_space<hbm>>
    tpu.enqueue_indirect_dma source(%dma_start3A_32 : memref<10000x128xf32, #tpu.memory_space<hbm>>) target(%arg14 : memref<80x128xf32, #tpu.memory_space<vmem>>) offsets(%arg8 : memref<80xi32, #tpu.memory_space<vmem>>) semaphore(%arg24 : memref<!tpu.dma_semaphore, #tpu.memory_space<semaphore_mem>>)
    %dma_wait3A_33 = arith.constant 0 : i32
    %dma_wait3A_34 = arith.constant 0 : i32
    %dma_wait3A_35 = tpu.memref_slice %arg2[%dma_wait3A_33, %dma_wait3A_34] : memref<10000x128xf32, #tpu.memory_space<hbm>> -> memref<10000x128xf32, #tpu.memory_space<hbm>>
    tpu.wait_indirect_dma semaphore(%arg23 : memref<!tpu.dma_semaphore, #tpu.memory_space<semaphore_mem>>) src(%dma_wait3A_35 : memref<10000x128xf32, #tpu.memory_space<hbm>>) dst(%arg13 : memref<80x128xf32, #tpu.memory_space<vmem>>)
    %dma_wait3A_36 = tpu.memref_slice %arg4[%multiple_of3A] : memref<320000xi32, #tpu.memory_space<hbm>> -> memref<80xi32, #tpu.memory_space<hbm>>
    %dma_wait3A_37 = tpu.memref_slice %arg4[%multiple_of3A] : memref<320000xi32, #tpu.memory_space<hbm>> -> memref<80xi32, #tpu.memory_space<hbm>>
    tpu.wait_dma2 semaphore(%arg20 : memref<!tpu.dma_semaphore, #tpu.memory_space<semaphore_mem>>) src(%dma_wait3A_37 : memref<80xi32, #tpu.memory_space<hbm>>) dst(%arg10 : memref<80xi32, #tpu.memory_space<vmem>>)
    "tpu.region"() ({
      %run_scoped3A = tpu.sem_alloc : memref<!tpu.dma_semaphore, #tpu.memory_space<semaphore_mem>>
      %dma_start3A_44 = arith.constant 0 : i32
      %dma_start3A_45 = arith.constant 0 : i32
      %dma_start3A_46 = tpu.memref_slice %arg16[%dma_start3A_44, %dma_start3A_45] : memref<10240x128xf32, #tpu.memory_space<vmem_shared>> -> memref<10240x128xf32, #tpu.memory_space<vmem_shared>>
      tpu.enqueue_indirect_dma source(%arg13 : memref<80x128xf32, #tpu.memory_space<vmem>>) target(%dma_start3A_46 : memref<10240x128xf32, #tpu.memory_space<vmem_shared>>) offsets(%arg10 : memref<80xi32, #tpu.memory_space<vmem>>) semaphore(%run_scoped3A : memref<!tpu.dma_semaphore, #tpu.memory_space<semaphore_mem>>) {add = true}
      %dma_wait3A_47 = arith.constant 0 : i32
      %dma_wait3A_48 = arith.constant 0 : i32
      %dma_wait3A_49 = tpu.memref_slice %arg16[%dma_wait3A_47, %dma_wait3A_48] : memref<10240x128xf32, #tpu.memory_space<vmem_shared>> -> memref<10240x128xf32, #tpu.memory_space<vmem_shared>>
      tpu.wait_indirect_dma semaphore(%run_scoped3A : memref<!tpu.dma_semaphore, #tpu.memory_space<semaphore_mem>>) src(%arg13 : memref<80x128xf32, #tpu.memory_space<vmem>>) dst(%dma_wait3A_49 : memref<10240x128xf32, #tpu.memory_space<vmem_shared>>)
      tpu.yield
    }) : () -> ()
    %dma_wait3A_38 = arith.constant 0 : i32
    %dma_wait3A_39 = arith.constant 0 : i32
    %dma_wait3A_40 = tpu.memref_slice %arg2[%dma_wait3A_38, %dma_wait3A_39] : memref<10000x128xf32, #tpu.memory_space<hbm>> -> memref<10000x128xf32, #tpu.memory_space<hbm>>
    tpu.wait_indirect_dma semaphore(%arg24 : memref<!tpu.dma_semaphore, #tpu.memory_space<semaphore_mem>>) src(%dma_wait3A_40 : memref<10000x128xf32, #tpu.memory_space<hbm>>) dst(%arg14 : memref<80x128xf32, #tpu.memory_space<vmem>>)
    %dma_wait3A_41 = tpu.memref_slice %arg4[%multiple_of3A_19] : memref<320000xi32, #tpu.memory_space<hbm>> -> memref<80xi32, #tpu.memory_space<hbm>>
    %dma_wait3A_42 = tpu.memref_slice %arg4[%multiple_of3A_19] : memref<320000xi32, #tpu.memory_space<hbm>> -> memref<80xi32, #tpu.memory_space<hbm>>
    tpu.wait_dma2 semaphore(%arg21 : memref<!tpu.dma_semaphore, #tpu.memory_space<semaphore_mem>>) src(%dma_wait3A_42 : memref<80xi32, #tpu.memory_space<hbm>>) dst(%arg11 : memref<80xi32, #tpu.memory_space<vmem>>)
    "tpu.region"() ({
      %run_scoped3A = tpu.sem_alloc : memref<!tpu.dma_semaphore, #tpu.memory_space<semaphore_mem>>
      %dma_start3A_44 = arith.constant 0 : i32
      %dma_start3A_45 = arith.constant 0 : i32
      %dma_start3A_46 = tpu.memref_slice %arg16[%dma_start3A_44, %dma_start3A_45] : memref<10240x128xf32, #tpu.memory_space<vmem_shared>> -> memref<10240x128xf32, #tpu.memory_space<vmem_shared>>
      tpu.enqueue_indirect_dma source(%arg14 : memref<80x128xf32, #tpu.memory_space<vmem>>) target(%dma_start3A_46 : memref<10240x128xf32, #tpu.memory_space<vmem_shared>>) offsets(%arg11 : memref<80xi32, #tpu.memory_space<vmem>>) semaphore(%run_scoped3A : memref<!tpu.dma_semaphore, #tpu.memory_space<semaphore_mem>>) {add = true}
      %dma_wait3A_47 = arith.constant 0 : i32
      %dma_wait3A_48 = arith.constant 0 : i32
      %dma_wait3A_49 = tpu.memref_slice %arg16[%dma_wait3A_47, %dma_wait3A_48] : memref<10240x128xf32, #tpu.memory_space<vmem_shared>> -> memref<10240x128xf32, #tpu.memory_space<vmem_shared>>
      tpu.wait_indirect_dma semaphore(%run_scoped3A : memref<!tpu.dma_semaphore, #tpu.memory_space<semaphore_mem>>) src(%arg14 : memref<80x128xf32, #tpu.memory_space<vmem>>) dst(%dma_wait3A_49 : memref<10240x128xf32, #tpu.memory_space<vmem_shared>>)
      tpu.yield
    }) : () -> ()
    %barrier3A_43 = arith.constant 0 : index
    tpu.barrier barrier_id(%barrier3A_43)
    "tpu.region"() ({
      %run_scoped3A = tpu.sem_alloc : memref<!tpu.dma_semaphore, #tpu.memory_space<semaphore_mem>>
      %dma_start3A_44 = arith.constant 0 : i32
      %dma_start3A_45 = tpu.memref_slice %arg6[%arg0, %mul3A_2, %dma_start3A_44] : memref<2x10240x128xf32, #tpu.memory_space<hbm>> -> memref<1x640x128xf32, #tpu.memory_space<hbm>>
      %dma_start3A_46 = tpu.memref_squeeze %dma_start3A_45 : memref<1x640x128xf32, #tpu.memory_space<hbm>> -> memref<640x128xf32, #tpu.memory_space<hbm>>
      %dma_start3A_47 = arith.constant 0 : i32
      %dma_start3A_48 = tpu.memref_slice %arg16[%mul3A_2, %dma_start3A_47] : memref<10240x128xf32, #tpu.memory_space<vmem_shared>> -> memref<640x128xf32, #tpu.memory_space<vmem_shared>>
      tpu.enqueue_dma source(%dma_start3A_48 : memref<640x128xf32, #tpu.memory_space<vmem_shared>>) target(%dma_start3A_46 : memref<640x128xf32, #tpu.memory_space<hbm>>) target_semaphore(%run_scoped3A : memref<!tpu.dma_semaphore, #tpu.memory_space<semaphore_mem>>)
      %dma_wait3A_49 = arith.constant 0 : i32
      %dma_wait3A_50 = tpu.memref_slice %arg6[%arg0, %mul3A_2, %dma_wait3A_49] : memref<2x10240x128xf32, #tpu.memory_space<hbm>> -> memref<1x640x128xf32, #tpu.memory_space<hbm>>
      %dma_wait3A_51 = tpu.memref_squeeze %dma_wait3A_50 : memref<1x640x128xf32, #tpu.memory_space<hbm>> -> memref<640x128xf32, #tpu.memory_space<hbm>>
      %dma_wait3A_52 = arith.constant 0 : i32
      %dma_wait3A_53 = tpu.memref_slice %arg16[%mul3A_2, %dma_wait3A_52] : memref<10240x128xf32, #tpu.memory_space<vmem_shared>> -> memref<640x128xf32, #tpu.memory_space<vmem_shared>>
      tpu.wait_dma2 semaphore(%run_scoped3A : memref<!tpu.dma_semaphore, #tpu.memory_space<semaphore_mem>>) src(%dma_wait3A_53 : memref<640x128xf32, #tpu.memory_space<vmem_shared>>) dst(%dma_wait3A_51 : memref<640x128xf32, #tpu.memory_space<hbm>>)
      tpu.yield
    }) : () -> ()
    return
  }
}

#map = affine_map<(d0, d1) -> (0)>
#map1 = affine_map<(d0, d1) -> (0, 0)>
#map2 = affine_map<(d0, d1) -> (0, 0, 0)>
module attributes {stable_mosaic.version = 14 : i64} {
  func.func @_sc_degree(%arg0: i32, %arg1: i32, %arg2: memref<320000xi32, #tpu.memory_space<hbm>>, %arg3: memref<128x16xf32, #tpu.memory_space<hbm>>, %arg4: memref<640x16xf32, #tpu.memory_space<hbm>>, %arg5: memref<2x10240x16xf32, #tpu.memory_space<hbm>>, %arg6: memref<128xi32, #tpu.memory_space<vmem>>, %arg7: memref<16xi32, #tpu.memory_space<vmem>>, %arg8: memref<128x16xf32, #tpu.memory_space<vmem>>, %arg9: memref<10240x16xf32, #tpu.memory_space<vmem_shared>>) attributes {dimension_semantics = [#tpu.dimension_semantics<core_parallel>, #tpu.dimension_semantics<subcore_parallel>], iteration_bounds = array<i64: 2, 16>, scalar_prefetch = 0 : i64, scratch_operands = 4 : i64, tpu.core_type = #tpu.core_type<sc_vector_subcore>, window_params = [{transform_indices = #map}, {transform_indices = #map1}, {transform_indices = #map1}, {transform_indices = #map2}]} {
    %mul3A = arith.constant 2 : i32
    %mul3A_0 = arith.muli %arg1, %mul3A : i32
    %add3A = arith.addi %mul3A_0, %arg0 : i32
    "tpu.region"() ({
      %run_scoped3A = tpu.sem_alloc : memref<!tpu.dma_semaphore, #tpu.memory_space<semaphore_mem>>
      tpu.enqueue_dma source(%arg3 : memref<128x16xf32, #tpu.memory_space<hbm>>) target(%arg8 : memref<128x16xf32, #tpu.memory_space<vmem>>) target_semaphore(%run_scoped3A : memref<!tpu.dma_semaphore, #tpu.memory_space<semaphore_mem>>)
      tpu.wait_dma2 semaphore(%run_scoped3A : memref<!tpu.dma_semaphore, #tpu.memory_space<semaphore_mem>>) src(%arg3 : memref<128x16xf32, #tpu.memory_space<hbm>>) dst(%arg8 : memref<128x16xf32, #tpu.memory_space<vmem>>)
      tpu.yield
    }) : () -> ()
    %mul3A_1 = arith.constant 640 : i32
    %mul3A_2 = arith.muli %arg1, %mul3A_1 : i32
    "tpu.region"() ({
      %run_scoped3A = tpu.sem_alloc : memref<!tpu.dma_semaphore, #tpu.memory_space<semaphore_mem>>
      %dma_start3A = arith.constant 0 : i32
      %dma_start3A_13 = tpu.memref_slice %arg9[%mul3A_2, %dma_start3A] : memref<10240x16xf32, #tpu.memory_space<vmem_shared>> -> memref<640x16xf32, #tpu.memory_space<vmem_shared>>
      tpu.enqueue_dma source(%arg4 : memref<640x16xf32, #tpu.memory_space<hbm>>) target(%dma_start3A_13 : memref<640x16xf32, #tpu.memory_space<vmem_shared>>) target_semaphore(%run_scoped3A : memref<!tpu.dma_semaphore, #tpu.memory_space<semaphore_mem>>)
      %dma_wait3A = arith.constant 0 : i32
      %dma_wait3A_14 = tpu.memref_slice %arg9[%mul3A_2, %dma_wait3A] : memref<10240x16xf32, #tpu.memory_space<vmem_shared>> -> memref<640x16xf32, #tpu.memory_space<vmem_shared>>
      tpu.wait_dma2 semaphore(%run_scoped3A : memref<!tpu.dma_semaphore, #tpu.memory_space<semaphore_mem>>) src(%arg4 : memref<640x16xf32, #tpu.memory_space<hbm>>) dst(%dma_wait3A_14 : memref<640x16xf32, #tpu.memory_space<vmem_shared>>)
      tpu.yield
    }) : () -> ()
    %barrier3A = arith.constant 0 : index
    tpu.barrier barrier_id(%barrier3A)
    %scan3A = arith.constant 0 : i32
    %scan3A_3 = arith.constant 0 : i32
    %scan3A_4 = arith.constant 78 : i32
    %scan3A_5 = arith.addi %scan3A_3, %scan3A_4 : i32
    %scan3A_6 = arith.constant 1 : i32
    scf.for %scan3A_13 = %scan3A_3 to %scan3A_5 step %scan3A_6  : i32 {
      %mul3A_14 = arith.constant 10000 : i32
      %mul3A_15 = arith.muli %add3A, %mul3A_14 : i32
      %mul3A_16 = arith.constant 128 : i32
      %mul3A_17 = arith.muli %scan3A_13, %mul3A_16 : i32
      %add3A_18 = arith.addi %mul3A_15, %mul3A_17 : i32
      %multiple_of3A_19 = tpu.assume_multiple %add3A_18, 8 : i32
      "tpu.region"() ({
        %run_scoped3A = tpu.sem_alloc : memref<!tpu.dma_semaphore, #tpu.memory_space<semaphore_mem>>
        %dma_start3A = tpu.memref_slice %arg2[%multiple_of3A_19] : memref<320000xi32, #tpu.memory_space<hbm>> -> memref<128xi32, #tpu.memory_space<hbm>>
        %dma_start3A_20 = tpu.memref_slice %arg2[%multiple_of3A_19] : memref<320000xi32, #tpu.memory_space<hbm>> -> memref<128xi32, #tpu.memory_space<hbm>>
        tpu.enqueue_dma source(%dma_start3A_20 : memref<128xi32, #tpu.memory_space<hbm>>) target(%arg6 : memref<128xi32, #tpu.memory_space<vmem>>) target_semaphore(%run_scoped3A : memref<!tpu.dma_semaphore, #tpu.memory_space<semaphore_mem>>)
        %dma_wait3A = tpu.memref_slice %arg2[%multiple_of3A_19] : memref<320000xi32, #tpu.memory_space<hbm>> -> memref<128xi32, #tpu.memory_space<hbm>>
        %dma_wait3A_21 = tpu.memref_slice %arg2[%multiple_of3A_19] : memref<320000xi32, #tpu.memory_space<hbm>> -> memref<128xi32, #tpu.memory_space<hbm>>
        tpu.wait_dma2 semaphore(%run_scoped3A : memref<!tpu.dma_semaphore, #tpu.memory_space<semaphore_mem>>) src(%dma_wait3A_21 : memref<128xi32, #tpu.memory_space<hbm>>) dst(%arg6 : memref<128xi32, #tpu.memory_space<vmem>>)
        tpu.yield
      }) : () -> ()
      "tpu.region"() ({
        %run_scoped3A = tpu.sem_alloc : memref<!tpu.dma_semaphore, #tpu.memory_space<semaphore_mem>>
        %dma_start3A = arith.constant 0 : i32
        %dma_start3A_20 = arith.constant 0 : i32
        %dma_start3A_21 = tpu.memref_slice %arg9[%dma_start3A, %dma_start3A_20] : memref<10240x16xf32, #tpu.memory_space<vmem_shared>> -> memref<10240x16xf32, #tpu.memory_space<vmem_shared>>
        tpu.enqueue_indirect_dma source(%arg8 : memref<128x16xf32, #tpu.memory_space<vmem>>) target(%dma_start3A_21 : memref<10240x16xf32, #tpu.memory_space<vmem_shared>>) offsets(%arg6 : memref<128xi32, #tpu.memory_space<vmem>>) semaphore(%run_scoped3A : memref<!tpu.dma_semaphore, #tpu.memory_space<semaphore_mem>>) {add = true}
        %dma_wait3A = arith.constant 0 : i32
        %dma_wait3A_22 = arith.constant 0 : i32
        %dma_wait3A_23 = tpu.memref_slice %arg9[%dma_wait3A, %dma_wait3A_22] : memref<10240x16xf32, #tpu.memory_space<vmem_shared>> -> memref<10240x16xf32, #tpu.memory_space<vmem_shared>>
        tpu.wait_indirect_dma semaphore(%run_scoped3A : memref<!tpu.dma_semaphore, #tpu.memory_space<semaphore_mem>>) src(%arg8 : memref<128x16xf32, #tpu.memory_space<vmem>>) dst(%dma_wait3A_23 : memref<10240x16xf32, #tpu.memory_space<vmem_shared>>)
        tpu.yield
      }) : () -> ()
    }
    %scan3A_7 = arith.constant 78 : i32
    %mul3A_8 = arith.constant 10000 : i32
    %mul3A_9 = arith.muli %add3A, %mul3A_8 : i32
    %add3A_10 = arith.constant 9984 : i32
    %add3A_11 = arith.addi %mul3A_9, %add3A_10 : i32
    %multiple_of3A = tpu.assume_multiple %add3A_11, 8 : i32
    "tpu.region"() ({
      %run_scoped3A = tpu.sem_alloc : memref<!tpu.dma_semaphore, #tpu.memory_space<semaphore_mem>>
      %dma_start3A = tpu.memref_slice %arg2[%multiple_of3A] : memref<320000xi32, #tpu.memory_space<hbm>> -> memref<16xi32, #tpu.memory_space<hbm>>
      %dma_start3A_13 = tpu.memref_slice %arg2[%multiple_of3A] : memref<320000xi32, #tpu.memory_space<hbm>> -> memref<16xi32, #tpu.memory_space<hbm>>
      tpu.enqueue_dma source(%dma_start3A_13 : memref<16xi32, #tpu.memory_space<hbm>>) target(%arg7 : memref<16xi32, #tpu.memory_space<vmem>>) target_semaphore(%run_scoped3A : memref<!tpu.dma_semaphore, #tpu.memory_space<semaphore_mem>>)
      %dma_wait3A = tpu.memref_slice %arg2[%multiple_of3A] : memref<320000xi32, #tpu.memory_space<hbm>> -> memref<16xi32, #tpu.memory_space<hbm>>
      %dma_wait3A_14 = tpu.memref_slice %arg2[%multiple_of3A] : memref<320000xi32, #tpu.memory_space<hbm>> -> memref<16xi32, #tpu.memory_space<hbm>>
      tpu.wait_dma2 semaphore(%run_scoped3A : memref<!tpu.dma_semaphore, #tpu.memory_space<semaphore_mem>>) src(%dma_wait3A_14 : memref<16xi32, #tpu.memory_space<hbm>>) dst(%arg7 : memref<16xi32, #tpu.memory_space<vmem>>)
      tpu.yield
    }) : () -> ()
    "tpu.region"() ({
      %run_scoped3A = tpu.sem_alloc : memref<!tpu.dma_semaphore, #tpu.memory_space<semaphore_mem>>
      %dma_start3A = arith.constant 0 : i32
      %dma_start3A_13 = arith.constant 0 : i32
      %dma_start3A_14 = tpu.memref_slice %arg8[%dma_start3A, %dma_start3A_13] : memref<128x16xf32, #tpu.memory_space<vmem>> -> memref<16x16xf32, #tpu.memory_space<vmem>>
      %dma_start3A_15 = arith.constant 0 : i32
      %dma_start3A_16 = arith.constant 0 : i32
      %dma_start3A_17 = tpu.memref_slice %arg9[%dma_start3A_15, %dma_start3A_16] : memref<10240x16xf32, #tpu.memory_space<vmem_shared>> -> memref<10240x16xf32, #tpu.memory_space<vmem_shared>>
      tpu.enqueue_indirect_dma source(%dma_start3A_14 : memref<16x16xf32, #tpu.memory_space<vmem>>) target(%dma_start3A_17 : memref<10240x16xf32, #tpu.memory_space<vmem_shared>>) offsets(%arg7 : memref<16xi32, #tpu.memory_space<vmem>>) semaphore(%run_scoped3A : memref<!tpu.dma_semaphore, #tpu.memory_space<semaphore_mem>>) {add = true}
      %dma_wait3A = arith.constant 0 : i32
      %dma_wait3A_18 = arith.constant 0 : i32
      %dma_wait3A_19 = tpu.memref_slice %arg8[%dma_wait3A, %dma_wait3A_18] : memref<128x16xf32, #tpu.memory_space<vmem>> -> memref<16x16xf32, #tpu.memory_space<vmem>>
      %dma_wait3A_20 = arith.constant 0 : i32
      %dma_wait3A_21 = arith.constant 0 : i32
      %dma_wait3A_22 = tpu.memref_slice %arg9[%dma_wait3A_20, %dma_wait3A_21] : memref<10240x16xf32, #tpu.memory_space<vmem_shared>> -> memref<10240x16xf32, #tpu.memory_space<vmem_shared>>
      tpu.wait_indirect_dma semaphore(%run_scoped3A : memref<!tpu.dma_semaphore, #tpu.memory_space<semaphore_mem>>) src(%dma_wait3A_19 : memref<16x16xf32, #tpu.memory_space<vmem>>) dst(%dma_wait3A_22 : memref<10240x16xf32, #tpu.memory_space<vmem_shared>>)
      tpu.yield
    }) : () -> ()
    %barrier3A_12 = arith.constant 0 : index
    tpu.barrier barrier_id(%barrier3A_12)
    "tpu.region"() ({
      %run_scoped3A = tpu.sem_alloc : memref<!tpu.dma_semaphore, #tpu.memory_space<semaphore_mem>>
      %dma_start3A = arith.constant 0 : i32
      %dma_start3A_13 = tpu.memref_slice %arg5[%arg0, %mul3A_2, %dma_start3A] : memref<2x10240x16xf32, #tpu.memory_space<hbm>> -> memref<1x640x16xf32, #tpu.memory_space<hbm>>
      %dma_start3A_14 = tpu.memref_squeeze %dma_start3A_13 : memref<1x640x16xf32, #tpu.memory_space<hbm>> -> memref<640x16xf32, #tpu.memory_space<hbm>>
      %dma_start3A_15 = arith.constant 0 : i32
      %dma_start3A_16 = tpu.memref_slice %arg9[%mul3A_2, %dma_start3A_15] : memref<10240x16xf32, #tpu.memory_space<vmem_shared>> -> memref<640x16xf32, #tpu.memory_space<vmem_shared>>
      tpu.enqueue_dma source(%dma_start3A_16 : memref<640x16xf32, #tpu.memory_space<vmem_shared>>) target(%dma_start3A_14 : memref<640x16xf32, #tpu.memory_space<hbm>>) target_semaphore(%run_scoped3A : memref<!tpu.dma_semaphore, #tpu.memory_space<semaphore_mem>>)
      %dma_wait3A = arith.constant 0 : i32
      %dma_wait3A_17 = tpu.memref_slice %arg5[%arg0, %mul3A_2, %dma_wait3A] : memref<2x10240x16xf32, #tpu.memory_space<hbm>> -> memref<1x640x16xf32, #tpu.memory_space<hbm>>
      %dma_wait3A_18 = tpu.memref_squeeze %dma_wait3A_17 : memref<1x640x16xf32, #tpu.memory_space<hbm>> -> memref<640x16xf32, #tpu.memory_space<hbm>>
      %dma_wait3A_19 = arith.constant 0 : i32
      %dma_wait3A_20 = tpu.memref_slice %arg9[%mul3A_2, %dma_wait3A_19] : memref<10240x16xf32, #tpu.memory_space<vmem_shared>> -> memref<640x16xf32, #tpu.memory_space<vmem_shared>>
      tpu.wait_dma2 semaphore(%run_scoped3A : memref<!tpu.dma_semaphore, #tpu.memory_space<semaphore_mem>>) src(%dma_wait3A_20 : memref<640x16xf32, #tpu.memory_space<vmem_shared>>) dst(%dma_wait3A_18 : memref<640x16xf32, #tpu.memory_space<hbm>>)
      tpu.yield
    }) : () -> ()
    return
  }
}

#map = affine_map<(d0, d1) -> (0, 0)>
#map1 = affine_map<(d0, d1) -> (0)>
#map2 = affine_map<(d0, d1) -> (0, 0, 0)>
module attributes {stable_mosaic.version = 14 : i64} {
  func.func @_sc_scatter_body(%arg0: i32, %arg1: i32, %arg2: memref<10000x128xf32, #tpu.memory_space<hbm>>, %arg3: memref<320000xi32, #tpu.memory_space<hbm>>, %arg4: memref<320000xi32, #tpu.memory_space<hbm>>, %arg5: memref<640x128xf32, #tpu.memory_space<hbm>>, %arg6: memref<2x10240x128xf32, #tpu.memory_space<hbm>>, %arg7: memref<80xi32, #tpu.memory_space<vmem>>, %arg8: memref<80xi32, #tpu.memory_space<vmem>>, %arg9: memref<80xi32, #tpu.memory_space<vmem>>, %arg10: memref<80xi32, #tpu.memory_space<vmem>>, %arg11: memref<80xi32, #tpu.memory_space<vmem>>, %arg12: memref<80xi32, #tpu.memory_space<vmem>>, %arg13: memref<80x128xf32, #tpu.memory_space<vmem>>, %arg14: memref<80x128xf32, #tpu.memory_space<vmem>>, %arg15: memref<80x128xf32, #tpu.memory_space<vmem>>, %arg16: memref<10240x128xf32, #tpu.memory_space<vmem_shared>>, %arg17: memref<!tpu.dma_semaphore, #tpu.memory_space<semaphore_mem>>, %arg18: memref<!tpu.dma_semaphore, #tpu.memory_space<semaphore_mem>>, %arg19: memref<!tpu.dma_semaphore, #tpu.memory_space<semaphore_mem>>, %arg20: memref<!tpu.dma_semaphore, #tpu.memory_space<semaphore_mem>>, %arg21: memref<!tpu.dma_semaphore, #tpu.memory_space<semaphore_mem>>, %arg22: memref<!tpu.dma_semaphore, #tpu.memory_space<semaphore_mem>>, %arg23: memref<!tpu.dma_semaphore, #tpu.memory_space<semaphore_mem>>, %arg24: memref<!tpu.dma_semaphore, #tpu.memory_space<semaphore_mem>>, %arg25: memref<!tpu.dma_semaphore, #tpu.memory_space<semaphore_mem>>) attributes {dimension_semantics = [#tpu.dimension_semantics<core_parallel>, #tpu.dimension_semantics<subcore_parallel>], iteration_bounds = array<i64: 2, 16>, scalar_prefetch = 0 : i64, scratch_operands = 19 : i64, tpu.core_type = #tpu.core_type<sc_vector_subcore>, window_params = [{transform_indices = #map}, {transform_indices = #map1}, {transform_indices = #map1}, {transform_indices = #map}, {transform_indices = #map2}]} {
    %mul3A = arith.constant 2 : i32
    %mul3A_0 = arith.muli %arg1, %mul3A : i32
    %add3A = arith.addi %mul3A_0, %arg0 : i32
    %mul3A_1 = arith.constant 640 : i32
    %mul3A_2 = arith.muli %arg1, %mul3A_1 : i32
    "tpu.region"() ({
      %run_scoped3A = tpu.sem_alloc : memref<!tpu.dma_semaphore, #tpu.memory_space<semaphore_mem>>
      %dma_start3A_44 = arith.constant 0 : i32
      %dma_start3A_45 = tpu.memref_slice %arg16[%mul3A_2, %dma_start3A_44] : memref<10240x128xf32, #tpu.memory_space<vmem_shared>> -> memref<640x128xf32, #tpu.memory_space<vmem_shared>>
      tpu.enqueue_dma source(%arg5 : memref<640x128xf32, #tpu.memory_space<hbm>>) target(%dma_start3A_45 : memref<640x128xf32, #tpu.memory_space<vmem_shared>>) target_semaphore(%run_scoped3A : memref<!tpu.dma_semaphore, #tpu.memory_space<semaphore_mem>>)
      %dma_wait3A_46 = arith.constant 0 : i32
      %dma_wait3A_47 = tpu.memref_slice %arg16[%mul3A_2, %dma_wait3A_46] : memref<10240x128xf32, #tpu.memory_space<vmem_shared>> -> memref<640x128xf32, #tpu.memory_space<vmem_shared>>
      tpu.wait_dma2 semaphore(%run_scoped3A : memref<!tpu.dma_semaphore, #tpu.memory_space<semaphore_mem>>) src(%arg5 : memref<640x128xf32, #tpu.memory_space<hbm>>) dst(%dma_wait3A_47 : memref<640x128xf32, #tpu.memory_space<vmem_shared>>)
      tpu.yield
    }) : () -> ()
    %barrier3A = arith.constant 0 : index
    tpu.barrier barrier_id(%barrier3A)
    %scan3A = arith.constant 0 : i32
    %scan3A_3 = arith.constant 0 : i32
    %scan3A_4 = arith.constant 41 : i32
    %scan3A_5 = arith.addi %scan3A_3, %scan3A_4 : i32
    %scan3A_6 = arith.constant 1 : i32
    scf.for %scan3A_44 = %scan3A_3 to %scan3A_5 step %scan3A_6  : i32 {
      %mul3A_45 = arith.constant 3 : i32
      %mul3A_46 = arith.muli %scan3A_44, %mul3A_45 : i32
      %mul3A_47 = arith.constant 10000 : i32
      %mul3A_48 = arith.muli %add3A, %mul3A_47 : i32
      %add3A_49 = arith.constant 0 : i32
      %add3A_50 = arith.addi %mul3A_46, %add3A_49 : i32
      %mul3A_51 = arith.constant 80 : i32
      %mul3A_52 = arith.muli %add3A_50, %mul3A_51 : i32
      %add3A_53 = arith.addi %mul3A_48, %mul3A_52 : i32
      %multiple_of3A_54 = tpu.assume_multiple %add3A_53, 8 : i32
      %dma_start3A_55 = tpu.memref_slice %arg3[%multiple_of3A_54] : memref<320000xi32, #tpu.memory_space<hbm>> -> memref<80xi32, #tpu.memory_space<hbm>>
      %dma_start3A_56 = tpu.memref_slice %arg3[%multiple_of3A_54] : memref<320000xi32, #tpu.memory_space<hbm>> -> memref<80xi32, #tpu.memory_space<hbm>>
      tpu.enqueue_dma source(%dma_start3A_56 : memref<80xi32, #tpu.memory_space<hbm>>) target(%arg7 : memref<80xi32, #tpu.memory_space<vmem>>) target_semaphore(%arg17 : memref<!tpu.dma_semaphore, #tpu.memory_space<semaphore_mem>>)
      %dma_start3A_57 = tpu.memref_slice %arg4[%multiple_of3A_54] : memref<320000xi32, #tpu.memory_space<hbm>> -> memref<80xi32, #tpu.memory_space<hbm>>
      %dma_start3A_58 = tpu.memref_slice %arg4[%multiple_of3A_54] : memref<320000xi32, #tpu.memory_space<hbm>> -> memref<80xi32, #tpu.memory_space<hbm>>
      tpu.enqueue_dma source(%dma_start3A_58 : memref<80xi32, #tpu.memory_space<hbm>>) target(%arg10 : memref<80xi32, #tpu.memory_space<vmem>>) target_semaphore(%arg20 : memref<!tpu.dma_semaphore, #tpu.memory_space<semaphore_mem>>)
      %mul3A_59 = arith.constant 10000 : i32
      %mul3A_60 = arith.muli %add3A, %mul3A_59 : i32
      %add3A_61 = arith.constant 1 : i32
      %add3A_62 = arith.addi %mul3A_46, %add3A_61 : i32
      %mul3A_63 = arith.constant 80 : i32
      %mul3A_64 = arith.muli %add3A_62, %mul3A_63 : i32
      %add3A_65 = arith.addi %mul3A_60, %mul3A_64 : i32
      %multiple_of3A_66 = tpu.assume_multiple %add3A_65, 8 : i32
      %dma_start3A_67 = tpu.memref_slice %arg3[%multiple_of3A_66] : memref<320000xi32, #tpu.memory_space<hbm>> -> memref<80xi32, #tpu.memory_space<hbm>>
      %dma_start3A_68 = tpu.memref_slice %arg3[%multiple_of3A_66] : memref<320000xi32, #tpu.memory_space<hbm>> -> memref<80xi32, #tpu.memory_space<hbm>>
      tpu.enqueue_dma source(%dma_start3A_68 : memref<80xi32, #tpu.memory_space<hbm>>) target(%arg8 : memref<80xi32, #tpu.memory_space<vmem>>) target_semaphore(%arg18 : memref<!tpu.dma_semaphore, #tpu.memory_space<semaphore_mem>>)
      %dma_start3A_69 = tpu.memref_slice %arg4[%multiple_of3A_66] : memref<320000xi32, #tpu.memory_space<hbm>> -> memref<80xi32, #tpu.memory_space<hbm>>
      %dma_start3A_70 = tpu.memref_slice %arg4[%multiple_of3A_66] : memref<320000xi32, #tpu.memory_space<hbm>> -> memref<80xi32, #tpu.memory_space<hbm>>
      tpu.enqueue_dma source(%dma_start3A_70 : memref<80xi32, #tpu.memory_space<hbm>>) target(%arg11 : memref<80xi32, #tpu.memory_space<vmem>>) target_semaphore(%arg21 : memref<!tpu.dma_semaphore, #tpu.memory_space<semaphore_mem>>)
      %mul3A_71 = arith.constant 10000 : i32
      %mul3A_72 = arith.muli %add3A, %mul3A_71 : i32
      %add3A_73 = arith.constant 2 : i32
      %add3A_74 = arith.addi %mul3A_46, %add3A_73 : i32
      %mul3A_75 = arith.constant 80 : i32
      %mul3A_76 = arith.muli %add3A_74, %mul3A_75 : i32
      %add3A_77 = arith.addi %mul3A_72, %mul3A_76 : i32
      %multiple_of3A_78 = tpu.assume_multiple %add3A_77, 8 : i32
      %dma_start3A_79 = tpu.memref_slice %arg3[%multiple_of3A_78] : memref<320000xi32, #tpu.memory_space<hbm>> -> memref<80xi32, #tpu.memory_space<hbm>>
      %dma_start3A_80 = tpu.memref_slice %arg3[%multiple_of3A_78] : memref<320000xi32, #tpu.memory_space<hbm>> -> memref<80xi32, #tpu.memory_space<hbm>>
      tpu.enqueue_dma source(%dma_start3A_80 : memref<80xi32, #tpu.memory_space<hbm>>) target(%arg9 : memref<80xi32, #tpu.memory_space<vmem>>) target_semaphore(%arg19 : memref<!tpu.dma_semaphore, #tpu.memory_space<semaphore_mem>>)
      %dma_start3A_81 = tpu.memref_slice %arg4[%multiple_of3A_78] : memref<320000xi32, #tpu.memory_space<hbm>> -> memref<80xi32, #tpu.memory_space<hbm>>
      %dma_start3A_82 = tpu.memref_slice %arg4[%multiple_of3A_78] : memref<320000xi32, #tpu.memory_space<hbm>> -> memref<80xi32, #tpu.memory_space<hbm>>
      tpu.enqueue_dma source(%dma_start3A_82 : memref<80xi32, #tpu.memory_space<hbm>>) target(%arg12 : memref<80xi32, #tpu.memory_space<vmem>>) target_semaphore(%arg22 : memref<!tpu.dma_semaphore, #tpu.memory_space<semaphore_mem>>)
      %dma_wait3A_83 = tpu.memref_slice %arg3[%multiple_of3A_54] : memref<320000xi32, #tpu.memory_space<hbm>> -> memref<80xi32, #tpu.memory_space<hbm>>
      %dma_wait3A_84 = tpu.memref_slice %arg3[%multiple_of3A_54] : memref<320000xi32, #tpu.memory_space<hbm>> -> memref<80xi32, #tpu.memory_space<hbm>>
      tpu.wait_dma2 semaphore(%arg17 : memref<!tpu.dma_semaphore, #tpu.memory_space<semaphore_mem>>) src(%dma_wait3A_84 : memref<80xi32, #tpu.memory_space<hbm>>) dst(%arg7 : memref<80xi32, #tpu.memory_space<vmem>>)
      %dma_start3A_85 = arith.constant 0 : i32
      %dma_start3A_86 = arith.constant 0 : i32
      %dma_start3A_87 = tpu.memref_slice %arg2[%dma_start3A_85, %dma_start3A_86] : memref<10000x128xf32, #tpu.memory_space<hbm>> -> memref<10000x128xf32, #tpu.memory_space<hbm>>
      tpu.enqueue_indirect_dma source(%dma_start3A_87 : memref<10000x128xf32, #tpu.memory_space<hbm>>) target(%arg13 : memref<80x128xf32, #tpu.memory_space<vmem>>) offsets(%arg7 : memref<80xi32, #tpu.memory_space<vmem>>) semaphore(%arg23 : memref<!tpu.dma_semaphore, #tpu.memory_space<semaphore_mem>>)
      %dma_wait3A_88 = tpu.memref_slice %arg3[%multiple_of3A_66] : memref<320000xi32, #tpu.memory_space<hbm>> -> memref<80xi32, #tpu.memory_space<hbm>>
      %dma_wait3A_89 = tpu.memref_slice %arg3[%multiple_of3A_66] : memref<320000xi32, #tpu.memory_space<hbm>> -> memref<80xi32, #tpu.memory_space<hbm>>
      tpu.wait_dma2 semaphore(%arg18 : memref<!tpu.dma_semaphore, #tpu.memory_space<semaphore_mem>>) src(%dma_wait3A_89 : memref<80xi32, #tpu.memory_space<hbm>>) dst(%arg8 : memref<80xi32, #tpu.memory_space<vmem>>)
      %dma_start3A_90 = arith.constant 0 : i32
      %dma_start3A_91 = arith.constant 0 : i32
      %dma_start3A_92 = tpu.memref_slice %arg2[%dma_start3A_90, %dma_start3A_91] : memref<10000x128xf32, #tpu.memory_space<hbm>> -> memref<10000x128xf32, #tpu.memory_space<hbm>>
      tpu.enqueue_indirect_dma source(%dma_start3A_92 : memref<10000x128xf32, #tpu.memory_space<hbm>>) target(%arg14 : memref<80x128xf32, #tpu.memory_space<vmem>>) offsets(%arg8 : memref<80xi32, #tpu.memory_space<vmem>>) semaphore(%arg24 : memref<!tpu.dma_semaphore, #tpu.memory_space<semaphore_mem>>)
      %dma_wait3A_93 = tpu.memref_slice %arg3[%multiple_of3A_78] : memref<320000xi32, #tpu.memory_space<hbm>> -> memref<80xi32, #tpu.memory_space<hbm>>
      %dma_wait3A_94 = tpu.memref_slice %arg3[%multiple_of3A_78] : memref<320000xi32, #tpu.memory_space<hbm>> -> memref<80xi32, #tpu.memory_space<hbm>>
      tpu.wait_dma2 semaphore(%arg19 : memref<!tpu.dma_semaphore, #tpu.memory_space<semaphore_mem>>) src(%dma_wait3A_94 : memref<80xi32, #tpu.memory_space<hbm>>) dst(%arg9 : memref<80xi32, #tpu.memory_space<vmem>>)
      %dma_start3A_95 = arith.constant 0 : i32
      %dma_start3A_96 = arith.constant 0 : i32
      %dma_start3A_97 = tpu.memref_slice %arg2[%dma_start3A_95, %dma_start3A_96] : memref<10000x128xf32, #tpu.memory_space<hbm>> -> memref<10000x128xf32, #tpu.memory_space<hbm>>
      tpu.enqueue_indirect_dma source(%dma_start3A_97 : memref<10000x128xf32, #tpu.memory_space<hbm>>) target(%arg15 : memref<80x128xf32, #tpu.memory_space<vmem>>) offsets(%arg9 : memref<80xi32, #tpu.memory_space<vmem>>) semaphore(%arg25 : memref<!tpu.dma_semaphore, #tpu.memory_space<semaphore_mem>>)
      %dma_wait3A_98 = arith.constant 0 : i32
      %dma_wait3A_99 = arith.constant 0 : i32
      %dma_wait3A_100 = tpu.memref_slice %arg2[%dma_wait3A_98, %dma_wait3A_99] : memref<10000x128xf32, #tpu.memory_space<hbm>> -> memref<10000x128xf32, #tpu.memory_space<hbm>>
      tpu.wait_indirect_dma semaphore(%arg23 : memref<!tpu.dma_semaphore, #tpu.memory_space<semaphore_mem>>) src(%dma_wait3A_100 : memref<10000x128xf32, #tpu.memory_space<hbm>>) dst(%arg13 : memref<80x128xf32, #tpu.memory_space<vmem>>)
      %dma_wait3A_101 = tpu.memref_slice %arg4[%multiple_of3A_54] : memref<320000xi32, #tpu.memory_space<hbm>> -> memref<80xi32, #tpu.memory_space<hbm>>
      %dma_wait3A_102 = tpu.memref_slice %arg4[%multiple_of3A_54] : memref<320000xi32, #tpu.memory_space<hbm>> -> memref<80xi32, #tpu.memory_space<hbm>>
      tpu.wait_dma2 semaphore(%arg20 : memref<!tpu.dma_semaphore, #tpu.memory_space<semaphore_mem>>) src(%dma_wait3A_102 : memref<80xi32, #tpu.memory_space<hbm>>) dst(%arg10 : memref<80xi32, #tpu.memory_space<vmem>>)
      "tpu.region"() ({
        %run_scoped3A = tpu.sem_alloc : memref<!tpu.dma_semaphore, #tpu.memory_space<semaphore_mem>>
        %dma_start3A_113 = arith.constant 0 : i32
        %dma_start3A_114 = arith.constant 0 : i32
        %dma_start3A_115 = tpu.memref_slice %arg16[%dma_start3A_113, %dma_start3A_114] : memref<10240x128xf32, #tpu.memory_space<vmem_shared>> -> memref<10240x128xf32, #tpu.memory_space<vmem_shared>>
        tpu.enqueue_indirect_dma source(%arg13 : memref<80x128xf32, #tpu.memory_space<vmem>>) target(%dma_start3A_115 : memref<10240x128xf32, #tpu.memory_space<vmem_shared>>) offsets(%arg10 : memref<80xi32, #tpu.memory_space<vmem>>) semaphore(%run_scoped3A : memref<!tpu.dma_semaphore, #tpu.memory_space<semaphore_mem>>) {add = true}
        %dma_wait3A_116 = arith.constant 0 : i32
        %dma_wait3A_117 = arith.constant 0 : i32
        %dma_wait3A_118 = tpu.memref_slice %arg16[%dma_wait3A_116, %dma_wait3A_117] : memref<10240x128xf32, #tpu.memory_space<vmem_shared>> -> memref<10240x128xf32, #tpu.memory_space<vmem_shared>>
        tpu.wait_indirect_dma semaphore(%run_scoped3A : memref<!tpu.dma_semaphore, #tpu.memory_space<semaphore_mem>>) src(%arg13 : memref<80x128xf32, #tpu.memory_space<vmem>>) dst(%dma_wait3A_118 : memref<10240x128xf32, #tpu.memory_space<vmem_shared>>)
        tpu.yield
      }) : () -> ()
      %dma_wait3A_103 = arith.constant 0 : i32
      %dma_wait3A_104 = arith.constant 0 : i32
      %dma_wait3A_105 = tpu.memref_slice %arg2[%dma_wait3A_103, %dma_wait3A_104] : memref<10000x128xf32, #tpu.memory_space<hbm>> -> memref<10000x128xf32, #tpu.memory_space<hbm>>
      tpu.wait_indirect_dma semaphore(%arg24 : memref<!tpu.dma_semaphore, #tpu.memory_space<semaphore_mem>>) src(%dma_wait3A_105 : memref<10000x128xf32, #tpu.memory_space<hbm>>) dst(%arg14 : memref<80x128xf32, #tpu.memory_space<vmem>>)
      %dma_wait3A_106 = tpu.memref_slice %arg4[%multiple_of3A_66] : memref<320000xi32, #tpu.memory_space<hbm>> -> memref<80xi32, #tpu.memory_space<hbm>>
      %dma_wait3A_107 = tpu.memref_slice %arg4[%multiple_of3A_66] : memref<320000xi32, #tpu.memory_space<hbm>> -> memref<80xi32, #tpu.memory_space<hbm>>
      tpu.wait_dma2 semaphore(%arg21 : memref<!tpu.dma_semaphore, #tpu.memory_space<semaphore_mem>>) src(%dma_wait3A_107 : memref<80xi32, #tpu.memory_space<hbm>>) dst(%arg11 : memref<80xi32, #tpu.memory_space<vmem>>)
      "tpu.region"() ({
        %run_scoped3A = tpu.sem_alloc : memref<!tpu.dma_semaphore, #tpu.memory_space<semaphore_mem>>
        %dma_start3A_113 = arith.constant 0 : i32
        %dma_start3A_114 = arith.constant 0 : i32
        %dma_start3A_115 = tpu.memref_slice %arg16[%dma_start3A_113, %dma_start3A_114] : memref<10240x128xf32, #tpu.memory_space<vmem_shared>> -> memref<10240x128xf32, #tpu.memory_space<vmem_shared>>
        tpu.enqueue_indirect_dma source(%arg14 : memref<80x128xf32, #tpu.memory_space<vmem>>) target(%dma_start3A_115 : memref<10240x128xf32, #tpu.memory_space<vmem_shared>>) offsets(%arg11 : memref<80xi32, #tpu.memory_space<vmem>>) semaphore(%run_scoped3A : memref<!tpu.dma_semaphore, #tpu.memory_space<semaphore_mem>>) {add = true}
        %dma_wait3A_116 = arith.constant 0 : i32
        %dma_wait3A_117 = arith.constant 0 : i32
        %dma_wait3A_118 = tpu.memref_slice %arg16[%dma_wait3A_116, %dma_wait3A_117] : memref<10240x128xf32, #tpu.memory_space<vmem_shared>> -> memref<10240x128xf32, #tpu.memory_space<vmem_shared>>
        tpu.wait_indirect_dma semaphore(%run_scoped3A : memref<!tpu.dma_semaphore, #tpu.memory_space<semaphore_mem>>) src(%arg14 : memref<80x128xf32, #tpu.memory_space<vmem>>) dst(%dma_wait3A_118 : memref<10240x128xf32, #tpu.memory_space<vmem_shared>>)
        tpu.yield
      }) : () -> ()
      %dma_wait3A_108 = arith.constant 0 : i32
      %dma_wait3A_109 = arith.constant 0 : i32
      %dma_wait3A_110 = tpu.memref_slice %arg2[%dma_wait3A_108, %dma_wait3A_109] : memref<10000x128xf32, #tpu.memory_space<hbm>> -> memref<10000x128xf32, #tpu.memory_space<hbm>>
      tpu.wait_indirect_dma semaphore(%arg25 : memref<!tpu.dma_semaphore, #tpu.memory_space<semaphore_mem>>) src(%dma_wait3A_110 : memref<10000x128xf32, #tpu.memory_space<hbm>>) dst(%arg15 : memref<80x128xf32, #tpu.memory_space<vmem>>)
      %dma_wait3A_111 = tpu.memref_slice %arg4[%multiple_of3A_78] : memref<320000xi32, #tpu.memory_space<hbm>> -> memref<80xi32, #tpu.memory_space<hbm>>
      %dma_wait3A_112 = tpu.memref_slice %arg4[%multiple_of3A_78] : memref<320000xi32, #tpu.memory_space<hbm>> -> memref<80xi32, #tpu.memory_space<hbm>>
      tpu.wait_dma2 semaphore(%arg22 : memref<!tpu.dma_semaphore, #tpu.memory_space<semaphore_mem>>) src(%dma_wait3A_112 : memref<80xi32, #tpu.memory_space<hbm>>) dst(%arg12 : memref<80xi32, #tpu.memory_space<vmem>>)
      "tpu.region"() ({
        %run_scoped3A = tpu.sem_alloc : memref<!tpu.dma_semaphore, #tpu.memory_space<semaphore_mem>>
        %dma_start3A_113 = arith.constant 0 : i32
        %dma_start3A_114 = arith.constant 0 : i32
        %dma_start3A_115 = tpu.memref_slice %arg16[%dma_start3A_113, %dma_start3A_114] : memref<10240x128xf32, #tpu.memory_space<vmem_shared>> -> memref<10240x128xf32, #tpu.memory_space<vmem_shared>>
        tpu.enqueue_indirect_dma source(%arg15 : memref<80x128xf32, #tpu.memory_space<vmem>>) target(%dma_start3A_115 : memref<10240x128xf32, #tpu.memory_space<vmem_shared>>) offsets(%arg12 : memref<80xi32, #tpu.memory_space<vmem>>) semaphore(%run_scoped3A : memref<!tpu.dma_semaphore, #tpu.memory_space<semaphore_mem>>) {add = true}
        %dma_wait3A_116 = arith.constant 0 : i32
        %dma_wait3A_117 = arith.constant 0 : i32
        %dma_wait3A_118 = tpu.memref_slice %arg16[%dma_wait3A_116, %dma_wait3A_117] : memref<10240x128xf32, #tpu.memory_space<vmem_shared>> -> memref<10240x128xf32, #tpu.memory_space<vmem_shared>>
        tpu.wait_indirect_dma semaphore(%run_scoped3A : memref<!tpu.dma_semaphore, #tpu.memory_space<semaphore_mem>>) src(%arg15 : memref<80x128xf32, #tpu.memory_space<vmem>>) dst(%dma_wait3A_118 : memref<10240x128xf32, #tpu.memory_space<vmem_shared>>)
        tpu.yield
      }) : () -> ()
    }
    %scan3A_7 = arith.constant 41 : i32
    %mul3A_8 = arith.constant 10000 : i32
    %mul3A_9 = arith.muli %add3A, %mul3A_8 : i32
    %add3A_10 = arith.constant 9840 : i32
    %add3A_11 = arith.addi %mul3A_9, %add3A_10 : i32
    %multiple_of3A = tpu.assume_multiple %add3A_11, 8 : i32
    %dma_start3A = tpu.memref_slice %arg3[%multiple_of3A] : memref<320000xi32, #tpu.memory_space<hbm>> -> memref<80xi32, #tpu.memory_space<hbm>>
    %dma_start3A_12 = tpu.memref_slice %arg3[%multiple_of3A] : memref<320000xi32, #tpu.memory_space<hbm>> -> memref<80xi32, #tpu.memory_space<hbm>>
    tpu.enqueue_dma source(%dma_start3A_12 : memref<80xi32, #tpu.memory_space<hbm>>) target(%arg7 : memref<80xi32, #tpu.memory_space<vmem>>) target_semaphore(%arg17 : memref<!tpu.dma_semaphore, #tpu.memory_space<semaphore_mem>>)
    %dma_start3A_13 = tpu.memref_slice %arg4[%multiple_of3A] : memref<320000xi32, #tpu.memory_space<hbm>> -> memref<80xi32, #tpu.memory_space<hbm>>
    %dma_start3A_14 = tpu.memref_slice %arg4[%multiple_of3A] : memref<320000xi32, #tpu.memory_space<hbm>> -> memref<80xi32, #tpu.memory_space<hbm>>
    tpu.enqueue_dma source(%dma_start3A_14 : memref<80xi32, #tpu.memory_space<hbm>>) target(%arg10 : memref<80xi32, #tpu.memory_space<vmem>>) target_semaphore(%arg20 : memref<!tpu.dma_semaphore, #tpu.memory_space<semaphore_mem>>)
    %mul3A_15 = arith.constant 10000 : i32
    %mul3A_16 = arith.muli %add3A, %mul3A_15 : i32
    %add3A_17 = arith.constant 9920 : i32
    %add3A_18 = arith.addi %mul3A_16, %add3A_17 : i32
    %multiple_of3A_19 = tpu.assume_multiple %add3A_18, 8 : i32
    %dma_start3A_20 = tpu.memref_slice %arg3[%multiple_of3A_19] : memref<320000xi32, #tpu.memory_space<hbm>> -> memref<80xi32, #tpu.memory_space<hbm>>
    %dma_start3A_21 = tpu.memref_slice %arg3[%multiple_of3A_19] : memref<320000xi32, #tpu.memory_space<hbm>> -> memref<80xi32, #tpu.memory_space<hbm>>
    tpu.enqueue_dma source(%dma_start3A_21 : memref<80xi32, #tpu.memory_space<hbm>>) target(%arg8 : memref<80xi32, #tpu.memory_space<vmem>>) target_semaphore(%arg18 : memref<!tpu.dma_semaphore, #tpu.memory_space<semaphore_mem>>)
    %dma_start3A_22 = tpu.memref_slice %arg4[%multiple_of3A_19] : memref<320000xi32, #tpu.memory_space<hbm>> -> memref<80xi32, #tpu.memory_space<hbm>>
    %dma_start3A_23 = tpu.memref_slice %arg4[%multiple_of3A_19] : memref<320000xi32, #tpu.memory_space<hbm>> -> memref<80xi32, #tpu.memory_space<hbm>>
    tpu.enqueue_dma source(%dma_start3A_23 : memref<80xi32, #tpu.memory_space<hbm>>) target(%arg11 : memref<80xi32, #tpu.memory_space<vmem>>) target_semaphore(%arg21 : memref<!tpu.dma_semaphore, #tpu.memory_space<semaphore_mem>>)
    %dma_wait3A = tpu.memref_slice %arg3[%multiple_of3A] : memref<320000xi32, #tpu.memory_space<hbm>> -> memref<80xi32, #tpu.memory_space<hbm>>
    %dma_wait3A_24 = tpu.memref_slice %arg3[%multiple_of3A] : memref<320000xi32, #tpu.memory_space<hbm>> -> memref<80xi32, #tpu.memory_space<hbm>>
    tpu.wait_dma2 semaphore(%arg17 : memref<!tpu.dma_semaphore, #tpu.memory_space<semaphore_mem>>) src(%dma_wait3A_24 : memref<80xi32, #tpu.memory_space<hbm>>) dst(%arg7 : memref<80xi32, #tpu.memory_space<vmem>>)
    %dma_start3A_25 = arith.constant 0 : i32
    %dma_start3A_26 = arith.constant 0 : i32
    %dma_start3A_27 = tpu.memref_slice %arg2[%dma_start3A_25, %dma_start3A_26] : memref<10000x128xf32, #tpu.memory_space<hbm>> -> memref<10000x128xf32, #tpu.memory_space<hbm>>
    tpu.enqueue_indirect_dma source(%dma_start3A_27 : memref<10000x128xf32, #tpu.memory_space<hbm>>) target(%arg13 : memref<80x128xf32, #tpu.memory_space<vmem>>) offsets(%arg7 : memref<80xi32, #tpu.memory_space<vmem>>) semaphore(%arg23 : memref<!tpu.dma_semaphore, #tpu.memory_space<semaphore_mem>>)
    %dma_wait3A_28 = tpu.memref_slice %arg3[%multiple_of3A_19] : memref<320000xi32, #tpu.memory_space<hbm>> -> memref<80xi32, #tpu.memory_space<hbm>>
    %dma_wait3A_29 = tpu.memref_slice %arg3[%multiple_of3A_19] : memref<320000xi32, #tpu.memory_space<hbm>> -> memref<80xi32, #tpu.memory_space<hbm>>
    tpu.wait_dma2 semaphore(%arg18 : memref<!tpu.dma_semaphore, #tpu.memory_space<semaphore_mem>>) src(%dma_wait3A_29 : memref<80xi32, #tpu.memory_space<hbm>>) dst(%arg8 : memref<80xi32, #tpu.memory_space<vmem>>)
    %dma_start3A_30 = arith.constant 0 : i32
    %dma_start3A_31 = arith.constant 0 : i32
    %dma_start3A_32 = tpu.memref_slice %arg2[%dma_start3A_30, %dma_start3A_31] : memref<10000x128xf32, #tpu.memory_space<hbm>> -> memref<10000x128xf32, #tpu.memory_space<hbm>>
    tpu.enqueue_indirect_dma source(%dma_start3A_32 : memref<10000x128xf32, #tpu.memory_space<hbm>>) target(%arg14 : memref<80x128xf32, #tpu.memory_space<vmem>>) offsets(%arg8 : memref<80xi32, #tpu.memory_space<vmem>>) semaphore(%arg24 : memref<!tpu.dma_semaphore, #tpu.memory_space<semaphore_mem>>)
    %dma_wait3A_33 = arith.constant 0 : i32
    %dma_wait3A_34 = arith.constant 0 : i32
    %dma_wait3A_35 = tpu.memref_slice %arg2[%dma_wait3A_33, %dma_wait3A_34] : memref<10000x128xf32, #tpu.memory_space<hbm>> -> memref<10000x128xf32, #tpu.memory_space<hbm>>
    tpu.wait_indirect_dma semaphore(%arg23 : memref<!tpu.dma_semaphore, #tpu.memory_space<semaphore_mem>>) src(%dma_wait3A_35 : memref<10000x128xf32, #tpu.memory_space<hbm>>) dst(%arg13 : memref<80x128xf32, #tpu.memory_space<vmem>>)
    %dma_wait3A_36 = tpu.memref_slice %arg4[%multiple_of3A] : memref<320000xi32, #tpu.memory_space<hbm>> -> memref<80xi32, #tpu.memory_space<hbm>>
    %dma_wait3A_37 = tpu.memref_slice %arg4[%multiple_of3A] : memref<320000xi32, #tpu.memory_space<hbm>> -> memref<80xi32, #tpu.memory_space<hbm>>
    tpu.wait_dma2 semaphore(%arg20 : memref<!tpu.dma_semaphore, #tpu.memory_space<semaphore_mem>>) src(%dma_wait3A_37 : memref<80xi32, #tpu.memory_space<hbm>>) dst(%arg10 : memref<80xi32, #tpu.memory_space<vmem>>)
    "tpu.region"() ({
      %run_scoped3A = tpu.sem_alloc : memref<!tpu.dma_semaphore, #tpu.memory_space<semaphore_mem>>
      %dma_start3A_44 = arith.constant 0 : i32
      %dma_start3A_45 = arith.constant 0 : i32
      %dma_start3A_46 = tpu.memref_slice %arg16[%dma_start3A_44, %dma_start3A_45] : memref<10240x128xf32, #tpu.memory_space<vmem_shared>> -> memref<10240x128xf32, #tpu.memory_space<vmem_shared>>
      tpu.enqueue_indirect_dma source(%arg13 : memref<80x128xf32, #tpu.memory_space<vmem>>) target(%dma_start3A_46 : memref<10240x128xf32, #tpu.memory_space<vmem_shared>>) offsets(%arg10 : memref<80xi32, #tpu.memory_space<vmem>>) semaphore(%run_scoped3A : memref<!tpu.dma_semaphore, #tpu.memory_space<semaphore_mem>>) {add = true}
      %dma_wait3A_47 = arith.constant 0 : i32
      %dma_wait3A_48 = arith.constant 0 : i32
      %dma_wait3A_49 = tpu.memref_slice %arg16[%dma_wait3A_47, %dma_wait3A_48] : memref<10240x128xf32, #tpu.memory_space<vmem_shared>> -> memref<10240x128xf32, #tpu.memory_space<vmem_shared>>
      tpu.wait_indirect_dma semaphore(%run_scoped3A : memref<!tpu.dma_semaphore, #tpu.memory_space<semaphore_mem>>) src(%arg13 : memref<80x128xf32, #tpu.memory_space<vmem>>) dst(%dma_wait3A_49 : memref<10240x128xf32, #tpu.memory_space<vmem_shared>>)
      tpu.yield
    }) : () -> ()
    %dma_wait3A_38 = arith.constant 0 : i32
    %dma_wait3A_39 = arith.constant 0 : i32
    %dma_wait3A_40 = tpu.memref_slice %arg2[%dma_wait3A_38, %dma_wait3A_39] : memref<10000x128xf32, #tpu.memory_space<hbm>> -> memref<10000x128xf32, #tpu.memory_space<hbm>>
    tpu.wait_indirect_dma semaphore(%arg24 : memref<!tpu.dma_semaphore, #tpu.memory_space<semaphore_mem>>) src(%dma_wait3A_40 : memref<10000x128xf32, #tpu.memory_space<hbm>>) dst(%arg14 : memref<80x128xf32, #tpu.memory_space<vmem>>)
    %dma_wait3A_41 = tpu.memref_slice %arg4[%multiple_of3A_19] : memref<320000xi32, #tpu.memory_space<hbm>> -> memref<80xi32, #tpu.memory_space<hbm>>
    %dma_wait3A_42 = tpu.memref_slice %arg4[%multiple_of3A_19] : memref<320000xi32, #tpu.memory_space<hbm>> -> memref<80xi32, #tpu.memory_space<hbm>>
    tpu.wait_dma2 semaphore(%arg21 : memref<!tpu.dma_semaphore, #tpu.memory_space<semaphore_mem>>) src(%dma_wait3A_42 : memref<80xi32, #tpu.memory_space<hbm>>) dst(%arg11 : memref<80xi32, #tpu.memory_space<vmem>>)
    "tpu.region"() ({
      %run_scoped3A = tpu.sem_alloc : memref<!tpu.dma_semaphore, #tpu.memory_space<semaphore_mem>>
      %dma_start3A_44 = arith.constant 0 : i32
      %dma_start3A_45 = arith.constant 0 : i32
      %dma_start3A_46 = tpu.memref_slice %arg16[%dma_start3A_44, %dma_start3A_45] : memref<10240x128xf32, #tpu.memory_space<vmem_shared>> -> memref<10240x128xf32, #tpu.memory_space<vmem_shared>>
      tpu.enqueue_indirect_dma source(%arg14 : memref<80x128xf32, #tpu.memory_space<vmem>>) target(%dma_start3A_46 : memref<10240x128xf32, #tpu.memory_space<vmem_shared>>) offsets(%arg11 : memref<80xi32, #tpu.memory_space<vmem>>) semaphore(%run_scoped3A : memref<!tpu.dma_semaphore, #tpu.memory_space<semaphore_mem>>) {add = true}
      %dma_wait3A_47 = arith.constant 0 : i32
      %dma_wait3A_48 = arith.constant 0 : i32
      %dma_wait3A_49 = tpu.memref_slice %arg16[%dma_wait3A_47, %dma_wait3A_48] : memref<10240x128xf32, #tpu.memory_space<vmem_shared>> -> memref<10240x128xf32, #tpu.memory_space<vmem_shared>>
      tpu.wait_indirect_dma semaphore(%run_scoped3A : memref<!tpu.dma_semaphore, #tpu.memory_space<semaphore_mem>>) src(%arg14 : memref<80x128xf32, #tpu.memory_space<vmem>>) dst(%dma_wait3A_49 : memref<10240x128xf32, #tpu.memory_space<vmem_shared>>)
      tpu.yield
    }) : () -> ()
    %barrier3A_43 = arith.constant 0 : index
    tpu.barrier barrier_id(%barrier3A_43)
    "tpu.region"() ({
      %run_scoped3A = tpu.sem_alloc : memref<!tpu.dma_semaphore, #tpu.memory_space<semaphore_mem>>
      %dma_start3A_44 = arith.constant 0 : i32
      %dma_start3A_45 = tpu.memref_slice %arg6[%arg0, %mul3A_2, %dma_start3A_44] : memref<2x10240x128xf32, #tpu.memory_space<hbm>> -> memref<1x640x128xf32, #tpu.memory_space<hbm>>
      %dma_start3A_46 = tpu.memref_squeeze %dma_start3A_45 : memref<1x640x128xf32, #tpu.memory_space<hbm>> -> memref<640x128xf32, #tpu.memory_space<hbm>>
      %dma_start3A_47 = arith.constant 0 : i32
      %dma_start3A_48 = tpu.memref_slice %arg16[%mul3A_2, %dma_start3A_47] : memref<10240x128xf32, #tpu.memory_space<vmem_shared>> -> memref<640x128xf32, #tpu.memory_space<vmem_shared>>
      tpu.enqueue_dma source(%dma_start3A_48 : memref<640x128xf32, #tpu.memory_space<vmem_shared>>) target(%dma_start3A_46 : memref<640x128xf32, #tpu.memory_space<hbm>>) target_semaphore(%run_scoped3A : memref<!tpu.dma_semaphore, #tpu.memory_space<semaphore_mem>>)
      %dma_wait3A_49 = arith.constant 0 : i32
      %dma_wait3A_50 = tpu.memref_slice %arg6[%arg0, %mul3A_2, %dma_wait3A_49] : memref<2x10240x128xf32, #tpu.memory_space<hbm>> -> memref<1x640x128xf32, #tpu.memory_space<hbm>>
      %dma_wait3A_51 = tpu.memref_squeeze %dma_wait3A_50 : memref<1x640x128xf32, #tpu.memory_space<hbm>> -> memref<640x128xf32, #tpu.memory_space<hbm>>
      %dma_wait3A_52 = arith.constant 0 : i32
      %dma_wait3A_53 = tpu.memref_slice %arg16[%mul3A_2, %dma_wait3A_52] : memref<10240x128xf32, #tpu.memory_space<vmem_shared>> -> memref<640x128xf32, #tpu.memory_space<vmem_shared>>
      tpu.wait_dma2 semaphore(%run_scoped3A : memref<!tpu.dma_semaphore, #tpu.memory_space<semaphore_mem>>) src(%dma_wait3A_53 : memref<640x128xf32, #tpu.memory_space<vmem_shared>>) dst(%dma_wait3A_51 : memref<640x128xf32, #tpu.memory_space<hbm>>)
      tpu.yield
    }) : () -> ()
    return
  }
}

#map = affine_map<(d0, d1) -> (0, 0)>
#map1 = affine_map<(d0, d1) -> (0)>
#map2 = affine_map<(d0, d1) -> (0, 0, 0)>
module attributes {stable_mosaic.version = 14 : i64} {
  func.func @_sc_scatter_body(%arg0: i32, %arg1: i32, %arg2: memref<10000x128xf32, #tpu.memory_space<hbm>>, %arg3: memref<320000xi32, #tpu.memory_space<hbm>>, %arg4: memref<320000xi32, #tpu.memory_space<hbm>>, %arg5: memref<640x128xf32, #tpu.memory_space<hbm>>, %arg6: memref<2x10240x128xf32, #tpu.memory_space<hbm>>, %arg7: memref<80xi32, #tpu.memory_space<vmem>>, %arg8: memref<80xi32, #tpu.memory_space<vmem>>, %arg9: memref<80xi32, #tpu.memory_space<vmem>>, %arg10: memref<80xi32, #tpu.memory_space<vmem>>, %arg11: memref<80xi32, #tpu.memory_space<vmem>>, %arg12: memref<80xi32, #tpu.memory_space<vmem>>, %arg13: memref<80x128xf32, #tpu.memory_space<vmem>>, %arg14: memref<80x128xf32, #tpu.memory_space<vmem>>, %arg15: memref<80x128xf32, #tpu.memory_space<vmem>>, %arg16: memref<10240x128xf32, #tpu.memory_space<vmem_shared>>, %arg17: memref<!tpu.dma_semaphore, #tpu.memory_space<semaphore_mem>>, %arg18: memref<!tpu.dma_semaphore, #tpu.memory_space<semaphore_mem>>, %arg19: memref<!tpu.dma_semaphore, #tpu.memory_space<semaphore_mem>>, %arg20: memref<!tpu.dma_semaphore, #tpu.memory_space<semaphore_mem>>, %arg21: memref<!tpu.dma_semaphore, #tpu.memory_space<semaphore_mem>>, %arg22: memref<!tpu.dma_semaphore, #tpu.memory_space<semaphore_mem>>, %arg23: memref<!tpu.dma_semaphore, #tpu.memory_space<semaphore_mem>>, %arg24: memref<!tpu.dma_semaphore, #tpu.memory_space<semaphore_mem>>, %arg25: memref<!tpu.dma_semaphore, #tpu.memory_space<semaphore_mem>>) attributes {dimension_semantics = [#tpu.dimension_semantics<core_parallel>, #tpu.dimension_semantics<subcore_parallel>], iteration_bounds = array<i64: 2, 16>, scalar_prefetch = 0 : i64, scratch_operands = 19 : i64, tpu.core_type = #tpu.core_type<sc_vector_subcore>, window_params = [{transform_indices = #map}, {transform_indices = #map1}, {transform_indices = #map1}, {transform_indices = #map}, {transform_indices = #map2}]} {
    %mul3A = arith.constant 2 : i32
    %mul3A_0 = arith.muli %arg1, %mul3A : i32
    %add3A = arith.addi %mul3A_0, %arg0 : i32
    %mul3A_1 = arith.constant 640 : i32
    %mul3A_2 = arith.muli %arg1, %mul3A_1 : i32
    "tpu.region"() ({
      %run_scoped3A = tpu.sem_alloc : memref<!tpu.dma_semaphore, #tpu.memory_space<semaphore_mem>>
      %dma_start3A_44 = arith.constant 0 : i32
      %dma_start3A_45 = tpu.memref_slice %arg16[%mul3A_2, %dma_start3A_44] : memref<10240x128xf32, #tpu.memory_space<vmem_shared>> -> memref<640x128xf32, #tpu.memory_space<vmem_shared>>
      tpu.enqueue_dma source(%arg5 : memref<640x128xf32, #tpu.memory_space<hbm>>) target(%dma_start3A_45 : memref<640x128xf32, #tpu.memory_space<vmem_shared>>) target_semaphore(%run_scoped3A : memref<!tpu.dma_semaphore, #tpu.memory_space<semaphore_mem>>)
      %dma_wait3A_46 = arith.constant 0 : i32
      %dma_wait3A_47 = tpu.memref_slice %arg16[%mul3A_2, %dma_wait3A_46] : memref<10240x128xf32, #tpu.memory_space<vmem_shared>> -> memref<640x128xf32, #tpu.memory_space<vmem_shared>>
      tpu.wait_dma2 semaphore(%run_scoped3A : memref<!tpu.dma_semaphore, #tpu.memory_space<semaphore_mem>>) src(%arg5 : memref<640x128xf32, #tpu.memory_space<hbm>>) dst(%dma_wait3A_47 : memref<640x128xf32, #tpu.memory_space<vmem_shared>>)
      tpu.yield
    }) : () -> ()
    %barrier3A = arith.constant 0 : index
    tpu.barrier barrier_id(%barrier3A)
    %scan3A = arith.constant 0 : i32
    %scan3A_3 = arith.constant 0 : i32
    %scan3A_4 = arith.constant 41 : i32
    %scan3A_5 = arith.addi %scan3A_3, %scan3A_4 : i32
    %scan3A_6 = arith.constant 1 : i32
    scf.for %scan3A_44 = %scan3A_3 to %scan3A_5 step %scan3A_6  : i32 {
      %mul3A_45 = arith.constant 3 : i32
      %mul3A_46 = arith.muli %scan3A_44, %mul3A_45 : i32
      %mul3A_47 = arith.constant 10000 : i32
      %mul3A_48 = arith.muli %add3A, %mul3A_47 : i32
      %add3A_49 = arith.constant 0 : i32
      %add3A_50 = arith.addi %mul3A_46, %add3A_49 : i32
      %mul3A_51 = arith.constant 80 : i32
      %mul3A_52 = arith.muli %add3A_50, %mul3A_51 : i32
      %add3A_53 = arith.addi %mul3A_48, %mul3A_52 : i32
      %multiple_of3A_54 = tpu.assume_multiple %add3A_53, 8 : i32
      %dma_start3A_55 = tpu.memref_slice %arg3[%multiple_of3A_54] : memref<320000xi32, #tpu.memory_space<hbm>> -> memref<80xi32, #tpu.memory_space<hbm>>
      %dma_start3A_56 = tpu.memref_slice %arg3[%multiple_of3A_54] : memref<320000xi32, #tpu.memory_space<hbm>> -> memref<80xi32, #tpu.memory_space<hbm>>
      tpu.enqueue_dma source(%dma_start3A_56 : memref<80xi32, #tpu.memory_space<hbm>>) target(%arg7 : memref<80xi32, #tpu.memory_space<vmem>>) target_semaphore(%arg17 : memref<!tpu.dma_semaphore, #tpu.memory_space<semaphore_mem>>)
      %dma_start3A_57 = tpu.memref_slice %arg4[%multiple_of3A_54] : memref<320000xi32, #tpu.memory_space<hbm>> -> memref<80xi32, #tpu.memory_space<hbm>>
      %dma_start3A_58 = tpu.memref_slice %arg4[%multiple_of3A_54] : memref<320000xi32, #tpu.memory_space<hbm>> -> memref<80xi32, #tpu.memory_space<hbm>>
      tpu.enqueue_dma source(%dma_start3A_58 : memref<80xi32, #tpu.memory_space<hbm>>) target(%arg10 : memref<80xi32, #tpu.memory_space<vmem>>) target_semaphore(%arg20 : memref<!tpu.dma_semaphore, #tpu.memory_space<semaphore_mem>>)
      %mul3A_59 = arith.constant 10000 : i32
      %mul3A_60 = arith.muli %add3A, %mul3A_59 : i32
      %add3A_61 = arith.constant 1 : i32
      %add3A_62 = arith.addi %mul3A_46, %add3A_61 : i32
      %mul3A_63 = arith.constant 80 : i32
      %mul3A_64 = arith.muli %add3A_62, %mul3A_63 : i32
      %add3A_65 = arith.addi %mul3A_60, %mul3A_64 : i32
      %multiple_of3A_66 = tpu.assume_multiple %add3A_65, 8 : i32
      %dma_start3A_67 = tpu.memref_slice %arg3[%multiple_of3A_66] : memref<320000xi32, #tpu.memory_space<hbm>> -> memref<80xi32, #tpu.memory_space<hbm>>
      %dma_start3A_68 = tpu.memref_slice %arg3[%multiple_of3A_66] : memref<320000xi32, #tpu.memory_space<hbm>> -> memref<80xi32, #tpu.memory_space<hbm>>
      tpu.enqueue_dma source(%dma_start3A_68 : memref<80xi32, #tpu.memory_space<hbm>>) target(%arg8 : memref<80xi32, #tpu.memory_space<vmem>>) target_semaphore(%arg18 : memref<!tpu.dma_semaphore, #tpu.memory_space<semaphore_mem>>)
      %dma_start3A_69 = tpu.memref_slice %arg4[%multiple_of3A_66] : memref<320000xi32, #tpu.memory_space<hbm>> -> memref<80xi32, #tpu.memory_space<hbm>>
      %dma_start3A_70 = tpu.memref_slice %arg4[%multiple_of3A_66] : memref<320000xi32, #tpu.memory_space<hbm>> -> memref<80xi32, #tpu.memory_space<hbm>>
      tpu.enqueue_dma source(%dma_start3A_70 : memref<80xi32, #tpu.memory_space<hbm>>) target(%arg11 : memref<80xi32, #tpu.memory_space<vmem>>) target_semaphore(%arg21 : memref<!tpu.dma_semaphore, #tpu.memory_space<semaphore_mem>>)
      %mul3A_71 = arith.constant 10000 : i32
      %mul3A_72 = arith.muli %add3A, %mul3A_71 : i32
      %add3A_73 = arith.constant 2 : i32
      %add3A_74 = arith.addi %mul3A_46, %add3A_73 : i32
      %mul3A_75 = arith.constant 80 : i32
      %mul3A_76 = arith.muli %add3A_74, %mul3A_75 : i32
      %add3A_77 = arith.addi %mul3A_72, %mul3A_76 : i32
      %multiple_of3A_78 = tpu.assume_multiple %add3A_77, 8 : i32
      %dma_start3A_79 = tpu.memref_slice %arg3[%multiple_of3A_78] : memref<320000xi32, #tpu.memory_space<hbm>> -> memref<80xi32, #tpu.memory_space<hbm>>
      %dma_start3A_80 = tpu.memref_slice %arg3[%multiple_of3A_78] : memref<320000xi32, #tpu.memory_space<hbm>> -> memref<80xi32, #tpu.memory_space<hbm>>
      tpu.enqueue_dma source(%dma_start3A_80 : memref<80xi32, #tpu.memory_space<hbm>>) target(%arg9 : memref<80xi32, #tpu.memory_space<vmem>>) target_semaphore(%arg19 : memref<!tpu.dma_semaphore, #tpu.memory_space<semaphore_mem>>)
      %dma_start3A_81 = tpu.memref_slice %arg4[%multiple_of3A_78] : memref<320000xi32, #tpu.memory_space<hbm>> -> memref<80xi32, #tpu.memory_space<hbm>>
      %dma_start3A_82 = tpu.memref_slice %arg4[%multiple_of3A_78] : memref<320000xi32, #tpu.memory_space<hbm>> -> memref<80xi32, #tpu.memory_space<hbm>>
      tpu.enqueue_dma source(%dma_start3A_82 : memref<80xi32, #tpu.memory_space<hbm>>) target(%arg12 : memref<80xi32, #tpu.memory_space<vmem>>) target_semaphore(%arg22 : memref<!tpu.dma_semaphore, #tpu.memory_space<semaphore_mem>>)
      %dma_wait3A_83 = tpu.memref_slice %arg3[%multiple_of3A_54] : memref<320000xi32, #tpu.memory_space<hbm>> -> memref<80xi32, #tpu.memory_space<hbm>>
      %dma_wait3A_84 = tpu.memref_slice %arg3[%multiple_of3A_54] : memref<320000xi32, #tpu.memory_space<hbm>> -> memref<80xi32, #tpu.memory_space<hbm>>
      tpu.wait_dma2 semaphore(%arg17 : memref<!tpu.dma_semaphore, #tpu.memory_space<semaphore_mem>>) src(%dma_wait3A_84 : memref<80xi32, #tpu.memory_space<hbm>>) dst(%arg7 : memref<80xi32, #tpu.memory_space<vmem>>)
      %dma_start3A_85 = arith.constant 0 : i32
      %dma_start3A_86 = arith.constant 0 : i32
      %dma_start3A_87 = tpu.memref_slice %arg2[%dma_start3A_85, %dma_start3A_86] : memref<10000x128xf32, #tpu.memory_space<hbm>> -> memref<10000x128xf32, #tpu.memory_space<hbm>>
      tpu.enqueue_indirect_dma source(%dma_start3A_87 : memref<10000x128xf32, #tpu.memory_space<hbm>>) target(%arg13 : memref<80x128xf32, #tpu.memory_space<vmem>>) offsets(%arg7 : memref<80xi32, #tpu.memory_space<vmem>>) semaphore(%arg23 : memref<!tpu.dma_semaphore, #tpu.memory_space<semaphore_mem>>)
      %dma_wait3A_88 = tpu.memref_slice %arg3[%multiple_of3A_66] : memref<320000xi32, #tpu.memory_space<hbm>> -> memref<80xi32, #tpu.memory_space<hbm>>
      %dma_wait3A_89 = tpu.memref_slice %arg3[%multiple_of3A_66] : memref<320000xi32, #tpu.memory_space<hbm>> -> memref<80xi32, #tpu.memory_space<hbm>>
      tpu.wait_dma2 semaphore(%arg18 : memref<!tpu.dma_semaphore, #tpu.memory_space<semaphore_mem>>) src(%dma_wait3A_89 : memref<80xi32, #tpu.memory_space<hbm>>) dst(%arg8 : memref<80xi32, #tpu.memory_space<vmem>>)
      %dma_start3A_90 = arith.constant 0 : i32
      %dma_start3A_91 = arith.constant 0 : i32
      %dma_start3A_92 = tpu.memref_slice %arg2[%dma_start3A_90, %dma_start3A_91] : memref<10000x128xf32, #tpu.memory_space<hbm>> -> memref<10000x128xf32, #tpu.memory_space<hbm>>
      tpu.enqueue_indirect_dma source(%dma_start3A_92 : memref<10000x128xf32, #tpu.memory_space<hbm>>) target(%arg14 : memref<80x128xf32, #tpu.memory_space<vmem>>) offsets(%arg8 : memref<80xi32, #tpu.memory_space<vmem>>) semaphore(%arg24 : memref<!tpu.dma_semaphore, #tpu.memory_space<semaphore_mem>>)
      %dma_wait3A_93 = tpu.memref_slice %arg3[%multiple_of3A_78] : memref<320000xi32, #tpu.memory_space<hbm>> -> memref<80xi32, #tpu.memory_space<hbm>>
      %dma_wait3A_94 = tpu.memref_slice %arg3[%multiple_of3A_78] : memref<320000xi32, #tpu.memory_space<hbm>> -> memref<80xi32, #tpu.memory_space<hbm>>
      tpu.wait_dma2 semaphore(%arg19 : memref<!tpu.dma_semaphore, #tpu.memory_space<semaphore_mem>>) src(%dma_wait3A_94 : memref<80xi32, #tpu.memory_space<hbm>>) dst(%arg9 : memref<80xi32, #tpu.memory_space<vmem>>)
      %dma_start3A_95 = arith.constant 0 : i32
      %dma_start3A_96 = arith.constant 0 : i32
      %dma_start3A_97 = tpu.memref_slice %arg2[%dma_start3A_95, %dma_start3A_96] : memref<10000x128xf32, #tpu.memory_space<hbm>> -> memref<10000x128xf32, #tpu.memory_space<hbm>>
      tpu.enqueue_indirect_dma source(%dma_start3A_97 : memref<10000x128xf32, #tpu.memory_space<hbm>>) target(%arg15 : memref<80x128xf32, #tpu.memory_space<vmem>>) offsets(%arg9 : memref<80xi32, #tpu.memory_space<vmem>>) semaphore(%arg25 : memref<!tpu.dma_semaphore, #tpu.memory_space<semaphore_mem>>)
      %dma_wait3A_98 = arith.constant 0 : i32
      %dma_wait3A_99 = arith.constant 0 : i32
      %dma_wait3A_100 = tpu.memref_slice %arg2[%dma_wait3A_98, %dma_wait3A_99] : memref<10000x128xf32, #tpu.memory_space<hbm>> -> memref<10000x128xf32, #tpu.memory_space<hbm>>
      tpu.wait_indirect_dma semaphore(%arg23 : memref<!tpu.dma_semaphore, #tpu.memory_space<semaphore_mem>>) src(%dma_wait3A_100 : memref<10000x128xf32, #tpu.memory_space<hbm>>) dst(%arg13 : memref<80x128xf32, #tpu.memory_space<vmem>>)
      %dma_wait3A_101 = tpu.memref_slice %arg4[%multiple_of3A_54] : memref<320000xi32, #tpu.memory_space<hbm>> -> memref<80xi32, #tpu.memory_space<hbm>>
      %dma_wait3A_102 = tpu.memref_slice %arg4[%multiple_of3A_54] : memref<320000xi32, #tpu.memory_space<hbm>> -> memref<80xi32, #tpu.memory_space<hbm>>
      tpu.wait_dma2 semaphore(%arg20 : memref<!tpu.dma_semaphore, #tpu.memory_space<semaphore_mem>>) src(%dma_wait3A_102 : memref<80xi32, #tpu.memory_space<hbm>>) dst(%arg10 : memref<80xi32, #tpu.memory_space<vmem>>)
      "tpu.region"() ({
        %run_scoped3A = tpu.sem_alloc : memref<!tpu.dma_semaphore, #tpu.memory_space<semaphore_mem>>
        %dma_start3A_113 = arith.constant 0 : i32
        %dma_start3A_114 = arith.constant 0 : i32
        %dma_start3A_115 = tpu.memref_slice %arg16[%dma_start3A_113, %dma_start3A_114] : memref<10240x128xf32, #tpu.memory_space<vmem_shared>> -> memref<10240x128xf32, #tpu.memory_space<vmem_shared>>
        tpu.enqueue_indirect_dma source(%arg13 : memref<80x128xf32, #tpu.memory_space<vmem>>) target(%dma_start3A_115 : memref<10240x128xf32, #tpu.memory_space<vmem_shared>>) offsets(%arg10 : memref<80xi32, #tpu.memory_space<vmem>>) semaphore(%run_scoped3A : memref<!tpu.dma_semaphore, #tpu.memory_space<semaphore_mem>>) {add = true}
        %dma_wait3A_116 = arith.constant 0 : i32
        %dma_wait3A_117 = arith.constant 0 : i32
        %dma_wait3A_118 = tpu.memref_slice %arg16[%dma_wait3A_116, %dma_wait3A_117] : memref<10240x128xf32, #tpu.memory_space<vmem_shared>> -> memref<10240x128xf32, #tpu.memory_space<vmem_shared>>
        tpu.wait_indirect_dma semaphore(%run_scoped3A : memref<!tpu.dma_semaphore, #tpu.memory_space<semaphore_mem>>) src(%arg13 : memref<80x128xf32, #tpu.memory_space<vmem>>) dst(%dma_wait3A_118 : memref<10240x128xf32, #tpu.memory_space<vmem_shared>>)
        tpu.yield
      }) : () -> ()
      %dma_wait3A_103 = arith.constant 0 : i32
      %dma_wait3A_104 = arith.constant 0 : i32
      %dma_wait3A_105 = tpu.memref_slice %arg2[%dma_wait3A_103, %dma_wait3A_104] : memref<10000x128xf32, #tpu.memory_space<hbm>> -> memref<10000x128xf32, #tpu.memory_space<hbm>>
      tpu.wait_indirect_dma semaphore(%arg24 : memref<!tpu.dma_semaphore, #tpu.memory_space<semaphore_mem>>) src(%dma_wait3A_105 : memref<10000x128xf32, #tpu.memory_space<hbm>>) dst(%arg14 : memref<80x128xf32, #tpu.memory_space<vmem>>)
      %dma_wait3A_106 = tpu.memref_slice %arg4[%multiple_of3A_66] : memref<320000xi32, #tpu.memory_space<hbm>> -> memref<80xi32, #tpu.memory_space<hbm>>
      %dma_wait3A_107 = tpu.memref_slice %arg4[%multiple_of3A_66] : memref<320000xi32, #tpu.memory_space<hbm>> -> memref<80xi32, #tpu.memory_space<hbm>>
      tpu.wait_dma2 semaphore(%arg21 : memref<!tpu.dma_semaphore, #tpu.memory_space<semaphore_mem>>) src(%dma_wait3A_107 : memref<80xi32, #tpu.memory_space<hbm>>) dst(%arg11 : memref<80xi32, #tpu.memory_space<vmem>>)
      "tpu.region"() ({
        %run_scoped3A = tpu.sem_alloc : memref<!tpu.dma_semaphore, #tpu.memory_space<semaphore_mem>>
        %dma_start3A_113 = arith.constant 0 : i32
        %dma_start3A_114 = arith.constant 0 : i32
        %dma_start3A_115 = tpu.memref_slice %arg16[%dma_start3A_113, %dma_start3A_114] : memref<10240x128xf32, #tpu.memory_space<vmem_shared>> -> memref<10240x128xf32, #tpu.memory_space<vmem_shared>>
        tpu.enqueue_indirect_dma source(%arg14 : memref<80x128xf32, #tpu.memory_space<vmem>>) target(%dma_start3A_115 : memref<10240x128xf32, #tpu.memory_space<vmem_shared>>) offsets(%arg11 : memref<80xi32, #tpu.memory_space<vmem>>) semaphore(%run_scoped3A : memref<!tpu.dma_semaphore, #tpu.memory_space<semaphore_mem>>) {add = true}
        %dma_wait3A_116 = arith.constant 0 : i32
        %dma_wait3A_117 = arith.constant 0 : i32
        %dma_wait3A_118 = tpu.memref_slice %arg16[%dma_wait3A_116, %dma_wait3A_117] : memref<10240x128xf32, #tpu.memory_space<vmem_shared>> -> memref<10240x128xf32, #tpu.memory_space<vmem_shared>>
        tpu.wait_indirect_dma semaphore(%run_scoped3A : memref<!tpu.dma_semaphore, #tpu.memory_space<semaphore_mem>>) src(%arg14 : memref<80x128xf32, #tpu.memory_space<vmem>>) dst(%dma_wait3A_118 : memref<10240x128xf32, #tpu.memory_space<vmem_shared>>)
        tpu.yield
      }) : () -> ()
      %dma_wait3A_108 = arith.constant 0 : i32
      %dma_wait3A_109 = arith.constant 0 : i32
      %dma_wait3A_110 = tpu.memref_slice %arg2[%dma_wait3A_108, %dma_wait3A_109] : memref<10000x128xf32, #tpu.memory_space<hbm>> -> memref<10000x128xf32, #tpu.memory_space<hbm>>
      tpu.wait_indirect_dma semaphore(%arg25 : memref<!tpu.dma_semaphore, #tpu.memory_space<semaphore_mem>>) src(%dma_wait3A_110 : memref<10000x128xf32, #tpu.memory_space<hbm>>) dst(%arg15 : memref<80x128xf32, #tpu.memory_space<vmem>>)
      %dma_wait3A_111 = tpu.memref_slice %arg4[%multiple_of3A_78] : memref<320000xi32, #tpu.memory_space<hbm>> -> memref<80xi32, #tpu.memory_space<hbm>>
      %dma_wait3A_112 = tpu.memref_slice %arg4[%multiple_of3A_78] : memref<320000xi32, #tpu.memory_space<hbm>> -> memref<80xi32, #tpu.memory_space<hbm>>
      tpu.wait_dma2 semaphore(%arg22 : memref<!tpu.dma_semaphore, #tpu.memory_space<semaphore_mem>>) src(%dma_wait3A_112 : memref<80xi32, #tpu.memory_space<hbm>>) dst(%arg12 : memref<80xi32, #tpu.memory_space<vmem>>)
      "tpu.region"() ({
        %run_scoped3A = tpu.sem_alloc : memref<!tpu.dma_semaphore, #tpu.memory_space<semaphore_mem>>
        %dma_start3A_113 = arith.constant 0 : i32
        %dma_start3A_114 = arith.constant 0 : i32
        %dma_start3A_115 = tpu.memref_slice %arg16[%dma_start3A_113, %dma_start3A_114] : memref<10240x128xf32, #tpu.memory_space<vmem_shared>> -> memref<10240x128xf32, #tpu.memory_space<vmem_shared>>
        tpu.enqueue_indirect_dma source(%arg15 : memref<80x128xf32, #tpu.memory_space<vmem>>) target(%dma_start3A_115 : memref<10240x128xf32, #tpu.memory_space<vmem_shared>>) offsets(%arg12 : memref<80xi32, #tpu.memory_space<vmem>>) semaphore(%run_scoped3A : memref<!tpu.dma_semaphore, #tpu.memory_space<semaphore_mem>>) {add = true}
        %dma_wait3A_116 = arith.constant 0 : i32
        %dma_wait3A_117 = arith.constant 0 : i32
        %dma_wait3A_118 = tpu.memref_slice %arg16[%dma_wait3A_116, %dma_wait3A_117] : memref<10240x128xf32, #tpu.memory_space<vmem_shared>> -> memref<10240x128xf32, #tpu.memory_space<vmem_shared>>
        tpu.wait_indirect_dma semaphore(%run_scoped3A : memref<!tpu.dma_semaphore, #tpu.memory_space<semaphore_mem>>) src(%arg15 : memref<80x128xf32, #tpu.memory_space<vmem>>) dst(%dma_wait3A_118 : memref<10240x128xf32, #tpu.memory_space<vmem_shared>>)
        tpu.yield
      }) : () -> ()
    }
    %scan3A_7 = arith.constant 41 : i32
    %mul3A_8 = arith.constant 10000 : i32
    %mul3A_9 = arith.muli %add3A, %mul3A_8 : i32
    %add3A_10 = arith.constant 9840 : i32
    %add3A_11 = arith.addi %mul3A_9, %add3A_10 : i32
    %multiple_of3A = tpu.assume_multiple %add3A_11, 8 : i32
    %dma_start3A = tpu.memref_slice %arg3[%multiple_of3A] : memref<320000xi32, #tpu.memory_space<hbm>> -> memref<80xi32, #tpu.memory_space<hbm>>
    %dma_start3A_12 = tpu.memref_slice %arg3[%multiple_of3A] : memref<320000xi32, #tpu.memory_space<hbm>> -> memref<80xi32, #tpu.memory_space<hbm>>
    tpu.enqueue_dma source(%dma_start3A_12 : memref<80xi32, #tpu.memory_space<hbm>>) target(%arg7 : memref<80xi32, #tpu.memory_space<vmem>>) target_semaphore(%arg17 : memref<!tpu.dma_semaphore, #tpu.memory_space<semaphore_mem>>)
    %dma_start3A_13 = tpu.memref_slice %arg4[%multiple_of3A] : memref<320000xi32, #tpu.memory_space<hbm>> -> memref<80xi32, #tpu.memory_space<hbm>>
    %dma_start3A_14 = tpu.memref_slice %arg4[%multiple_of3A] : memref<320000xi32, #tpu.memory_space<hbm>> -> memref<80xi32, #tpu.memory_space<hbm>>
    tpu.enqueue_dma source(%dma_start3A_14 : memref<80xi32, #tpu.memory_space<hbm>>) target(%arg10 : memref<80xi32, #tpu.memory_space<vmem>>) target_semaphore(%arg20 : memref<!tpu.dma_semaphore, #tpu.memory_space<semaphore_mem>>)
    %mul3A_15 = arith.constant 10000 : i32
    %mul3A_16 = arith.muli %add3A, %mul3A_15 : i32
    %add3A_17 = arith.constant 9920 : i32
    %add3A_18 = arith.addi %mul3A_16, %add3A_17 : i32
    %multiple_of3A_19 = tpu.assume_multiple %add3A_18, 8 : i32
    %dma_start3A_20 = tpu.memref_slice %arg3[%multiple_of3A_19] : memref<320000xi32, #tpu.memory_space<hbm>> -> memref<80xi32, #tpu.memory_space<hbm>>
    %dma_start3A_21 = tpu.memref_slice %arg3[%multiple_of3A_19] : memref<320000xi32, #tpu.memory_space<hbm>> -> memref<80xi32, #tpu.memory_space<hbm>>
    tpu.enqueue_dma source(%dma_start3A_21 : memref<80xi32, #tpu.memory_space<hbm>>) target(%arg8 : memref<80xi32, #tpu.memory_space<vmem>>) target_semaphore(%arg18 : memref<!tpu.dma_semaphore, #tpu.memory_space<semaphore_mem>>)
    %dma_start3A_22 = tpu.memref_slice %arg4[%multiple_of3A_19] : memref<320000xi32, #tpu.memory_space<hbm>> -> memref<80xi32, #tpu.memory_space<hbm>>
    %dma_start3A_23 = tpu.memref_slice %arg4[%multiple_of3A_19] : memref<320000xi32, #tpu.memory_space<hbm>> -> memref<80xi32, #tpu.memory_space<hbm>>
    tpu.enqueue_dma source(%dma_start3A_23 : memref<80xi32, #tpu.memory_space<hbm>>) target(%arg11 : memref<80xi32, #tpu.memory_space<vmem>>) target_semaphore(%arg21 : memref<!tpu.dma_semaphore, #tpu.memory_space<semaphore_mem>>)
    %dma_wait3A = tpu.memref_slice %arg3[%multiple_of3A] : memref<320000xi32, #tpu.memory_space<hbm>> -> memref<80xi32, #tpu.memory_space<hbm>>
    %dma_wait3A_24 = tpu.memref_slice %arg3[%multiple_of3A] : memref<320000xi32, #tpu.memory_space<hbm>> -> memref<80xi32, #tpu.memory_space<hbm>>
    tpu.wait_dma2 semaphore(%arg17 : memref<!tpu.dma_semaphore, #tpu.memory_space<semaphore_mem>>) src(%dma_wait3A_24 : memref<80xi32, #tpu.memory_space<hbm>>) dst(%arg7 : memref<80xi32, #tpu.memory_space<vmem>>)
    %dma_start3A_25 = arith.constant 0 : i32
    %dma_start3A_26 = arith.constant 0 : i32
    %dma_start3A_27 = tpu.memref_slice %arg2[%dma_start3A_25, %dma_start3A_26] : memref<10000x128xf32, #tpu.memory_space<hbm>> -> memref<10000x128xf32, #tpu.memory_space<hbm>>
    tpu.enqueue_indirect_dma source(%dma_start3A_27 : memref<10000x128xf32, #tpu.memory_space<hbm>>) target(%arg13 : memref<80x128xf32, #tpu.memory_space<vmem>>) offsets(%arg7 : memref<80xi32, #tpu.memory_space<vmem>>) semaphore(%arg23 : memref<!tpu.dma_semaphore, #tpu.memory_space<semaphore_mem>>)
    %dma_wait3A_28 = tpu.memref_slice %arg3[%multiple_of3A_19] : memref<320000xi32, #tpu.memory_space<hbm>> -> memref<80xi32, #tpu.memory_space<hbm>>
    %dma_wait3A_29 = tpu.memref_slice %arg3[%multiple_of3A_19] : memref<320000xi32, #tpu.memory_space<hbm>> -> memref<80xi32, #tpu.memory_space<hbm>>
    tpu.wait_dma2 semaphore(%arg18 : memref<!tpu.dma_semaphore, #tpu.memory_space<semaphore_mem>>) src(%dma_wait3A_29 : memref<80xi32, #tpu.memory_space<hbm>>) dst(%arg8 : memref<80xi32, #tpu.memory_space<vmem>>)
    %dma_start3A_30 = arith.constant 0 : i32
    %dma_start3A_31 = arith.constant 0 : i32
    %dma_start3A_32 = tpu.memref_slice %arg2[%dma_start3A_30, %dma_start3A_31] : memref<10000x128xf32, #tpu.memory_space<hbm>> -> memref<10000x128xf32, #tpu.memory_space<hbm>>
    tpu.enqueue_indirect_dma source(%dma_start3A_32 : memref<10000x128xf32, #tpu.memory_space<hbm>>) target(%arg14 : memref<80x128xf32, #tpu.memory_space<vmem>>) offsets(%arg8 : memref<80xi32, #tpu.memory_space<vmem>>) semaphore(%arg24 : memref<!tpu.dma_semaphore, #tpu.memory_space<semaphore_mem>>)
    %dma_wait3A_33 = arith.constant 0 : i32
    %dma_wait3A_34 = arith.constant 0 : i32
    %dma_wait3A_35 = tpu.memref_slice %arg2[%dma_wait3A_33, %dma_wait3A_34] : memref<10000x128xf32, #tpu.memory_space<hbm>> -> memref<10000x128xf32, #tpu.memory_space<hbm>>
    tpu.wait_indirect_dma semaphore(%arg23 : memref<!tpu.dma_semaphore, #tpu.memory_space<semaphore_mem>>) src(%dma_wait3A_35 : memref<10000x128xf32, #tpu.memory_space<hbm>>) dst(%arg13 : memref<80x128xf32, #tpu.memory_space<vmem>>)
    %dma_wait3A_36 = tpu.memref_slice %arg4[%multiple_of3A] : memref<320000xi32, #tpu.memory_space<hbm>> -> memref<80xi32, #tpu.memory_space<hbm>>
    %dma_wait3A_37 = tpu.memref_slice %arg4[%multiple_of3A] : memref<320000xi32, #tpu.memory_space<hbm>> -> memref<80xi32, #tpu.memory_space<hbm>>
    tpu.wait_dma2 semaphore(%arg20 : memref<!tpu.dma_semaphore, #tpu.memory_space<semaphore_mem>>) src(%dma_wait3A_37 : memref<80xi32, #tpu.memory_space<hbm>>) dst(%arg10 : memref<80xi32, #tpu.memory_space<vmem>>)
    "tpu.region"() ({
      %run_scoped3A = tpu.sem_alloc : memref<!tpu.dma_semaphore, #tpu.memory_space<semaphore_mem>>
      %dma_start3A_44 = arith.constant 0 : i32
      %dma_start3A_45 = arith.constant 0 : i32
      %dma_start3A_46 = tpu.memref_slice %arg16[%dma_start3A_44, %dma_start3A_45] : memref<10240x128xf32, #tpu.memory_space<vmem_shared>> -> memref<10240x128xf32, #tpu.memory_space<vmem_shared>>
      tpu.enqueue_indirect_dma source(%arg13 : memref<80x128xf32, #tpu.memory_space<vmem>>) target(%dma_start3A_46 : memref<10240x128xf32, #tpu.memory_space<vmem_shared>>) offsets(%arg10 : memref<80xi32, #tpu.memory_space<vmem>>) semaphore(%run_scoped3A : memref<!tpu.dma_semaphore, #tpu.memory_space<semaphore_mem>>) {add = true}
      %dma_wait3A_47 = arith.constant 0 : i32
      %dma_wait3A_48 = arith.constant 0 : i32
      %dma_wait3A_49 = tpu.memref_slice %arg16[%dma_wait3A_47, %dma_wait3A_48] : memref<10240x128xf32, #tpu.memory_space<vmem_shared>> -> memref<10240x128xf32, #tpu.memory_space<vmem_shared>>
      tpu.wait_indirect_dma semaphore(%run_scoped3A : memref<!tpu.dma_semaphore, #tpu.memory_space<semaphore_mem>>) src(%arg13 : memref<80x128xf32, #tpu.memory_space<vmem>>) dst(%dma_wait3A_49 : memref<10240x128xf32, #tpu.memory_space<vmem_shared>>)
      tpu.yield
    }) : () -> ()
    %dma_wait3A_38 = arith.constant 0 : i32
    %dma_wait3A_39 = arith.constant 0 : i32
    %dma_wait3A_40 = tpu.memref_slice %arg2[%dma_wait3A_38, %dma_wait3A_39] : memref<10000x128xf32, #tpu.memory_space<hbm>> -> memref<10000x128xf32, #tpu.memory_space<hbm>>
    tpu.wait_indirect_dma semaphore(%arg24 : memref<!tpu.dma_semaphore, #tpu.memory_space<semaphore_mem>>) src(%dma_wait3A_40 : memref<10000x128xf32, #tpu.memory_space<hbm>>) dst(%arg14 : memref<80x128xf32, #tpu.memory_space<vmem>>)
    %dma_wait3A_41 = tpu.memref_slice %arg4[%multiple_of3A_19] : memref<320000xi32, #tpu.memory_space<hbm>> -> memref<80xi32, #tpu.memory_space<hbm>>
    %dma_wait3A_42 = tpu.memref_slice %arg4[%multiple_of3A_19] : memref<320000xi32, #tpu.memory_space<hbm>> -> memref<80xi32, #tpu.memory_space<hbm>>
    tpu.wait_dma2 semaphore(%arg21 : memref<!tpu.dma_semaphore, #tpu.memory_space<semaphore_mem>>) src(%dma_wait3A_42 : memref<80xi32, #tpu.memory_space<hbm>>) dst(%arg11 : memref<80xi32, #tpu.memory_space<vmem>>)
    "tpu.region"() ({
      %run_scoped3A = tpu.sem_alloc : memref<!tpu.dma_semaphore, #tpu.memory_space<semaphore_mem>>
      %dma_start3A_44 = arith.constant 0 : i32
      %dma_start3A_45 = arith.constant 0 : i32
      %dma_start3A_46 = tpu.memref_slice %arg16[%dma_start3A_44, %dma_start3A_45] : memref<10240x128xf32, #tpu.memory_space<vmem_shared>> -> memref<10240x128xf32, #tpu.memory_space<vmem_shared>>
      tpu.enqueue_indirect_dma source(%arg14 : memref<80x128xf32, #tpu.memory_space<vmem>>) target(%dma_start3A_46 : memref<10240x128xf32, #tpu.memory_space<vmem_shared>>) offsets(%arg11 : memref<80xi32, #tpu.memory_space<vmem>>) semaphore(%run_scoped3A : memref<!tpu.dma_semaphore, #tpu.memory_space<semaphore_mem>>) {add = true}
      %dma_wait3A_47 = arith.constant 0 : i32
      %dma_wait3A_48 = arith.constant 0 : i32
      %dma_wait3A_49 = tpu.memref_slice %arg16[%dma_wait3A_47, %dma_wait3A_48] : memref<10240x128xf32, #tpu.memory_space<vmem_shared>> -> memref<10240x128xf32, #tpu.memory_space<vmem_shared>>
      tpu.wait_indirect_dma semaphore(%run_scoped3A : memref<!tpu.dma_semaphore, #tpu.memory_space<semaphore_mem>>) src(%arg14 : memref<80x128xf32, #tpu.memory_space<vmem>>) dst(%dma_wait3A_49 : memref<10240x128xf32, #tpu.memory_space<vmem_shared>>)
      tpu.yield
    }) : () -> ()
    %barrier3A_43 = arith.constant 0 : index
    tpu.barrier barrier_id(%barrier3A_43)
    "tpu.region"() ({
      %run_scoped3A = tpu.sem_alloc : memref<!tpu.dma_semaphore, #tpu.memory_space<semaphore_mem>>
      %dma_start3A_44 = arith.constant 0 : i32
      %dma_start3A_45 = tpu.memref_slice %arg6[%arg0, %mul3A_2, %dma_start3A_44] : memref<2x10240x128xf32, #tpu.memory_space<hbm>> -> memref<1x640x128xf32, #tpu.memory_space<hbm>>
      %dma_start3A_46 = tpu.memref_squeeze %dma_start3A_45 : memref<1x640x128xf32, #tpu.memory_space<hbm>> -> memref<640x128xf32, #tpu.memory_space<hbm>>
      %dma_start3A_47 = arith.constant 0 : i32
      %dma_start3A_48 = tpu.memref_slice %arg16[%mul3A_2, %dma_start3A_47] : memref<10240x128xf32, #tpu.memory_space<vmem_shared>> -> memref<640x128xf32, #tpu.memory_space<vmem_shared>>
      tpu.enqueue_dma source(%dma_start3A_48 : memref<640x128xf32, #tpu.memory_space<vmem_shared>>) target(%dma_start3A_46 : memref<640x128xf32, #tpu.memory_space<hbm>>) target_semaphore(%run_scoped3A : memref<!tpu.dma_semaphore, #tpu.memory_space<semaphore_mem>>)
      %dma_wait3A_49 = arith.constant 0 : i32
      %dma_wait3A_50 = tpu.memref_slice %arg6[%arg0, %mul3A_2, %dma_wait3A_49] : memref<2x10240x128xf32, #tpu.memory_space<hbm>> -> memref<1x640x128xf32, #tpu.memory_space<hbm>>
      %dma_wait3A_51 = tpu.memref_squeeze %dma_wait3A_50 : memref<1x640x128xf32, #tpu.memory_space<hbm>> -> memref<640x128xf32, #tpu.memory_space<hbm>>
      %dma_wait3A_52 = arith.constant 0 : i32
      %dma_wait3A_53 = tpu.memref_slice %arg16[%mul3A_2, %dma_wait3A_52] : memref<10240x128xf32, #tpu.memory_space<vmem_shared>> -> memref<640x128xf32, #tpu.memory_space<vmem_shared>>
      tpu.wait_dma2 semaphore(%run_scoped3A : memref<!tpu.dma_semaphore, #tpu.memory_space<semaphore_mem>>) src(%dma_wait3A_53 : memref<640x128xf32, #tpu.memory_space<vmem_shared>>) dst(%dma_wait3A_51 : memref<640x128xf32, #tpu.memory_space<hbm>>)
      tpu.yield
    }) : () -> ()
    return
  }
}

module attributes {stable_mosaic.version = 14 : i64} {
  func.func @_tc_mm_body(%arg0: i32, %arg1: memref<1000x128xf32, #tpu.memory_space<vmem>>, %arg2: memref<128x128xf32, #tpu.memory_space<vmem>>, %arg3: memref<1000x128xf32, #tpu.memory_space<vmem>>) attributes {dimension_semantics = [#tpu.dimension_semantics<arbitrary>], iteration_bounds = array<i64: 10>, scalar_prefetch = 0 : i64, scratch_operands = 0 : i64, tpu.core_type = #tpu.core_type<tc>, window_params = [{transform_indices = @transform_0, window_bounds = array<i64: 1000, 128>}, {pipeline_mode = #tpu.pipeline_mode<synchronous>, transform_indices = @transform_1, window_bounds = array<i64: 128, 128>}, {transform_indices = @transform_2, window_bounds = array<i64: 1000, 128>}]} {
    %get3A = arith.constant 0 : index
    %get3A_0 = arith.constant 0 : index
    %get3A_1 = vector.load %arg1[%get3A, %get3A_0] : memref<1000x128xf32, #tpu.memory_space<vmem>>, vector<1000x128xf32>
    %get3A_2 = arith.constant 0 : index
    %get3A_3 = arith.constant 0 : index
    %get3A_4 = vector.load %arg2[%get3A_2, %get3A_3] : memref<128x128xf32, #tpu.memory_space<vmem>>, vector<128x128xf32>
    %dot_general3A = arith.constant dense<0.000000e+00> : vector<1000x128xf32>
    %dot_general3A_5 = tpu.matmul %get3A_1, %get3A_4, %dot_general3A {dimension_numbers = #tpu.dot_dimension_numbers<[1], [0], [0], [1], [0, 0, 1, 1], [], []>, transpose_lhs_hint = false} : vector<1000x128xf32>, vector<128x128xf32>, vector<1000x128xf32> -> vector<1000x128xf32>
    %swap3A = arith.constant 0 : index
    %swap3A_6 = arith.constant 0 : index
    %swap3A_7 = vector.load %arg3[%swap3A, %swap3A_6] : memref<1000x128xf32, #tpu.memory_space<vmem>>, vector<1000x128xf32>
    tpu.vector_store %arg3[%swap3A, %swap3A_6], %dot_general3A_5 {strides = array<i32>} : memref<1000x128xf32, #tpu.memory_space<vmem>>, vector<1000x128xf32>,
    return
  }
  func.func @transform_0(%arg0: i32) -> (i32, i32) {
    %c0_i32 = arith.constant 0 : i32
    %c0_i32_0 = arith.constant 0 : i32
    return %arg0, %c0_i32 : i32, i32
  }
  func.func @transform_1(%arg0: i32) -> (i32, i32) {
    %c0_i32 = arith.constant 0 : i32
    %c0_i32_0 = arith.constant 0 : i32
    %c0_i32_1 = arith.constant 0 : i32
    return %c0_i32, %c0_i32_0 : i32, i32
  }
  func.func @transform_2(%arg0: i32) -> (i32, i32) {
    %c0_i32 = arith.constant 0 : i32
    %c0_i32_0 = arith.constant 0 : i32
    return %arg0, %c0_i32 : i32, i32
  }
}

module attributes {stable_mosaic.version = 14 : i64} {
  func.func @_tc_finish_body(%arg0: i32, %arg1: memref<2x1000x16xf32, #tpu.memory_space<vmem>>, %arg2: memref<1000x128xf32, #tpu.memory_space<vmem>>, %arg3: memref<1000x128xf32, #tpu.memory_space<vmem>>, %arg4: memref<1000x128xf32, #tpu.memory_space<vmem>>) attributes {dimension_semantics = [#tpu.dimension_semantics<arbitrary>], iteration_bounds = array<i64: 10>, scalar_prefetch = 0 : i64, scratch_operands = 0 : i64, tpu.core_type = #tpu.core_type<tc>, window_params = [{transform_indices = @transform_0, window_bounds = array<i64: 2, 1000, 16>}, {transform_indices = @transform_1, window_bounds = array<i64: 1000, 128>}, {transform_indices = @transform_2, window_bounds = array<i64: 1000, 128>}, {transform_indices = @transform_3, window_bounds = array<i64: 1000, 128>}]} {
    %get3A = arith.constant 0 : index
    %get3A_0 = arith.constant 0 : index
    %get3A_1 = arith.constant 0 : index
    %get3A_2 = vector.load %arg1[%get3A, %get3A_0, %get3A_1] : memref<2x1000x16xf32, #tpu.memory_space<vmem>>, vector<1x1000x1xf32>
    %get3A_3 = vector.shape_cast %get3A_2 : vector<1x1000x1xf32> to vector<1000x1xf32>
    %get3A_4 = arith.constant 1 : index
    %get3A_5 = arith.constant 0 : index
    %get3A_6 = arith.constant 0 : index
    %get3A_7 = vector.load %arg1[%get3A_4, %get3A_5, %get3A_6] : memref<2x1000x16xf32, #tpu.memory_space<vmem>>, vector<1x1000x1xf32>
    %get3A_8 = vector.shape_cast %get3A_7 : vector<1x1000x1xf32> to vector<1000x1xf32>
    %add3A = arith.addf %get3A_3, %get3A_8 : vector<1000x1xf32>
    %add3A_9 = arith.constant 1.000000e+00 : f32
    %add3A_10 = vector.broadcast %add3A_9 : f32 to vector<1000x1xf32>
    %add3A_11 = arith.addf %add3A, %add3A_10 : vector<1000x1xf32>
    %rsqrt3A = math.rsqrt %add3A_11 : vector<1000x1xf32>
    %broadcast_in_dim3A = vector.shape_cast %rsqrt3A : vector<1000x1xf32> to vector<1000x1xf32>
    %broadcast_in_dim3A_12 = vector.broadcast %broadcast_in_dim3A : vector<1000x1xf32> to vector<1000x128xf32>
    %swap3A = arith.constant 0 : index
    %swap3A_13 = arith.constant 0 : index
    %swap3A_14 = vector.load %arg3[%swap3A, %swap3A_13] : memref<1000x128xf32, #tpu.memory_space<vmem>>, vector<1000x128xf32>
    tpu.vector_store %arg3[%swap3A, %swap3A_13], %broadcast_in_dim3A_12 {strides = array<i32>} : memref<1000x128xf32, #tpu.memory_space<vmem>>, vector<1000x128xf32>,
    %get3A_15 = arith.constant 0 : index
    %get3A_16 = arith.constant 0 : index
    %get3A_17 = vector.load %arg2[%get3A_15, %get3A_16] : memref<1000x128xf32, #tpu.memory_space<vmem>>, vector<1000x128xf32>
    %mul3A = arith.mulf %get3A_17, %broadcast_in_dim3A_12 : vector<1000x128xf32>
    %swap3A_18 = arith.constant 0 : index
    %swap3A_19 = arith.constant 0 : index
    %swap3A_20 = vector.load %arg4[%swap3A_18, %swap3A_19] : memref<1000x128xf32, #tpu.memory_space<vmem>>, vector<1000x128xf32>
    tpu.vector_store %arg4[%swap3A_18, %swap3A_19], %mul3A {strides = array<i32>} : memref<1000x128xf32, #tpu.memory_space<vmem>>, vector<1000x128xf32>,
    return
  }
  func.func @transform_0(%arg0: i32) -> (i32, i32, i32) {
    %c0_i32 = arith.constant 0 : i32
    %c0_i32_0 = arith.constant 0 : i32
    %c0_i32_1 = arith.constant 0 : i32
    return %c0_i32, %arg0, %c0_i32_0 : i32, i32, i32
  }
  func.func @transform_1(%arg0: i32) -> (i32, i32) {
    %c0_i32 = arith.constant 0 : i32
    %c0_i32_0 = arith.constant 0 : i32
    return %arg0, %c0_i32 : i32, i32
  }
  func.func @transform_2(%arg0: i32) -> (i32, i32) {
    %c0_i32 = arith.constant 0 : i32
    %c0_i32_0 = arith.constant 0 : i32
    return %arg0, %c0_i32 : i32, i32
  }
  func.func @transform_3(%arg0: i32) -> (i32, i32) {
    %c0_i32 = arith.constant 0 : i32
    %c0_i32_0 = arith.constant 0 : i32
    return %arg0, %c0_i32 : i32, i32
  }
}

module attributes {stable_mosaic.version = 14 : i64} {
  func.func @_tc_mid_body(%arg0: i32, %arg1: memref<2x1000x128xf32, #tpu.memory_space<vmem>>, %arg2: memref<1000x128xf32, #tpu.memory_space<vmem>>, %arg3: memref<1000x128xf32, #tpu.memory_space<vmem>>, %arg4: memref<1x128xf32, #tpu.memory_space<vmem>>, %arg5: memref<128x128xf32, #tpu.memory_space<vmem>>, %arg6: memref<1000x128xf32, #tpu.memory_space<vmem>>) attributes {dimension_semantics = [#tpu.dimension_semantics<arbitrary>], iteration_bounds = array<i64: 10>, scalar_prefetch = 0 : i64, scratch_operands = 0 : i64, tpu.core_type = #tpu.core_type<tc>, window_params = [{transform_indices = @transform_0, window_bounds = array<i64: 2, 1000, 128>}, {transform_indices = @transform_1, window_bounds = array<i64: 1000, 128>}, {transform_indices = @transform_2, window_bounds = array<i64: 1000, 128>}, {pipeline_mode = #tpu.pipeline_mode<synchronous>, transform_indices = @transform_3, window_bounds = array<i64: 1, 128>}, {pipeline_mode = #tpu.pipeline_mode<synchronous>, transform_indices = @transform_4, window_bounds = array<i64: 128, 128>}, {transform_indices = @transform_5, window_bounds = array<i64: 1000, 128>}]} {
    %get3A = arith.constant 0 : index
    %get3A_0 = arith.constant 0 : index
    %get3A_1 = vector.load %arg3[%get3A, %get3A_0] : memref<1000x128xf32, #tpu.memory_space<vmem>>, vector<1000x128xf32>
    %get3A_2 = arith.constant 0 : index
    %get3A_3 = arith.constant 0 : index
    %get3A_4 = arith.constant 0 : index
    %get3A_5 = vector.load %arg1[%get3A_2, %get3A_3, %get3A_4] : memref<2x1000x128xf32, #tpu.memory_space<vmem>>, vector<1x1000x128xf32>
    %get3A_6 = vector.shape_cast %get3A_5 : vector<1x1000x128xf32> to vector<1000x128xf32>
    %get3A_7 = arith.constant 1 : index
    %get3A_8 = arith.constant 0 : index
    %get3A_9 = arith.constant 0 : index
    %get3A_10 = vector.load %arg1[%get3A_7, %get3A_8, %get3A_9] : memref<2x1000x128xf32, #tpu.memory_space<vmem>>, vector<1x1000x128xf32>
    %get3A_11 = vector.shape_cast %get3A_10 : vector<1x1000x128xf32> to vector<1000x128xf32>
    %add3A = arith.addf %get3A_6, %get3A_11 : vector<1000x128xf32>
    %get3A_12 = arith.constant 0 : index
    %get3A_13 = arith.constant 0 : index
    %get3A_14 = vector.load %arg2[%get3A_12, %get3A_13] : memref<1000x128xf32, #tpu.memory_space<vmem>>, vector<1000x128xf32>
    %add3A_15 = arith.addf %add3A, %get3A_14 : vector<1000x128xf32>
    %mul3A = arith.mulf %get3A_1, %add3A_15 : vector<1000x128xf32>
    %get3A_16 = arith.constant 0 : index
    %get3A_17 = arith.constant 0 : index
    %get3A_18 = vector.load %arg4[%get3A_16, %get3A_17] : memref<1x128xf32, #tpu.memory_space<vmem>>, vector<1x128xf32>
    %add3A_19 = vector.broadcast %get3A_18 : vector<1x128xf32> to vector<1000x128xf32>
    %add3A_20 = arith.addf %mul3A, %add3A_19 : vector<1000x128xf32>
    %max3A = arith.constant 0.000000e+00 : f32
    %max3A_21 = vector.broadcast %max3A : f32 to vector<1000x128xf32>
    %max3A_22 = arith.maximumf %add3A_20, %max3A_21 : vector<1000x128xf32>
    %get3A_23 = arith.constant 0 : index
    %get3A_24 = arith.constant 0 : index
    %get3A_25 = vector.load %arg5[%get3A_23, %get3A_24] : memref<128x128xf32, #tpu.memory_space<vmem>>, vector<128x128xf32>
    %dot_general3A = arith.constant dense<0.000000e+00> : vector<1000x128xf32>
    %dot_general3A_26 = tpu.matmul %max3A_22, %get3A_25, %dot_general3A {dimension_numbers = #tpu.dot_dimension_numbers<[1], [0], [0], [1], [0, 0, 1, 1], [], []>, transpose_lhs_hint = false} : vector<1000x128xf32>, vector<128x128xf32>, vector<1000x128xf32> -> vector<1000x128xf32>
    %mul3A_27 = arith.mulf %dot_general3A_26, %get3A_1 : vector<1000x128xf32>
    %swap3A = arith.constant 0 : index
    %swap3A_28 = arith.constant 0 : index
    %swap3A_29 = vector.load %arg6[%swap3A, %swap3A_28] : memref<1000x128xf32, #tpu.memory_space<vmem>>, vector<1000x128xf32>
    tpu.vector_store %arg6[%swap3A, %swap3A_28], %mul3A_27 {strides = array<i32>} : memref<1000x128xf32, #tpu.memory_space<vmem>>, vector<1000x128xf32>,
    return
  }
  func.func @transform_0(%arg0: i32) -> (i32, i32, i32) {
    %c0_i32 = arith.constant 0 : i32
    %c0_i32_0 = arith.constant 0 : i32
    %c0_i32_1 = arith.constant 0 : i32
    return %c0_i32, %arg0, %c0_i32_0 : i32, i32, i32
  }
  func.func @transform_1(%arg0: i32) -> (i32, i32) {
    %c0_i32 = arith.constant 0 : i32
    %c0_i32_0 = arith.constant 0 : i32
    return %arg0, %c0_i32 : i32, i32
  }
  func.func @transform_2(%arg0: i32) -> (i32, i32) {
    %c0_i32 = arith.constant 0 : i32
    %c0_i32_0 = arith.constant 0 : i32
    return %arg0, %c0_i32 : i32, i32
  }
  func.func @transform_3(%arg0: i32) -> (i32, i32) {
    %c0_i32 = arith.constant 0 : i32
    %c0_i32_0 = arith.constant 0 : i32
    %c0_i32_1 = arith.constant 0 : i32
    return %c0_i32, %c0_i32_0 : i32, i32
  }
  func.func @transform_4(%arg0: i32) -> (i32, i32) {
    %c0_i32 = arith.constant 0 : i32
    %c0_i32_0 = arith.constant 0 : i32
    %c0_i32_1 = arith.constant 0 : i32
    return %c0_i32, %c0_i32_0 : i32, i32
  }
  func.func @transform_5(%arg0: i32) -> (i32, i32) {
    %c0_i32 = arith.constant 0 : i32
    %c0_i32_0 = arith.constant 0 : i32
    return %arg0, %c0_i32 : i32, i32
  }
}

module attributes {stable_mosaic.version = 14 : i64} {
  func.func @_tc_last_body(%arg0: i32, %arg1: memref<2x1000x128xf32, #tpu.memory_space<vmem>>, %arg2: memref<1000x128xf32, #tpu.memory_space<vmem>>, %arg3: memref<1000x128xf32, #tpu.memory_space<vmem>>, %arg4: memref<1x128xf32, #tpu.memory_space<vmem>>, %arg5: memref<1000x128xf32, #tpu.memory_space<vmem>>) attributes {dimension_semantics = [#tpu.dimension_semantics<arbitrary>], iteration_bounds = array<i64: 10>, scalar_prefetch = 0 : i64, scratch_operands = 0 : i64, tpu.core_type = #tpu.core_type<tc>, window_params = [{transform_indices = @transform_0, window_bounds = array<i64: 2, 1000, 128>}, {transform_indices = @transform_1, window_bounds = array<i64: 1000, 128>}, {transform_indices = @transform_2, window_bounds = array<i64: 1000, 128>}, {pipeline_mode = #tpu.pipeline_mode<synchronous>, transform_indices = @transform_3, window_bounds = array<i64: 1, 128>}, {transform_indices = @transform_4, window_bounds = array<i64: 1000, 128>}]} {
    %get3A = arith.constant 0 : index
    %get3A_0 = arith.constant 0 : index
    %get3A_1 = vector.load %arg3[%get3A, %get3A_0] : memref<1000x128xf32, #tpu.memory_space<vmem>>, vector<1000x128xf32>
    %get3A_2 = arith.constant 0 : index
    %get3A_3 = arith.constant 0 : index
    %get3A_4 = arith.constant 0 : index
    %get3A_5 = vector.load %arg1[%get3A_2, %get3A_3, %get3A_4] : memref<2x1000x128xf32, #tpu.memory_space<vmem>>, vector<1x1000x128xf32>
    %get3A_6 = vector.shape_cast %get3A_5 : vector<1x1000x128xf32> to vector<1000x128xf32>
    %get3A_7 = arith.constant 1 : index
    %get3A_8 = arith.constant 0 : index
    %get3A_9 = arith.constant 0 : index
    %get3A_10 = vector.load %arg1[%get3A_7, %get3A_8, %get3A_9] : memref<2x1000x128xf32, #tpu.memory_space<vmem>>, vector<1x1000x128xf32>
    %get3A_11 = vector.shape_cast %get3A_10 : vector<1x1000x128xf32> to vector<1000x128xf32>
    %add3A = arith.addf %get3A_6, %get3A_11 : vector<1000x128xf32>
    %get3A_12 = arith.constant 0 : index
    %get3A_13 = arith.constant 0 : index
    %get3A_14 = vector.load %arg2[%get3A_12, %get3A_13] : memref<1000x128xf32, #tpu.memory_space<vmem>>, vector<1000x128xf32>
    %add3A_15 = arith.addf %add3A, %get3A_14 : vector<1000x128xf32>
    %mul3A = arith.mulf %get3A_1, %add3A_15 : vector<1000x128xf32>
    %get3A_16 = arith.constant 0 : index
    %get3A_17 = arith.constant 0 : index
    %get3A_18 = vector.load %arg4[%get3A_16, %get3A_17] : memref<1x128xf32, #tpu.memory_space<vmem>>, vector<1x128xf32>
    %add3A_19 = vector.broadcast %get3A_18 : vector<1x128xf32> to vector<1000x128xf32>
    %add3A_20 = arith.addf %mul3A, %add3A_19 : vector<1000x128xf32>
    %swap3A = arith.constant 0 : index
    %swap3A_21 = arith.constant 0 : index
    %swap3A_22 = vector.load %arg5[%swap3A, %swap3A_21] : memref<1000x128xf32, #tpu.memory_space<vmem>>, vector<1000x128xf32>
    tpu.vector_store %arg5[%swap3A, %swap3A_21], %add3A_20 {strides = array<i32>} : memref<1000x128xf32, #tpu.memory_space<vmem>>, vector<1000x128xf32>,
    return
  }
  func.func @transform_0(%arg0: i32) -> (i32, i32, i32) {
    %c0_i32 = arith.constant 0 : i32
    %c0_i32_0 = arith.constant 0 : i32
    %c0_i32_1 = arith.constant 0 : i32
    return %c0_i32, %arg0, %c0_i32_0 : i32, i32, i32
  }
  func.func @transform_1(%arg0: i32) -> (i32, i32) {
    %c0_i32 = arith.constant 0 : i32
    %c0_i32_0 = arith.constant 0 : i32
    return %arg0, %c0_i32 : i32, i32
  }
  func.func @transform_2(%arg0: i32) -> (i32, i32) {
    %c0_i32 = arith.constant 0 : i32
    %c0_i32_0 = arith.constant 0 : i32
    return %arg0, %c0_i32 : i32, i32
  }
  func.func @transform_3(%arg0: i32) -> (i32, i32) {
    %c0_i32 = arith.constant 0 : i32
    %c0_i32_0 = arith.constant 0 : i32
    %c0_i32_1 = arith.constant 0 : i32
    return %c0_i32, %c0_i32_0 : i32, i32
  }
  func.func @transform_4(%arg0: i32) -> (i32, i32) {
    %c0_i32 = arith.constant 0 : i32
    %c0_i32_0 = arith.constant 0 : i32
    return %arg0, %c0_i32 : i32, i32
  }
}

</mosaic_0001>

<sc_bundles>
// kernel: kernel.11.cloned.1.call-start
scs
__scs_entry_jumppad:
0x0: {  	(pc) =	sbr.rel $0x88, $3  }
0x1: {  	(tag) =	ssettag $0x0;
	lr =	simm.s32 $0x1  }
0x2: {  	[smem:$0x3F99] =	sst lr;
	_ =	strace $0xD0000000  }
0x3: {  	_ = 	snop  }
0x4: {  	_ = 	snop  }
0x5: {  	_ = 	snop  }
0x6: {  	_ = 	snop  }
0x7: {  	_ = 	snop  }
__scs_overlays_trampoline_lowered:
0x8: {  	[smem:$0x3FA8] =	sst s0  }
0x9: {  	[smem:$0x3FA9] =	sst s1  }
0xa: {  	[smem:$0x3FAA] =	sst s2  }
0xb: {  	[smem:$0x3FAB] =	sst s3  }
0xc: {  	[smem:$0x3FAC] =	sst s4  }
0xd: {  	[smem:$0x3FAD] =	sst s5  }
0xe: {  	[smem:$0x3FAE] =	sst s6  }
0xf: {  	[smem:$0x3FAF] =	sst s7  }
0x10: {  	[smem:$0x3FB0] =	sst s8  }
0x11: {  	[smem:$0x3FB1] =	sst s9;
	s0 =	simm.s32 @!p0 $0x0  }
0x12: {  	s1 =	sld [smem:$0x3F97];
	s0 =	simm.s32 @p0 $0x1  }
0x13: {  	[smem:$0x3FB2] =	sst s0;
	s0 =	simm.s32 @!p1 $0x0  }
0x14: {  	s2 =	sld [smem:$0x3F96];
	s0 =	simm.s32 @p1 $0x1  }
0x15: {  	[smem:$0x3FB3] =	sst s0;
	s0 =	simm.s32 @!p2 $0x0  }
0x16: {  	s3 =	sld [smem:$0x3FDB];
	s0 =	simm.s32 @p2 $0x1  }
0x17: {  	s4 =	simm.s32 $0x1BF5;
	[smem:$0x3FB5] =	sst s0  }
0x18: {  	s0 =	sld [smem:$0x3F98];
	_ =	swait.ge [sflag:s4], $0x0  }
0x19: {  	s7 =	sld [smem:$0x3F99]  }
0x1a: {  	s8 =	sadd.s32 $0xFFFFE003, lr  }
0x1b: {  	s9 =	sadd.s32 $0xFFFFFEF7, lr;
	s5 =	simm.s32 $0xFFFFFFFF;
	p2 =	slt.u32 s8, $0xFFFFF086  }
0x1c: {  	p1 =	slt.u32 s9, $0xF7A;
	s5 =	simm.s32 @!p2 $0x0  }
0x1d: {  	s5 =	simm.s32 @p1 $0x1;
	p0 =	seq.s32 s7, s2  }
0x1e: {  	s7 =	smul.u32 @!p0 $0xF7A, s2;
	p2 =	seq.s32 @!p0 s5, $0x0  }
0x1f: {  	s9 =	smul.u32 $0xF7A, s1;
	s8 =	simm.s32 @!p0 $0x1BF5;
	p2 =	por !p2, p0  }
0x20: {  	[sflag:s8] =	ssyncset.s32 @!p0 $0xFFFFF086;
	s6 =	sadd.s32 @!p0 s3, s7;
	s7 =	simm.s32 @!p0 $0x108  }
0x21: {  	s3 =	sadd.s32 s3, s9;
	s6 =	sadd.s32 @!p0 $0x88, s6;
	s7 =	simm.s32 @p2 $0x1082  }
0x22: {  	[simem:s7], [sflag:s8] =	dma.local @!p0 [hbm:s6], $0xF7A  }
0x23: {  	s9 =	sor.u32 $0xD0000000, s2;
	s6 =	simm.s32 $0x108;
	_ =	swait.ge @!p0 [sflag:s8], $0x0  }
0x24: {  	s3 =	sadd.s32 $0x88, s3;
	s6 =	simm.s32 @!p1 $0x1082;
	[sflag:s4] =	ssyncset.s32 $0xFFFFF086  }
0x25: {  	[simem:s6], [sflag:s4] =	dma.local [hbm:s3], $0xF7A  }
0x26: {  	[smem:$0x3F99] =	sst s1;
	(tag) =	ssettag s2;
	_ =	strace s9  }
0x27: {  	s1 =	sld [smem:$0x3FA9]  }
0x28: {  	s2 =	sld [smem:$0x3FAA]  }
0x29: {  	s4 =	sld [smem:$0x3FAC]  }
0x2a: {  	p0 =	seq.s32 s5, $0x0;
	s5 =	sld [smem:$0x3FAD]  }
0x2b: {  	s6 =	sld [smem:$0x3FAE]  }
0x2c: {  	s7 =	sld [smem:$0x3FAF]  }
0x2d: {  	s3 =	simm.s32 $0x108;
	s8 =	sld [smem:$0x3FB0]  }
0x2e: {  	s3 =	simm.s32 @!p0 $0x1082;
	s9 =	sld [smem:$0x3FB1]  }
0x2f: {  	lr =	sadd.s32 s0, s3;
	s0 =	sld [smem:$0x3FA8]  }
0x30: {  	s3 =	sld [smem:$0x3FAB]  }
0x31: {  	[smem:$0x3FB4] =	sst s10  }
0x32: {  	s10 =	sld [smem:$0x3FB2];
	_ =	sdelay $0x3  }
0x33: {  	p0 =	seq.s32 s10, $0x1;
	s10 =	sld [smem:$0x3FB4];
	_ =	sdelay $0x3  }
0x34: {  	[smem:$0x3FB4] =	sst s10  }
0x35: {  	s10 =	sld [smem:$0x3FB3];
	_ =	sdelay $0x3  }
0x36: {  	p1 =	seq.s32 s10, $0x1;
	s10 =	sld [smem:$0x3FB4];
	_ =	sdelay $0x3  }
0x37: {  	[smem:$0x3FB4] =	sst s10  }
0x38: {  	s10 =	sld [smem:$0x3FB5]  }
0x39: {  	_ = 	snop;
	(pc) =	sbr.ind lr, $3  }
0x3a: {  	_ = 	snop  }
0x3b: {  	_ = 	snop  }
0x3c: {  	p2 =	seq.s32 s10, $0x1;
	s10 =	sld [smem:$0x3FB4]  }
0x3d: {  	_ =	shalt  }
0x3e: {  	_ =	shalt  }
0x3f: {  	_ =	shalt  }
0x40: {  	_ =	shalt  }
0x41: {  	_ =	shalt  }
0x42: {  	_ =	shalt  }
0x43: {  	_ =	shalt  }
0x44: {  	_ =	shalt  }
0x45: {  	_ =	shalt  }
0x46: {  	_ =	shalt  }
0x47: {  	_ =	shalt  }
0x48: {  	_ =	shalt  }
0x49: {  	_ =	shalt  }
0x4a: {  	_ =	shalt  }
0x4b: {  	_ =	shalt  }
0x4c: {  	_ =	shalt  }
0x4d: {  	_ =	shalt  }
0x4e: {  	_ =	shalt  }
0x4f: {  	_ =	shalt  }
0x50: {  	_ =	shalt  }
0x51: {  	_ =	shalt  }
0x52: {  	_ =	shalt  }
0x53: {  	_ =	shalt  }
0x54: {  	_ =	shalt  }
0x55: {  	_ =	shalt  }
0x56: {  	_ =	shalt  }
0x57: {  	_ =	shalt  }
0x58: {  	_ =	shalt  }
0x59: {  	_ =	shalt  }
0x5a: {  	_ =	shalt  }
0x5b: {  	_ =	shalt  }
0x5c: {  	_ =	shalt  }
0x5d: {  	_ =	shalt  }
0x5e: {  	_ =	shalt  }
0x5f: {  	_ =	shalt  }
0x60: {  	_ =	shalt  }
0x61: {  	_ =	shalt  }
0x62: {  	_ =	shalt  }
0x63: {  	_ =	shalt  }
0x64: {  	_ =	shalt  }
0x65: {  	_ =	shalt  }
0x66: {  	_ =	shalt  }
0x67: {  	_ =	shalt  }
0x68: {  	_ =	shalt  }
0x69: {  	_ =	shalt  }
0x6a: {  	_ =	shalt  }
0x6b: {  	_ =	shalt  }
0x6c: {  	_ =	shalt  }
0x6d: {  	_ =	shalt  }
0x6e: {  	_ =	shalt  }
0x6f: {  	_ =	shalt  }
0x70: {  	_ =	shalt  }
0x71: {  	_ =	shalt  }
0x72: {  	_ =	shalt  }
0x73: {  	_ =	shalt  }
0x74: {  	_ =	shalt  }
0x75: {  	_ =	shalt  }
0x76: {  	_ =	shalt  }
0x77: {  	_ =	shalt  }
0x78: {  	_ =	shalt  }
0x79: {  	_ =	shalt  }
0x7a: {  	_ =	shalt  }
0x7b: {  	_ =	shalt  }
0x7c: {  	_ =	shalt  }
0x7d: {  	_ =	shalt  }
0x7e: {  	_ =	shalt  }
0x7f: {  	_ =	shalt  }
0x80: {  	_ =	shalt  }
0x81: {  	_ =	shalt  }
0x82: {  	_ =	shalt  }
0x83: {  	_ =	shalt  }
0x84: {  	_ =	shalt  }
0x85: {  	_ =	shalt  }
0x86: {  	_ =	shalt  }
0x87: {  	_ =	shalt  }
.Lfunc_end0:
.L_simem_size_0:
called_computation_lowered:
.L_overlay_start_0:
0x88: {  	s2 =	sld [smem:$0x3FD9]  }
0x89: {  	s3 =	sld [smem:$0x3FFE];
	_ =	sdelay $0x1  }
0x8a: {  	s1 =	srdreg.scid  }
0x8b: {  	s0 =	sand.u32 $0x1, s1  }
0x8c: {  	s17 =	sshll.u32 s0, $0xA;
	s2 =	sadd.s32 s3, s2  }
0x8d: {  	s2 =	sadd.s32 s2, s17  }
0x8e: {  	[smem:$0x3FC0] =	sst s2  }
0x8f: {  	_ = 	snop  }
0x90: {  	s2 =	sld [smem:$0x3FD0];
	(tm) =	ssettm $0x1  }
0x91: {  	s18 =	sld [smem:$0x3FFB];
	_ =	sdelay $0x3  }
0x92: {  	_ =	strace s18  }
0x93: {  	s3 =	sld [smem:$0x3FFC];
	_ =	sdelay $0x3  }
0x94: {  	_ =	strace s3  }
0x95: {  	s3 =	sld [smem:$0x3FFD];
	_ =	sdelay $0x3  }
0x96: {  	_ =	strace s3  }
0x97: {  	_ =	strace $0x8FFFFFFF  }
0x98: {  	s19 =	sld [smem:$0x3FDB];
	_ =	sdelay $0x1  }
0x99: {  	s4 =	simm.s32 $_scs_section_size  }
0x9a: {  	s5 =	simm.s32 $_size__tile_overlayer_lowered;
	s6 =	simm.s32 $_tile_overlayer_lowered  }
0x9b: {  	s22 =	simm.s32 $0x1BFF;
	s21 =	sshll.u32 s6, $0x1;
	s3 =	sadd.s32 s4, s19  }
0x9c: {  	s7 =	simm.s32 $0x0;
	s20 =	sshll.u32 s5, $0x1;
	s5 =	sadd.s32 s21, s3  }
0x9d: {  	[timem:s7], [sflag:s22] =	dma.local [hbm:s5], s20  }
0x9e: {  	_ =	swait.ge [sflag:s22], s20  }
0x9f: {  	s4 =	ssub.s32 $0x0, s20;
	[sflag:s22] =	ssyncset.done $0x0  }
0xa0: {  	[sflag:s22] =	ssyncadd.s32 s4;
	_ =	sdelay $0x1  }
0xa1: {  	s23 =	simm.s32 $0x1B8B  }
0xa2: {  	_ =	swait.ge [sflag:s23], $0x1  }
0xa3: {  	[sflag:s23] =	ssyncset.done $0x0  }
0xa4: {  	s25 =	simm.s32 $0x1B8E;
	s24 =	sld [smem:$0x3FFE];
	[sflag:s23] =	ssyncadd.s32 $0xFFFFFFFF  }
0xa5: {  	s26 =	simm.s32 $execute0_lowered;
	[smem:$0x3FD2] =	sst s25  }
0xa6: {  	s5 =	sshll.u32 s26, $0x1;
	_ =	strace $0x80000046;
	[dreg:$0x1] =	wrdreg $0xFFFFFFFF  }
0xa7: {  	s28 =	simm.s32 $_size_execute0_lowered;
	s3 =	sadd.s32 s3, s5;
	[dreg:$0x0] =	wrdreg $0x0  }
0xa8: {  	s5 =	sshll.u32 s28, $0x1;
	[dreg:$0x2] =	wrdreg s3  }
0xa9: {  	[dreg:$0x3] =	wrdreg s5  }
0xaa: {  	[dreg:$0x4] =	wrdreg $0xC0  }
0xab: {  	_ =	task [dreg:s7], $0x5FFFF  }
0xac: {  	[dreg:$0x1] =	wrdreg $0xFFFFFFFF  }
0xad: {  	[dreg:$0x0] =	wrdreg $0x60  }
0xae: {  	[dreg:$0x2] =	wrdreg s24  }
0xaf: {  	[dreg:$0x3] =	wrdreg s2  }
0xb0: {  	[dreg:$0x4] =	wrdreg $0x41000  }
0xb1: {  	[dreg:$0x5] =	wrdreg $0x9  }
0xb2: {  	_ =	task.clear_ibuf [dreg:s7], $0x6FFFF;
	_ =	strace $0x90000046  }
0xb3: {  	s29 =	simm.s32 $0x9;
	_ =	strace $0x80000048  }
0xb4: {  	_ =	swait.ge [sflag:s29], $0x1  }
0xb5: {  	[sflag:s29] =	ssyncadd.s32 $0xFFFFFFFF  }
0xb6: {  	_ =	strace $0x90000048  }
0xb7: {  	_ =	sfence  }
0xb8: {  	s30 =	sld [smem:$0x0];
	_ =	sdelay $0x2  }
0xb9: {  	s31 =	sshll.u32 s1, $0xD;
	s1 =	sshrl.u32 s1, $0x2  }
0xba: {  	s3 =	sand.u32 $0x4000, s31;
	s1 =	sadd.s32 s1, s30  }
0xbb: {  	s0 =	sor.u32 s3, s0;
	s1 =	sshll.u32 s1, $0x11  }
0xbc: {  	s0 =	sor.u32 s1, s0  }
0xbd: {  	s0 =	sadd.s32 $0x8F2B, s0  }
0xbe: {  	[sflag:s0] =	ssyncadd.remote.s32 $0x1  }
0xbf: {  	_ =	sfence.sel $0xFFFF  }
0xc0: {  	[dreg:$0x0] =	wrdreg $0xFFFFFFFF;
	(pc) =	sbr.abs _section_cstart, $3  }
0xc1: {  	[dreg:$0x1] =	wrdreg $0xFFFFFFFF  }
0xc2: {  	_ =	task.clear_ibuf [dreg:s7], $0x2FFFF;
	_ =	strace $0x9FFFFFFF  }
0xc3: {  	(tm) =	ssettm $0x7FFFFFFF  }
tec
execute0_lowered:
.L_overlay_start_1:
0x0: {  	(tag) =	ssettag $0x1  }
0x1: {  	s6 =	rddreg [dreg:$0x0]  }
0x2: {  	s1 =	rddreg [dreg:$0x1]  }
0x3: {  	s2 =	rddreg [dreg:$0x2]  }
0x4: {  	s3 =	srdreg.scid;
	s0 =	rddreg [dreg:$0x3]  }
0x5: {  	s4 =	simm.s32 $0x0;
	s15 =	simm.s32 $0x10;
	s7 =	sand.u32 $0x1, s3  }
0x6: {  	s16 =	simm.s32 $0x0;
	s3 =	stileid.u32;
	s5 =	smul.u32 $0x140000, s7  }
0x7: {  	[smem:$0x7FF] =	sst s4;
	s9 =	sadd.s32 $0xCA00, s6;
	s8 =	smul.u32 $0x14000, s3  }
0x8: {  	_ =	strace $0x80000047;
	s10 =	sshll.u32 s3, $0x1;
	s11 =	smul.u32 $0x50000, s3  }
0x9: {  	s28 =	ssub.s32 $0x2, s7;
	s12 =	smul.u32 $0x4E20, s3;
	s31 =	sshll.u32 s3, $0x6  }
0xa: {  	s10 =	sor.u32 s7, s10;
	s13 =	sshrl.u32 s28, $0x1;
	s7 =	smul.u32 $0x2710, s7  }
0xb: {  	s8 =	sadd.s32 s8, s5;
	s5 =	sadd.s32 $0x16800, s6;
	s10 =	smul.u32 $0x2710, s10  }
0xc: {  	s13 =	ssub.s32 s28, s13;
	s29 =	sshrl.u32 s11, $0x2;
	s11 =	simm.s32 $0x1  }
0xd: {  	s8 =	sshrl.u32 s8, $0x3;
	s14 =	sadd.s32 s29, s2;
	s30 =	sadd.s32 s7, s12  }
0xe: {  	s12 =	sor.u32 $0x1C01, s31;
	s8 =	sadd.s32 s8, s6;
	s10 =	sshrl.u32 s10, $0x3  }
0xf: {  	s10 =	sadd.s32 s9, s10;
	s7 =	sadd.s32 $0x17000, s8;
	s8 =	smax.u32 s13, $0x1  }
0x10: {  	s13 =	sshrl.u32 s14, $0x3;
	s6 =	sadd.s32 $0x4E0, s10;
	s10 =	sshrl.u32 s30, $0x3  }
0x11: {  	s14 =	simm.s32 $0x80;
	s9 =	sadd.s32 s10, s9;
	s10 =	simm.s32 $0x100  }
.LBB2_1:
0x12: {  	[tilespmem:s10], [sflag:$0x1] =	stream.linear.gather [hbm4b:s5+s4], $0x4000, $0x38;
	[tilespmem:$0x6900] =	vst v63  }
0x13: {  	_ =	swait.ge [sflag:s11], $0x4000  }
0x14: {  	[sflag:s11] =	ssyncset.done $0x0  }
0x15: {  	[sflag:s11] =	ssyncadd.s32 $0xFFFFC000  }
0x16: {  	[spmem:s13], [sflag:s12] =	dma.local [hbm:s1], $0x2800  }
0x17: {  	_ =	swait.ge [sflag:s11], $0x2800  }
0x18: {  	[sflag:s11] =	ssyncset.done $0x0  }
0x19: {  	[sflag:s11] =	ssyncadd.s32 $0xFFFFD800  }
0x1a: {  	s17 =	sadd.s32 $0x0, s9;
	[bflag:$0x0] =	sbarrier.arrive $0xFFFF  }
0x1b: {  	[tilespmem:s4], [sflag:$0x1] =	stream.linear.gather [hbm4b:s17+s4], $0x80, $0x38;
	[tilespmem:$0x6900] =	vst v63  }
0x1c: {  	_ =	swait.ge [sflag:s11], $0x80  }
0x1d: {  	[sflag:s11] =	ssyncset.done $0x0  }
0x1e: {  	[sflag:s11] =	ssyncadd.s32 $0xFFFFFF80  }
0x1f: {  	[spmem:s2] =	stream.indirect.scatter.add.f32 [tilespmem:s10], [sflag:$0x1], $0x10, s4, s14, $0xb8;
	[tilespmem:$0x6900] =	vst v63  }
0x20: {  	_ =	swait.ge [sflag:s11], $0x800  }
0x21: {  	s18 =	simm.s32 $0x20;
	s17 =	simm.s32 $0x10;
	[sflag:s11] =	ssyncset.done $0x0  }
.LBB2_2:
0x22: {  	s19 =	sadd.s32 s17, s9  }
0x23: {  	[sflag:s11] =	ssyncadd.s32 $0xFFFFF800;
	s17 =	smov.u32 s18;
	s20 =	sadd.s32 $0x10, s18  }
0x24: {  	[tilespmem:s4], [sflag:$0x1] =	stream.linear.gather [hbm4b:s19+s4], $0x80, $0x38;
	[tilespmem:$0x6900] =	vst v63  }
0x25: {  	p0 =	sne.s32 s18, $0x4D0;
	_ =	swait.ge [sflag:s11], $0x80  }
.Ltmp0:
0x26: {  	[sflag:s11] =	ssyncset.done $0x0;
	(pc) =	sbr.rel @p0 .LBB2_2-.Ltmp0, $4  }
0x27: {  	[sflag:s11] =	ssyncadd.s32 $0xFFFFFF80  }
0x28: {  	[spmem:s2] =	stream.indirect.scatter.add.f32 [tilespmem:s10], [sflag:$0x1], $0x10, s4, s14, $0xb8;
	[tilespmem:$0x6900] =	vst v63  }
0x29: {  	_ =	swait.ge [sflag:s11], $0x800  }
0x2a: {  	s18 =	smov.u32 s20;
	[sflag:s11] =	ssyncset.done $0x0  }
0x2b: {  	s17 =	sadd.s32 s17, s9;
	[sflag:s11] =	ssyncadd.s32 $0xFFFFF800  }
0x2c: {  	[tilespmem:s4], [sflag:$0x1] =	stream.linear.gather [hbm4b:s17+s4], $0x80, $0x38;
	[tilespmem:$0x6900] =	vst v63  }
0x2d: {  	_ =	swait.ge [sflag:s11], $0x80  }
0x2e: {  	[sflag:s11] =	ssyncset.done $0x0  }
0x2f: {  	[sflag:s11] =	ssyncadd.s32 $0xFFFFFF80  }
0x30: {  	[spmem:s2] =	stream.indirect.scatter.add.f32 [tilespmem:s10], [sflag:$0x1], $0x10, s4, s14, $0xb8;
	[tilespmem:$0x6900] =	vst v63  }
0x31: {  	_ =	swait.ge [sflag:s11], $0x800  }
0x32: {  	[sflag:s11] =	ssyncset.done $0x0  }
0x33: {  	[sflag:s11] =	ssyncadd.s32 $0xFFFFF800  }
0x34: {  	[tilespmem:s14], [sflag:$0x1] =	stream.linear.gather [hbm4b:s6+s4], $0x10, $0x38;
	[tilespmem:$0x6900] =	vst v63  }
0x35: {  	_ =	swait.ge [sflag:s11], $0x10  }
0x36: {  	[sflag:s11] =	ssyncset.done $0x0  }
0x37: {  	[sflag:s11] =	ssyncadd.s32 $0xFFFFFFF0  }
0x38: {  	[spmem:s2] =	stream.indirect.scatter.add.f32 [tilespmem:s10], [sflag:$0x1], $0x10, s14, s15, $0xb8;
	[tilespmem:$0x6900] =	vst v63  }
0x39: {  	_ =	swait.ge [sflag:s11], $0x100  }
0x3a: {  	s16 =	sadd.s32 $0x1, s16;
	[sflag:s11] =	ssyncset.done $0x0  }
0x3b: {  	p0 =	sne.s32 s16, s8;
	[sflag:s11] =	ssyncadd.s32 $0xFFFFFF00  }
.Ltmp1:
0x3c: {  	[bflag:$0x0] =	sbarrier.arrive $0xFFFF;
	(pc) =	sbr.rel @p0 .LBB2_1-.Ltmp1, $4  }
0x3d: {  	[hbm:s7], [sflag:s12] =	dma.local [spmem:s13], $0x2800  }
0x3e: {  	_ =	swait.ge [sflag:s11], $0x2800  }
0x3f: {  	[sflag:s11] =	ssyncset.done $0x0  }
0x40: {  	[sflag:s11] =	ssyncadd.s32 $0xFFFFD800  }
0x41: {  	_ =	sfence.sel $0x180000  }
0x42: {  	[bflag:$0x0] =	sbarrier.arrive $0xFFFF  }
0x43: {  	p0 =	sne.s32 s3, $0x0;
	_ =	strace $0x90000047  }
0x44: {  	s0 =	sadd.s32 @!p0 $0x100000, s0;
	[bflag:$0x2] =	sbarrier.arrive $0xFFFF  }
0x45: {  	[sflag:s0] =	ssyncadd.tile.s32 @!p0 $0x1;
	_ =	shalt  }
.Lfunc_end2:
_tile_overlayer_lowered:
.L_overlay_start_2:
0x46: {  	(tag) =	ssettag $0x2  }
0x47: {  	s0 =	rddreg [dreg:$0x0];
	s2 =	stileid.u32  }
0x48: {  	s1 =	rddreg [dreg:$0x1];
	p0 =	sne.s32 s2, $0x0  }
0x49: {  	s3 =	rddreg [dreg:$0x2];
	[bflag:$0x3] =	sbarrier.arrive $0xFFFF;
	s2 =	simm.s32 @!p0 $0x1C01  }
0x4a: {  	[timem:s3], [sflag:s2] =	dma.local @!p0 [hbm:s0], s1  }
0x4b: {  	s0 =	simm.s32 @!p0 $0x1  }
0x4c: {  	_ =	swait.ge @!p0 [sflag:s0], s1  }
0x4d: {  	s1 =	ssub.s32 @!p0 $0x0, s1;
	[sflag:s0] =	ssyncset.done @!p0 $0x0  }
0x4e: {  	[sflag:s0] =	ssyncadd.s32 @!p0 s1  }
0x4f: {  	[bflag:$0x3] =	sbarrier.arrive $0xFFFF  }
0x50: {  	_ =	shalt  }

// kernel: kernel.14.cloned.1.call-start
scs
__scs_entry_jumppad:
0x0: {  	(pc) =	sbr.rel $0x88, $3  }
0x1: {  	(tag) =	ssettag $0x0;
	lr =	simm.s32 $0x1  }
0x2: {  	[smem:$0x3F99] =	sst lr;
	_ =	strace $0xD0000000  }
0x3: {  	_ = 	snop  }
0x4: {  	_ = 	snop  }
0x5: {  	_ = 	snop  }
0x6: {  	_ = 	snop  }
0x7: {  	_ = 	snop  }
__scs_overlays_trampoline_lowered:
0x8: {  	[smem:$0x3FA8] =	sst s0  }
0x9: {  	[smem:$0x3FA9] =	sst s1  }
0xa: {  	[smem:$0x3FAA] =	sst s2  }
0xb: {  	[smem:$0x3FAB] =	sst s3  }
0xc: {  	[smem:$0x3FAC] =	sst s4  }
0xd: {  	[smem:$0x3FAD] =	sst s5  }
0xe: {  	[smem:$0x3FAE] =	sst s6  }
0xf: {  	[smem:$0x3FAF] =	sst s7  }
0x10: {  	[smem:$0x3FB0] =	sst s8  }
0x11: {  	[smem:$0x3FB1] =	sst s9;
	s0 =	simm.s32 @!p0 $0x0  }
0x12: {  	s1 =	sld [smem:$0x3F97];
	s0 =	simm.s32 @p0 $0x1  }
0x13: {  	[smem:$0x3FB2] =	sst s0;
	s0 =	simm.s32 @!p1 $0x0  }
0x14: {  	s2 =	sld [smem:$0x3F96];
	s0 =	simm.s32 @p1 $0x1  }
0x15: {  	[smem:$0x3FB3] =	sst s0;
	s0 =	simm.s32 @!p2 $0x0  }
0x16: {  	s3 =	sld [smem:$0x3FDB];
	s0 =	simm.s32 @p2 $0x1  }
0x17: {  	s4 =	simm.s32 $0x1BF5;
	[smem:$0x3FB5] =	sst s0  }
0x18: {  	s0 =	sld [smem:$0x3F98];
	_ =	swait.ge [sflag:s4], $0x0  }
0x19: {  	s7 =	sld [smem:$0x3F99]  }
0x1a: {  	s8 =	sadd.s32 $0xFFFFE003, lr  }
0x1b: {  	s9 =	sadd.s32 $0xFFFFFEF7, lr;
	s5 =	simm.s32 $0xFFFFFFFF;
	p2 =	slt.u32 s8, $0xFFFFF086  }
0x1c: {  	p1 =	slt.u32 s9, $0xF7A;
	s5 =	simm.s32 @!p2 $0x0  }
0x1d: {  	s5 =	simm.s32 @p1 $0x1;
	p0 =	seq.s32 s7, s2  }
0x1e: {  	s7 =	smul.u32 @!p0 $0xF7A, s2;
	p2 =	seq.s32 @!p0 s5, $0x0  }
0x1f: {  	s9 =	smul.u32 $0xF7A, s1;
	s8 =	simm.s32 @!p0 $0x1BF5;
	p2 =	por !p2, p0  }
0x20: {  	[sflag:s8] =	ssyncset.s32 @!p0 $0xFFFFF086;
	s6 =	sadd.s32 @!p0 s3, s7;
	s7 =	simm.s32 @!p0 $0x108  }
0x21: {  	s3 =	sadd.s32 s3, s9;
	s6 =	sadd.s32 @!p0 $0x88, s6;
	s7 =	simm.s32 @p2 $0x1082  }
0x22: {  	[simem:s7], [sflag:s8] =	dma.local @!p0 [hbm:s6], $0xF7A  }
0x23: {  	s9 =	sor.u32 $0xD0000000, s2;
	s6 =	simm.s32 $0x108;
	_ =	swait.ge @!p0 [sflag:s8], $0x0  }
0x24: {  	s3 =	sadd.s32 $0x88, s3;
	s6 =	simm.s32 @!p1 $0x1082;
	[sflag:s4] =	ssyncset.s32 $0xFFFFF086  }
0x25: {  	[simem:s6], [sflag:s4] =	dma.local [hbm:s3], $0xF7A  }
0x26: {  	[smem:$0x3F99] =	sst s1;
	(tag) =	ssettag s2;
	_ =	strace s9  }
0x27: {  	s1 =	sld [smem:$0x3FA9]  }
0x28: {  	s2 =	sld [smem:$0x3FAA]  }
0x29: {  	s4 =	sld [smem:$0x3FAC]  }
0x2a: {  	p0 =	seq.s32 s5, $0x0;
	s5 =	sld [smem:$0x3FAD]  }
0x2b: {  	s6 =	sld [smem:$0x3FAE]  }
0x2c: {  	s7 =	sld [smem:$0x3FAF]  }
0x2d: {  	s3 =	simm.s32 $0x108;
	s8 =	sld [smem:$0x3FB0]  }
0x2e: {  	s3 =	simm.s32 @!p0 $0x1082;
	s9 =	sld [smem:$0x3FB1]  }
0x2f: {  	lr =	sadd.s32 s0, s3;
	s0 =	sld [smem:$0x3FA8]  }
0x30: {  	s3 =	sld [smem:$0x3FAB]  }
0x31: {  	[smem:$0x3FB4] =	sst s10  }
0x32: {  	s10 =	sld [smem:$0x3FB2];
	_ =	sdelay $0x3  }
0x33: {  	p0 =	seq.s32 s10, $0x1;
	s10 =	sld [smem:$0x3FB4];
	_ =	sdelay $0x3  }
0x34: {  	[smem:$0x3FB4] =	sst s10  }
0x35: {  	s10 =	sld [smem:$0x3FB3];
	_ =	sdelay $0x3  }
0x36: {  	p1 =	seq.s32 s10, $0x1;
	s10 =	sld [smem:$0x3FB4];
	_ =	sdelay $0x3  }
0x37: {  	[smem:$0x3FB4] =	sst s10  }
0x38: {  	s10 =	sld [smem:$0x3FB5]  }
0x39: {  	_ = 	snop;
	(pc) =	sbr.ind lr, $3  }
0x3a: {  	_ = 	snop  }
0x3b: {  	_ = 	snop  }
0x3c: {  	p2 =	seq.s32 s10, $0x1;
	s10 =	sld [smem:$0x3FB4]  }
0x3d: {  	_ =	shalt  }
0x3e: {  	_ =	shalt  }
0x3f: {  	_ =	shalt  }
0x40: {  	_ =	shalt  }
0x41: {  	_ =	shalt  }
0x42: {  	_ =	shalt  }
0x43: {  	_ =	shalt  }
0x44: {  	_ =	shalt  }
0x45: {  	_ =	shalt  }
0x46: {  	_ =	shalt  }
0x47: {  	_ =	shalt  }
0x48: {  	_ =	shalt  }
0x49: {  	_ =	shalt  }
0x4a: {  	_ =	shalt  }
0x4b: {  	_ =	shalt  }
0x4c: {  	_ =	shalt  }
0x4d: {  	_ =	shalt  }
0x4e: {  	_ =	shalt  }
0x4f: {  	_ =	shalt  }
0x50: {  	_ =	shalt  }
0x51: {  	_ =	shalt  }
0x52: {  	_ =	shalt  }
0x53: {  	_ =	shalt  }
0x54: {  	_ =	shalt  }
0x55: {  	_ =	shalt  }
0x56: {  	_ =	shalt  }
0x57: {  	_ =	shalt  }
0x58: {  	_ =	shalt  }
0x59: {  	_ =	shalt  }
0x5a: {  	_ =	shalt  }
0x5b: {  	_ =	shalt  }
0x5c: {  	_ =	shalt  }
0x5d: {  	_ =	shalt  }
0x5e: {  	_ =	shalt  }
0x5f: {  	_ =	shalt  }
0x60: {  	_ =	shalt  }
0x61: {  	_ =	shalt  }
0x62: {  	_ =	shalt  }
0x63: {  	_ =	shalt  }
0x64: {  	_ =	shalt  }
0x65: {  	_ =	shalt  }
0x66: {  	_ =	shalt  }
0x67: {  	_ =	shalt  }
0x68: {  	_ =	shalt  }
0x69: {  	_ =	shalt  }
0x6a: {  	_ =	shalt  }
0x6b: {  	_ =	shalt  }
0x6c: {  	_ =	shalt  }
0x6d: {  	_ =	shalt  }
0x6e: {  	_ =	shalt  }
0x6f: {  	_ =	shalt  }
0x70: {  	_ =	shalt  }
0x71: {  	_ =	shalt  }
0x72: {  	_ =	shalt  }
0x73: {  	_ =	shalt  }
0x74: {  	_ =	shalt  }
0x75: {  	_ =	shalt  }
0x76: {  	_ =	shalt  }
0x77: {  	_ =	shalt  }
0x78: {  	_ =	shalt  }
0x79: {  	_ =	shalt  }
0x7a: {  	_ =	shalt  }
0x7b: {  	_ =	shalt  }
0x7c: {  	_ =	shalt  }
0x7d: {  	_ =	shalt  }
0x7e: {  	_ =	shalt  }
0x7f: {  	_ =	shalt  }
0x80: {  	_ =	shalt  }
0x81: {  	_ =	shalt  }
0x82: {  	_ =	shalt  }
0x83: {  	_ =	shalt  }
0x84: {  	_ =	shalt  }
0x85: {  	_ =	shalt  }
0x86: {  	_ =	shalt  }
0x87: {  	_ =	shalt  }
.Lfunc_end0:
.L_simem_size_0:
called_computation.1_lowered:
.L_overlay_start_0:
0x88: {  	s2 =	sld [smem:$0x3FD9]  }
0x89: {  	s3 =	sld [smem:$0x3FFE];
	_ =	sdelay $0x1  }
0x8a: {  	s1 =	srdreg.scid  }
0x8b: {  	s0 =	sand.u32 $0x1, s1  }
0x8c: {  	s17 =	sshll.u32 s0, $0xA;
	s2 =	sadd.s32 s3, s2  }
0x8d: {  	s2 =	sadd.s32 s2, s17  }
0x8e: {  	[smem:$0x3FC0] =	sst s2  }
0x8f: {  	_ = 	snop  }
0x90: {  	s2 =	sld [smem:$0x3FD0];
	(tm) =	ssettm $0x1  }
0x91: {  	s18 =	sld [smem:$0x3FFB];
	_ =	sdelay $0x3  }
0x92: {  	_ =	strace s18  }
0x93: {  	s3 =	sld [smem:$0x3FFC];
	_ =	sdelay $0x3  }
0x94: {  	_ =	strace s3  }
0x95: {  	s3 =	sld [smem:$0x3FFD];
	_ =	sdelay $0x3  }
0x96: {  	_ =	strace s3  }
0x97: {  	_ =	strace $0x8FFFFFFF  }
0x98: {  	s19 =	sld [smem:$0x3FDB];
	_ =	sdelay $0x1  }
0x99: {  	s4 =	simm.s32 $_scs_section_size  }
0x9a: {  	s5 =	simm.s32 $_size__tile_overlayer_lowered;
	s6 =	simm.s32 $_tile_overlayer_lowered  }
0x9b: {  	s22 =	simm.s32 $0x1BFF;
	s21 =	sshll.u32 s6, $0x1;
	s3 =	sadd.s32 s4, s19  }
0x9c: {  	s7 =	simm.s32 $0x0;
	s20 =	sshll.u32 s5, $0x1;
	s5 =	sadd.s32 s21, s3  }
0x9d: {  	[timem:s7], [sflag:s22] =	dma.local [hbm:s5], s20  }
0x9e: {  	_ =	swait.ge [sflag:s22], s20  }
0x9f: {  	s4 =	ssub.s32 $0x0, s20;
	[sflag:s22] =	ssyncset.done $0x0  }
0xa0: {  	[sflag:s22] =	ssyncadd.s32 s4;
	_ =	sdelay $0x1  }
0xa1: {  	s23 =	simm.s32 $0x1B8B  }
0xa2: {  	_ =	swait.ge [sflag:s23], $0x1  }
0xa3: {  	[sflag:s23] =	ssyncset.done $0x0  }
0xa4: {  	s25 =	simm.s32 $0x1B8E;
	s24 =	sld [smem:$0x3FFE];
	[sflag:s23] =	ssyncadd.s32 $0xFFFFFFFF  }
0xa5: {  	s26 =	simm.s32 $execute0_lowered;
	[smem:$0x3FD2] =	sst s25  }
0xa6: {  	s5 =	sshll.u32 s26, $0x1;
	_ =	strace $0x80000049;
	[dreg:$0x1] =	wrdreg $0xFFFFFFFF  }
0xa7: {  	s28 =	simm.s32 $_size_execute0_lowered;
	s3 =	sadd.s32 s3, s5;
	[dreg:$0x0] =	wrdreg $0x0  }
0xa8: {  	s5 =	sshll.u32 s28, $0x1;
	[dreg:$0x2] =	wrdreg s3  }
0xa9: {  	[dreg:$0x3] =	wrdreg s5  }
0xaa: {  	[dreg:$0x4] =	wrdreg $0xC0  }
0xab: {  	_ =	task [dreg:s7], $0x5FFFF  }
0xac: {  	[dreg:$0x1] =	wrdreg $0xFFFFFFFF  }
0xad: {  	[dreg:$0x0] =	wrdreg $0x60  }
0xae: {  	[dreg:$0x2] =	wrdreg s2  }
0xaf: {  	[dreg:$0x3] =	wrdreg s24  }
0xb0: {  	[dreg:$0x4] =	wrdreg $0x7B000  }
0xb1: {  	[dreg:$0x5] =	wrdreg $0x9  }
0xb2: {  	_ =	task.clear_ibuf [dreg:s7], $0x6FFFF;
	_ =	strace $0x90000049  }
0xb3: {  	s29 =	simm.s32 $0x9;
	_ =	strace $0x8000004B  }
0xb4: {  	_ =	swait.ge [sflag:s29], $0x1  }
0xb5: {  	[sflag:s29] =	ssyncadd.s32 $0xFFFFFFFF  }
0xb6: {  	_ =	strace $0x9000004B  }
0xb7: {  	_ =	sfence  }
0xb8: {  	s30 =	sld [smem:$0x0];
	_ =	sdelay $0x2  }
0xb9: {  	s31 =	sshll.u32 s1, $0xD;
	s1 =	sshrl.u32 s1, $0x2  }
0xba: {  	s3 =	sand.u32 $0x4000, s31;
	s1 =	sadd.s32 s1, s30  }
0xbb: {  	s0 =	sor.u32 s3, s0;
	s1 =	sshll.u32 s1, $0x11  }
0xbc: {  	s0 =	sor.u32 s1, s0  }
0xbd: {  	s0 =	sadd.s32 $0x8F2B, s0  }
0xbe: {  	[sflag:s0] =	ssyncadd.remote.s32 $0x1  }
0xbf: {  	_ =	sfence.sel $0xFFFF  }
0xc0: {  	[dreg:$0x0] =	wrdreg $0xFFFFFFFF;
	(pc) =	sbr.abs _section_cstart, $3  }
0xc1: {  	[dreg:$0x1] =	wrdreg $0xFFFFFFFF  }
0xc2: {  	_ =	task.clear_ibuf [dreg:s7], $0x2FFFF;
	_ =	strace $0x9FFFFFFF  }
0xc3: {  	(tm) =	ssettm $0x7FFFFFFF  }
tec
execute0_lowered:
.L_overlay_start_1:
0x0: {  	(tag) =	ssettag $0x1  }
0x1: {  	s1 =	rddreg [dreg:$0x0]  }
0x2: {  	s0 =	rddreg [dreg:$0x1]  }
0x3: {  	s2 =	rddreg [dreg:$0x2];
	s3 =	srdreg.scid  }
0x4: {  	s4 =	simm.s32 $0x0;
	s5 =	stileid.u32;
	s28 =	simm.s32 $0x300  }
0x5: {  	s29 =	simm.s32 $0x2;
	s30 =	simm.s32 $0x2B00;
	s31 =	simm.s32 $0x3  }
0x6: {  	s13 =	simm.s32 $0x0;
	s3 =	sand.u32 $0x1, s3;
	s7 =	smul.u32 $0x14000, s5  }
0x7: {  	[smem:$0x7FF] =	sst s4;
	s12 =	sadd.s32 $0x2C00, s0;
	s15 =	smul.u32 $0x50000, s5  }
0x8: {  	s8 =	sadd.s32 $0xCA00, s0;
	s9 =	sadd.s32 $0x16800, s0;
	s18 =	smul.u32 $0x4E20, s5  }
0x9: {  	s14 =	sshll.u32 s5, $0x1;
	s17 =	sshll.u32 s5, $0x6;
	s6 =	smul.u32 $0x140000, s3  }
0xa: {  	_ =	strace $0x8000004A;
	[dreg:$0x5] =	wrdreg s9;
	s16 =	ssub.s32 $0x2, s3  }
0xb: {  	[dreg:$0x4] =	wrdreg s12;
	s10 =	sshrl.u32 s16, $0x1;
	s9 =	sshrl.u32 s15, $0x2  }
0xc: {  	s6 =	sadd.s32 s7, s6;
	s7 =	sor.u32 s3, s14;
	s9 =	sadd.s32 s9, s2  }
0xd: {  	s14 =	sor.u32 $0x1C0A, s17;
	s3 =	smul.u32 $0x2710, s3;
	s6 =	sshrl.u32 s6, $0x3  }
0xe: {  	s7 =	smul.u32 $0x2710, s7;
	[dreg:$0x6] =	wrdreg s14;
	s0 =	sadd.s32 s6, s0  }
0xf: {  	s6 =	ssub.s32 s16, s10;
	s23 =	sadd.s32 s3, s18;
	s3 =	simm.s32 $0x7  }
0x10: {  	s10 =	simm.s32 $0x5;
	s7 =	sshrl.u32 s7, $0x3;
	s0 =	sadd.s32 $0x19000, s0  }
0x11: {  	s24 =	smax.u32 s6, $0x1;
	s25 =	sadd.s32 $0xA0, s23;
	s26 =	sadd.s32 $0x50, s23  }
0x12: {  	s17 =	sshrl.u32 s23, $0x3;
	s6 =	sshrl.u32 s9, $0x3;
	s23 =	simm.s32 $0x100  }
0x13: {  	s9 =	simm.s32 $0x8;
	s11 =	sadd.s32 $0x4CE, s7;
	[dreg:$0xb] =	wrdreg s0  }
0x14: {  	s7 =	sadd.s32 $0x4D8, s7;
	[dreg:$0xc] =	wrdreg s24;
	s15 =	sshrl.u32 s25, $0x3  }
0x15: {  	s16 =	sshrl.u32 s26, $0x3;
	s24 =	simm.s32 $0x280;
	s25 =	simm.s32 $0x1  }
0x16: {  	s26 =	simm.s32 $0x50;
	[dreg:$0xd] =	wrdreg s6;
	s19 =	sadd.s32 s12, s11  }
0x17: {  	s0 =	simm.s32 $0x5300;
	s20 =	sadd.s32 s8, s11;
	[dreg:$0x7] =	wrdreg s19  }
0x18: {  	s21 =	sadd.s32 s12, s7;
	s22 =	sadd.s32 s8, s7;
	[dreg:$0x8] =	wrdreg s20  }
0x19: {  	s7 =	simm.s32 $0x4;
	s11 =	simm.s32 $0x9;
	[dreg:$0x9] =	wrdreg s21  }
0x1a: {  	s12 =	simm.s32 $0x6;
	[dreg:$0xa] =	wrdreg s22;
	s19 =	simm.s32 $0xA  }
0x1b: {  	s20 =	simm.s32 $0x180;
	s21 =	simm.s32 $0x80;
	s22 =	simm.s32 $0x200  }
.LBB2_1:
0x1c: {  	s5 =	rddreg [dreg:$0x5]  }
0x1d: {  	[spmem:s6], [sflag:s14] =	dma.local [hbm:s5], $0x2800  }
0x1e: {  	_ =	swait.ge [sflag:s19], $0x2800  }
0x1f: {  	[sflag:s19] =	ssyncset.done $0x0  }
0x20: {  	[sflag:s19] =	ssyncadd.s32 $0xFFFFD800  }
0x21: {  	[bflag:$0x0] =	sbarrier.arrive $0xFFFF  }
0x22: {  	s5 =	rddreg [dreg:$0x4]  }
0x23: {  	s14 =	sadd.s32 s5, s17  }
0x24: {  	[tilespmem:s4], [sflag:$0x1] =	stream.linear.gather [hbm4b:s14+s4], $0x50, $0x38;
	[tilespmem:$0x1BB00] =	vst v63  }
0x25: {  	s18 =	sadd.s32 s8, s17  }
0x26: {  	[tilespmem:s20], [sflag:$0x4] =	stream.linear.gather [hbm4b:s18+s4], $0x50, $0x38;
	[tilespmem:$0x1BB00] =	vst v63  }
0x27: {  	s14 =	sadd.s32 s5, s16  }
0x28: {  	[tilespmem:s21], [sflag:$0x2] =	stream.linear.gather [hbm4b:s14+s4], $0x50, $0x38;
	[tilespmem:$0x1BB00] =	vst v63  }
0x29: {  	s18 =	sadd.s32 s8, s16  }
0x2a: {  	[tilespmem:s22], [sflag:$0x5] =	stream.linear.gather [hbm4b:s18+s4], $0x50, $0x38;
	[tilespmem:$0x1BB00] =	vst v63  }
0x2b: {  	s14 =	sadd.s32 s5, s15  }
0x2c: {  	[tilespmem:s23], [sflag:$0x3] =	stream.linear.gather [hbm4b:s14+s4], $0x50, $0x38;
	[tilespmem:$0x1BB00] =	vst v63  }
0x2d: {  	s18 =	sadd.s32 s8, s15  }
0x2e: {  	[tilespmem:s24], [sflag:$0x6] =	stream.linear.gather [hbm4b:s18+s4], $0x50, $0x38;
	[tilespmem:$0x1BB00] =	vst v63  }
0x2f: {  	_ =	swait.ge [sflag:s25], $0x50  }
0x30: {  	[sflag:s25] =	ssyncset.done $0x0  }
0x31: {  	[sflag:s25] =	ssyncadd.s32 $0xFFFFFFB0  }
0x32: {  	[tilespmem:s28], [sflag:$0x7] =	stream.indirect.gather [hbm4b:s1+s26], $0x80, s4, s26, $0xb8;
	[tilespmem:$0x1BB00] =	vst v63  }
0x33: {  	_ =	swait.ge [sflag:s29], $0x50  }
0x34: {  	[sflag:s29] =	ssyncset.done $0x0  }
0x35: {  	[sflag:s29] =	ssyncadd.s32 $0xFFFFFFB0  }
0x36: {  	[tilespmem:s30], [sflag:$0x8] =	stream.indirect.gather [hbm4b:s1+s26], $0x80, s21, s26, $0xb8;
	[tilespmem:$0x1BB00] =	vst v63  }
0x37: {  	_ =	swait.ge [sflag:s31], $0x50  }
0x38: {  	[sflag:s31] =	ssyncset.done $0x0  }
0x39: {  	[sflag:s31] =	ssyncadd.s32 $0xFFFFFFB0  }
0x3a: {  	[tilespmem:s0], [sflag:$0x9] =	stream.indirect.gather [hbm4b:s1+s26], $0x80, s23, s26, $0xb8;
	[tilespmem:$0x1BB00] =	vst v63  }
0x3b: {  	_ =	swait.ge [sflag:s3], $0x2800  }
0x3c: {  	[sflag:s3] =	ssyncset.done $0x0  }
0x3d: {  	[sflag:s3] =	ssyncadd.s32 $0xFFFFD800  }
0x3e: {  	_ =	swait.ge [sflag:s7], $0x50  }
0x3f: {  	[sflag:s7] =	ssyncset.done $0x0  }
0x40: {  	[sflag:s7] =	ssyncadd.s32 $0xFFFFFFB0  }
0x41: {  	[spmem:s2] =	stream.indirect.scatter.add.f32 [tilespmem:s28], [sflag:$0xA], $0x80, s20, s26, $0xb8;
	[tilespmem:$0x1BB00] =	vst v63  }
0x42: {  	_ =	swait.ge [sflag:s19], $0x2800  }
0x43: {  	[sflag:s19] =	ssyncset.done $0x0  }
0x44: {  	[sflag:s19] =	ssyncadd.s32 $0xFFFFD800  }
0x45: {  	_ =	swait.ge [sflag:s9], $0x2800  }
0x46: {  	[sflag:s9] =	ssyncset.done $0x0  }
0x47: {  	[sflag:s9] =	ssyncadd.s32 $0xFFFFD800  }
0x48: {  	_ =	swait.ge [sflag:s10], $0x50  }
0x49: {  	[sflag:s10] =	ssyncset.done $0x0  }
0x4a: {  	[sflag:s10] =	ssyncadd.s32 $0xFFFFFFB0  }
0x4b: {  	[spmem:s2] =	stream.indirect.scatter.add.f32 [tilespmem:s30], [sflag:$0xA], $0x80, s22, s26, $0xb8;
	[tilespmem:$0x1BB00] =	vst v63  }
0x4c: {  	_ =	swait.ge [sflag:s19], $0x2800  }
0x4d: {  	[sflag:s19] =	ssyncset.done $0x0  }
0x4e: {  	[sflag:s19] =	ssyncadd.s32 $0xFFFFD800  }
0x4f: {  	_ =	swait.ge [sflag:s11], $0x2800  }
0x50: {  	[sflag:s11] =	ssyncset.done $0x0  }
0x51: {  	[sflag:s11] =	ssyncadd.s32 $0xFFFFD800  }
0x52: {  	_ =	swait.ge [sflag:s12], $0x50  }
0x53: {  	[sflag:s12] =	ssyncset.done $0x0  }
0x54: {  	[sflag:s12] =	ssyncadd.s32 $0xFFFFFFB0  }
0x55: {  	[spmem:s2] =	stream.indirect.scatter.add.f32 [tilespmem:s0], [sflag:$0xA], $0x80, s24, s26, $0xb8;
	[tilespmem:$0x1BB00] =	vst v63  }
0x56: {  	s6 =	smov.u32 s8;
	_ =	swait.ge [sflag:s19], $0x2800  }
0x57: {  	s14 =	sadd.s32 $0x1E, s5;
	s18 =	simm.s32 $0x27;
	[sflag:s19] =	ssyncset.done $0x0  }
.LBB2_2:
0x58: {  	s5 =	sadd.s32 s14, s17;
	[sflag:s19] =	ssyncadd.s32 $0xFFFFD800;
	s6 =	sadd.s32 $0x1E, s6  }
0x59: {  	[tilespmem:s4], [sflag:$0x1] =	stream.linear.gather [hbm4b:s5+s4], $0x50, $0x38;
	[tilespmem:$0x1BB00] =	vst v63  }
0x5a: {  	p0 =	sne.s32 s18, $0x1;
	s18 =	sadd.s32 $0xFFFFFFFF, s18;
	s5 =	sadd.s32 s6, s17  }
0x5b: {  	[tilespmem:s20], [sflag:$0x4] =	stream.linear.gather [hbm4b:s5+s4], $0x50, $0x38;
	[tilespmem:$0x1BB00] =	vst v63  }
0x5c: {  	s5 =	sadd.s32 s14, s16  }
0x5d: {  	[tilespmem:s21], [sflag:$0x2] =	stream.linear.gather [hbm4b:s5+s4], $0x50, $0x38;
	[tilespmem:$0x1BB00] =	vst v63  }
0x5e: {  	s5 =	sadd.s32 s6, s16  }
0x5f: {  	[tilespmem:s22], [sflag:$0x5] =	stream.linear.gather [hbm4b:s5+s4], $0x50, $0x38;
	[tilespmem:$0x1BB00] =	vst v63  }
0x60: {  	s5 =	sadd.s32 s14, s15  }
0x61: {  	[tilespmem:s23], [sflag:$0x3] =	stream.linear.gather [hbm4b:s5+s4], $0x50, $0x38;
	[tilespmem:$0x1BB00] =	vst v63  }
0x62: {  	s5 =	sadd.s32 s6, s15  }
0x63: {  	[tilespmem:s24], [sflag:$0x6] =	stream.linear.gather [hbm4b:s5+s4], $0x50, $0x38;
	[tilespmem:$0x1BB00] =	vst v63  }
0x64: {  	_ =	swait.ge [sflag:s25], $0x50  }
0x65: {  	[sflag:s25] =	ssyncset.done $0x0  }
0x66: {  	[sflag:s25] =	ssyncadd.s32 $0xFFFFFFB0  }
0x67: {  	[tilespmem:s28], [sflag:$0x7] =	stream.indirect.gather [hbm4b:s1+s26], $0x80, s4, s26, $0xb8;
	[tilespmem:$0x1BB00] =	vst v63  }
0x68: {  	_ =	swait.ge [sflag:s29], $0x50  }
0x69: {  	[sflag:s29] =	ssyncset.done $0x0  }
0x6a: {  	[sflag:s29] =	ssyncadd.s32 $0xFFFFFFB0  }
0x6b: {  	[tilespmem:s30], [sflag:$0x8] =	stream.indirect.gather [hbm4b:s1+s26], $0x80, s21, s26, $0xb8;
	[tilespmem:$0x1BB00] =	vst v63  }
0x6c: {  	_ =	swait.ge [sflag:s31], $0x50  }
0x6d: {  	[sflag:s31] =	ssyncset.done $0x0  }
0x6e: {  	[sflag:s31] =	ssyncadd.s32 $0xFFFFFFB0  }
0x6f: {  	[tilespmem:s0], [sflag:$0x9] =	stream.indirect.gather [hbm4b:s1+s26], $0x80, s23, s26, $0xb8;
	[tilespmem:$0x1BB00] =	vst v63  }
0x70: {  	_ =	swait.ge [sflag:s3], $0x2800  }
0x71: {  	[sflag:s3] =	ssyncset.done $0x0  }
0x72: {  	[sflag:s3] =	ssyncadd.s32 $0xFFFFD800  }
0x73: {  	_ =	swait.ge [sflag:s7], $0x50  }
0x74: {  	[sflag:s7] =	ssyncset.done $0x0  }
0x75: {  	[sflag:s7] =	ssyncadd.s32 $0xFFFFFFB0  }
0x76: {  	[spmem:s2] =	stream.indirect.scatter.add.f32 [tilespmem:s28], [sflag:$0xA], $0x80, s20, s26, $0xb8;
	[tilespmem:$0x1BB00] =	vst v63  }
0x77: {  	_ =	swait.ge [sflag:s19], $0x2800  }
0x78: {  	[sflag:s19] =	ssyncset.done $0x0  }
0x79: {  	[sflag:s19] =	ssyncadd.s32 $0xFFFFD800  }
0x7a: {  	_ =	swait.ge [sflag:s9], $0x2800  }
0x7b: {  	[sflag:s9] =	ssyncset.done $0x0  }
0x7c: {  	[sflag:s9] =	ssyncadd.s32 $0xFFFFD800  }
0x7d: {  	_ =	swait.ge [sflag:s10], $0x50  }
0x7e: {  	[sflag:s10] =	ssyncset.done $0x0  }
0x7f: {  	[sflag:s10] =	ssyncadd.s32 $0xFFFFFFB0  }
0x80: {  	[spmem:s2] =	stream.indirect.scatter.add.f32 [tilespmem:s30], [sflag:$0xA], $0x80, s22, s26, $0xb8;
	[tilespmem:$0x1BB00] =	vst v63  }
0x81: {  	_ =	swait.ge [sflag:s19], $0x2800  }
0x82: {  	[sflag:s19] =	ssyncset.done $0x0  }
0x83: {  	[sflag:s19] =	ssyncadd.s32 $0xFFFFD800  }
0x84: {  	_ =	swait.ge [sflag:s11], $0x2800  }
0x85: {  	[sflag:s11] =	ssyncset.done $0x0  }
0x86: {  	[sflag:s11] =	ssyncadd.s32 $0xFFFFD800  }
0x87: {  	_ =	swait.ge [sflag:s12], $0x50  }
.Ltmp0:
0x88: {  	[sflag:s12] =	ssyncset.done $0x0;
	(pc) =	sbr.rel @p0 .LBB2_2-.Ltmp0, $4  }
0x89: {  	[sflag:s12] =	ssyncadd.s32 $0xFFFFFFB0  }
0x8a: {  	[spmem:s2] =	stream.indirect.scatter.add.f32 [tilespmem:s0], [sflag:$0xA], $0x80, s24, s26, $0xb8;
	[tilespmem:$0x1BB00] =	vst v63  }
0x8b: {  	_ =	swait.ge [sflag:s19], $0x2800  }
0x8c: {  	s14 =	sadd.s32 $0x1E, s14;
	[sflag:s19] =	ssyncset.done $0x0  }
0x8d: {  	s5 =	sadd.s32 s14, s17;
	[sflag:s19] =	ssyncadd.s32 $0xFFFFD800;
	s6 =	sadd.s32 $0x1E, s6  }
0x8e: {  	[tilespmem:s4], [sflag:$0x1] =	stream.linear.gather [hbm4b:s5+s4], $0x50, $0x38;
	[tilespmem:$0x1BB00] =	vst v63  }
0x8f: {  	s18 =	sadd.s32 s6, s17  }
0x90: {  	[tilespmem:s20], [sflag:$0x4] =	stream.linear.gather [hbm4b:s18+s4], $0x50, $0x38;
	[tilespmem:$0x1BB00] =	vst v63  }
0x91: {  	s18 =	sadd.s32 s14, s16  }
0x92: {  	[tilespmem:s21], [sflag:$0x2] =	stream.linear.gather [hbm4b:s18+s4], $0x50, $0x38;
	[tilespmem:$0x1BB00] =	vst v63  }
0x93: {  	s18 =	sadd.s32 s6, s16  }
0x94: {  	[tilespmem:s22], [sflag:$0x5] =	stream.linear.gather [hbm4b:s18+s4], $0x50, $0x38;
	[tilespmem:$0x1BB00] =	vst v63  }
0x95: {  	s18 =	sadd.s32 s14, s15  }
0x96: {  	[tilespmem:s23], [sflag:$0x3] =	stream.linear.gather [hbm4b:s18+s4], $0x50, $0x38;
	[tilespmem:$0x1BB00] =	vst v63  }
0x97: {  	s6 =	sadd.s32 s6, s15  }
0x98: {  	[tilespmem:s24], [sflag:$0x6] =	stream.linear.gather [hbm4b:s6+s4], $0x50, $0x38;
	[tilespmem:$0x1BB00] =	vst v63  }
0x99: {  	_ =	swait.ge [sflag:s25], $0x50  }
0x9a: {  	[sflag:s25] =	ssyncset.done $0x0  }
0x9b: {  	[sflag:s25] =	ssyncadd.s32 $0xFFFFFFB0  }
0x9c: {  	[tilespmem:s28], [sflag:$0x7] =	stream.indirect.gather [hbm4b:s1+s26], $0x80, s4, s26, $0xb8;
	[tilespmem:$0x1BB00] =	vst v63  }
0x9d: {  	_ =	swait.ge [sflag:s29], $0x50  }
0x9e: {  	[sflag:s29] =	ssyncset.done $0x0  }
0x9f: {  	[sflag:s29] =	ssyncadd.s32 $0xFFFFFFB0  }
0xa0: {  	[tilespmem:s30], [sflag:$0x8] =	stream.indirect.gather [hbm4b:s1+s26], $0x80, s21, s26, $0xb8;
	[tilespmem:$0x1BB00] =	vst v63  }
0xa1: {  	_ =	swait.ge [sflag:s31], $0x50  }
0xa2: {  	[sflag:s31] =	ssyncset.done $0x0  }
0xa3: {  	[sflag:s31] =	ssyncadd.s32 $0xFFFFFFB0  }
0xa4: {  	[tilespmem:s0], [sflag:$0x9] =	stream.indirect.gather [hbm4b:s1+s26], $0x80, s23, s26, $0xb8;
	[tilespmem:$0x1BB00] =	vst v63  }
0xa5: {  	_ =	swait.ge [sflag:s3], $0x2800  }
0xa6: {  	[sflag:s3] =	ssyncset.done $0x0  }
0xa7: {  	[sflag:s3] =	ssyncadd.s32 $0xFFFFD800  }
0xa8: {  	_ =	swait.ge [sflag:s7], $0x50  }
0xa9: {  	[sflag:s7] =	ssyncset.done $0x0  }
0xaa: {  	[sflag:s7] =	ssyncadd.s32 $0xFFFFFFB0  }
0xab: {  	[spmem:s2] =	stream.indirect.scatter.add.f32 [tilespmem:s28], [sflag:$0xA], $0x80, s20, s26, $0xb8;
	[tilespmem:$0x1BB00] =	vst v63  }
0xac: {  	_ =	swait.ge [sflag:s19], $0x2800  }
0xad: {  	[sflag:s19] =	ssyncset.done $0x0  }
0xae: {  	[sflag:s19] =	ssyncadd.s32 $0xFFFFD800  }
0xaf: {  	_ =	swait.ge [sflag:s9], $0x2800  }
0xb0: {  	[sflag:s9] =	ssyncset.done $0x0  }
0xb1: {  	[sflag:s9] =	ssyncadd.s32 $0xFFFFD800  }
0xb2: {  	_ =	swait.ge [sflag:s10], $0x50  }
0xb3: {  	[sflag:s10] =	ssyncset.done $0x0  }
0xb4: {  	[sflag:s10] =	ssyncadd.s32 $0xFFFFFFB0  }
0xb5: {  	[spmem:s2] =	stream.indirect.scatter.add.f32 [tilespmem:s30], [sflag:$0xA], $0x80, s22, s26, $0xb8;
	[tilespmem:$0x1BB00] =	vst v63  }
0xb6: {  	_ =	swait.ge [sflag:s19], $0x2800  }
0xb7: {  	[sflag:s19] =	ssyncset.done $0x0  }
0xb8: {  	[sflag:s19] =	ssyncadd.s32 $0xFFFFD800  }
0xb9: {  	_ =	swait.ge [sflag:s11], $0x2800  }
0xba: {  	[sflag:s11] =	ssyncset.done $0x0  }
0xbb: {  	[sflag:s11] =	ssyncadd.s32 $0xFFFFD800  }
0xbc: {  	_ =	swait.ge [sflag:s12], $0x50  }
0xbd: {  	[sflag:s12] =	ssyncset.done $0x0  }
0xbe: {  	[sflag:s12] =	ssyncadd.s32 $0xFFFFFFB0  }
0xbf: {  	[spmem:s2] =	stream.indirect.scatter.add.f32 [tilespmem:s0], [sflag:$0xA], $0x80, s24, s26, $0xb8;
	[tilespmem:$0x1BB00] =	vst v63  }
0xc0: {  	_ =	swait.ge [sflag:s19], $0x2800  }
0xc1: {  	[sflag:s19] =	ssyncset.done $0x0  }
0xc2: {  	s14 =	rddreg [dreg:$0x7];
	[sflag:s19] =	ssyncadd.s32 $0xFFFFD800  }
0xc3: {  	[tilespmem:s4], [sflag:$0x1] =	stream.linear.gather [hbm4b:s14+s4], $0x50, $0x38;
	[tilespmem:$0x1BB00] =	vst v63  }
0xc4: {  	s18 =	rddreg [dreg:$0x8]  }
0xc5: {  	[tilespmem:s20], [sflag:$0x4] =	stream.linear.gather [hbm4b:s18+s4], $0x50, $0x38;
	[tilespmem:$0x1BB00] =	vst v63  }
0xc6: {  	s6 =	rddreg [dreg:$0x9]  }
0xc7: {  	[tilespmem:s21], [sflag:$0x2] =	stream.linear.gather [hbm4b:s6+s4], $0x50, $0x38;
	[tilespmem:$0x1BB00] =	vst v63  }
0xc8: {  	s14 =	rddreg [dreg:$0xa]  }
0xc9: {  	[tilespmem:s22], [sflag:$0x5] =	stream.linear.gather [hbm4b:s14+s4], $0x50, $0x38;
	[tilespmem:$0x1BB00] =	vst v63  }
0xca: {  	_ =	swait.ge [sflag:s25], $0x50  }
0xcb: {  	[sflag:s25] =	ssyncset.done $0x0  }
0xcc: {  	[sflag:s25] =	ssyncadd.s32 $0xFFFFFFB0  }
0xcd: {  	[tilespmem:s28], [sflag:$0x7] =	stream.indirect.gather [hbm4b:s1+s26], $0x80, s4, s26, $0xb8;
	[tilespmem:$0x1BB00] =	vst v63  }
0xce: {  	_ =	swait.ge [sflag:s29], $0x50  }
0xcf: {  	[sflag:s29] =	ssyncset.done $0x0  }
0xd0: {  	[sflag:s29] =	ssyncadd.s32 $0xFFFFFFB0  }
0xd1: {  	[tilespmem:s30], [sflag:$0x8] =	stream.indirect.gather [hbm4b:s1+s26], $0x80, s21, s26, $0xb8;
	[tilespmem:$0x1BB00] =	vst v63  }
0xd2: {  	_ =	swait.ge [sflag:s3], $0x2800  }
0xd3: {  	[sflag:s3] =	ssyncset.done $0x0  }
0xd4: {  	[sflag:s3] =	ssyncadd.s32 $0xFFFFD800  }
0xd5: {  	_ =	swait.ge [sflag:s7], $0x50  }
0xd6: {  	[sflag:s7] =	ssyncset.done $0x0  }
0xd7: {  	[sflag:s7] =	ssyncadd.s32 $0xFFFFFFB0  }
0xd8: {  	[spmem:s2] =	stream.indirect.scatter.add.f32 [tilespmem:s28], [sflag:$0xA], $0x80, s20, s26, $0xb8;
	[tilespmem:$0x1BB00] =	vst v63  }
0xd9: {  	_ =	swait.ge [sflag:s19], $0x2800  }
0xda: {  	[sflag:s19] =	ssyncset.done $0x0  }
0xdb: {  	[sflag:s19] =	ssyncadd.s32 $0xFFFFD800  }
0xdc: {  	_ =	swait.ge [sflag:s9], $0x2800  }
0xdd: {  	[sflag:s9] =	ssyncset.done $0x0  }
0xde: {  	[sflag:s9] =	ssyncadd.s32 $0xFFFFD800  }
0xdf: {  	_ =	swait.ge [sflag:s10], $0x50  }
0xe0: {  	[sflag:s10] =	ssyncset.done $0x0  }
0xe1: {  	[sflag:s10] =	ssyncadd.s32 $0xFFFFFFB0  }
0xe2: {  	[spmem:s2] =	stream.indirect.scatter.add.f32 [tilespmem:s30], [sflag:$0xA], $0x80, s22, s26, $0xb8;
	[tilespmem:$0x1BB00] =	vst v63  }
0xe3: {  	_ =	swait.ge [sflag:s19], $0x2800  }
0xe4: {  	[sflag:s19] =	ssyncset.done $0x0  }
0xe5: {  	[sflag:s19] =	ssyncadd.s32 $0xFFFFD800  }
0xe6: {  	[bflag:$0x0] =	sbarrier.arrive $0xFFFF  }
0xe7: {  	s14 =	rddreg [dreg:$0x6]  }
0xe8: {  	s18 =	rddreg [dreg:$0xb]  }
0xe9: {  	s6 =	rddreg [dreg:$0xd]  }
0xea: {  	[hbm:s18], [sflag:s14] =	dma.local [spmem:s6], $0x2800  }
0xeb: {  	_ =	swait.ge [sflag:s19], $0x2800  }
0xec: {  	s13 =	sadd.s32 $0x1, s13;
	s18 =	rddreg [dreg:$0xc]  }
0xed: {  	p0 =	sne.s32 s13, s18  }
.Ltmp1:
0xee: {  	_ = 	snop;
	(pc) =	sbr.rel @p0 .LBB2_1-.Ltmp1, $3  }
0xef: {  	_ =	sdelay $0x1  }
0xf0: {  	[sflag:s19] =	ssyncset.done $0x0  }
0xf1: {  	[sflag:s19] =	ssyncadd.s32 $0xFFFFD800  }
0xf2: {  	_ =	sfence.sel $0x180000  }
0xf3: {  	[bflag:$0x0] =	sbarrier.arrive $0xFFFF  }
0xf4: {  	_ =	strace $0x9000004A  }
0xf5: {  	s0 =	stileid.u32;
	[bflag:$0x2] =	sbarrier.arrive $0xFFFF  }
0xf6: {  	p0 =	sne.s32 s0, $0x0;
	s0 =	rddreg [dreg:$0x3]  }
0xf7: {  	s0 =	sadd.s32 @!p0 $0x100000, s0  }
0xf8: {  	[sflag:s0] =	ssyncadd.tile.s32 @!p0 $0x1;
	_ =	shalt  }
.Lfunc_end2:
_tile_overlayer_lowered:
.L_overlay_start_2:
0xf9: {  	(tag) =	ssettag $0x2  }
0xfa: {  	s0 =	rddreg [dreg:$0x0];
	s2 =	stileid.u32  }
0xfb: {  	s1 =	rddreg [dreg:$0x1];
	p0 =	sne.s32 s2, $0x0  }
0xfc: {  	s3 =	rddreg [dreg:$0x2];
	[bflag:$0x3] =	sbarrier.arrive $0xFFFF;
	s2 =	simm.s32 @!p0 $0x1C0A  }
0xfd: {  	[timem:s3], [sflag:s2] =	dma.local @!p0 [hbm:s0], s1  }
0xfe: {  	s0 =	simm.s32 @!p0 $0xA  }
0xff: {  	_ =	swait.ge @!p0 [sflag:s0], s1  }
0x100: {  	s1 =	ssub.s32 @!p0 $0x0, s1;
	[sflag:s0] =	ssyncset.done @!p0 $0x0  }
0x101: {  	[sflag:s0] =	ssyncadd.s32 @!p0 s1  }
0x102: {  	[bflag:$0x3] =	sbarrier.arrive $0xFFFF  }
0x103: {  	_ =	shalt  }

// kernel: kernel.17.cloned.1.call-start
scs
__scs_entry_jumppad:
0x0: {  	(pc) =	sbr.rel $0x88, $3  }
0x1: {  	(tag) =	ssettag $0x0;
	lr =	simm.s32 $0x1  }
0x2: {  	[smem:$0x3F99] =	sst lr;
	_ =	strace $0xD0000000  }
0x3: {  	_ = 	snop  }
0x4: {  	_ = 	snop  }
0x5: {  	_ = 	snop  }
0x6: {  	_ = 	snop  }
0x7: {  	_ = 	snop  }
__scs_overlays_trampoline_lowered:
0x8: {  	[smem:$0x3FA8] =	sst s0  }
0x9: {  	[smem:$0x3FA9] =	sst s1  }
0xa: {  	[smem:$0x3FAA] =	sst s2  }
0xb: {  	[smem:$0x3FAB] =	sst s3  }
0xc: {  	[smem:$0x3FAC] =	sst s4  }
0xd: {  	[smem:$0x3FAD] =	sst s5  }
0xe: {  	[smem:$0x3FAE] =	sst s6  }
0xf: {  	[smem:$0x3FAF] =	sst s7  }
0x10: {  	[smem:$0x3FB0] =	sst s8  }
0x11: {  	[smem:$0x3FB1] =	sst s9;
	s0 =	simm.s32 @!p0 $0x0  }
0x12: {  	s1 =	sld [smem:$0x3F97];
	s0 =	simm.s32 @p0 $0x1  }
0x13: {  	[smem:$0x3FB2] =	sst s0;
	s0 =	simm.s32 @!p1 $0x0  }
0x14: {  	s2 =	sld [smem:$0x3F96];
	s0 =	simm.s32 @p1 $0x1  }
0x15: {  	[smem:$0x3FB3] =	sst s0;
	s0 =	simm.s32 @!p2 $0x0  }
0x16: {  	s3 =	sld [smem:$0x3FDB];
	s0 =	simm.s32 @p2 $0x1  }
0x17: {  	s4 =	simm.s32 $0x1BF5;
	[smem:$0x3FB5] =	sst s0  }
0x18: {  	s0 =	sld [smem:$0x3F98];
	_ =	swait.ge [sflag:s4], $0x0  }
0x19: {  	s7 =	sld [smem:$0x3F99]  }
0x1a: {  	s8 =	sadd.s32 $0xFFFFE003, lr  }
0x1b: {  	s9 =	sadd.s32 $0xFFFFFEF7, lr;
	s5 =	simm.s32 $0xFFFFFFFF;
	p2 =	slt.u32 s8, $0xFFFFF086  }
0x1c: {  	p1 =	slt.u32 s9, $0xF7A;
	s5 =	simm.s32 @!p2 $0x0  }
0x1d: {  	s5 =	simm.s32 @p1 $0x1;
	p0 =	seq.s32 s7, s2  }
0x1e: {  	s7 =	smul.u32 @!p0 $0xF7A, s2;
	p2 =	seq.s32 @!p0 s5, $0x0  }
0x1f: {  	s9 =	smul.u32 $0xF7A, s1;
	s8 =	simm.s32 @!p0 $0x1BF5;
	p2 =	por !p2, p0  }
0x20: {  	[sflag:s8] =	ssyncset.s32 @!p0 $0xFFFFF086;
	s6 =	sadd.s32 @!p0 s3, s7;
	s7 =	simm.s32 @!p0 $0x108  }
0x21: {  	s3 =	sadd.s32 s3, s9;
	s6 =	sadd.s32 @!p0 $0x88, s6;
	s7 =	simm.s32 @p2 $0x1082  }
0x22: {  	[simem:s7], [sflag:s8] =	dma.local @!p0 [hbm:s6], $0xF7A  }
0x23: {  	s9 =	sor.u32 $0xD0000000, s2;
	s6 =	simm.s32 $0x108;
	_ =	swait.ge @!p0 [sflag:s8], $0x0  }
0x24: {  	s3 =	sadd.s32 $0x88, s3;
	s6 =	simm.s32 @!p1 $0x1082;
	[sflag:s4] =	ssyncset.s32 $0xFFFFF086  }
0x25: {  	[simem:s6], [sflag:s4] =	dma.local [hbm:s3], $0xF7A  }
0x26: {  	[smem:$0x3F99] =	sst s1;
	(tag) =	ssettag s2;
	_ =	strace s9  }
0x27: {  	s1 =	sld [smem:$0x3FA9]  }
0x28: {  	s2 =	sld [smem:$0x3FAA]  }
0x29: {  	s4 =	sld [smem:$0x3FAC]  }
0x2a: {  	p0 =	seq.s32 s5, $0x0;
	s5 =	sld [smem:$0x3FAD]  }
0x2b: {  	s6 =	sld [smem:$0x3FAE]  }
0x2c: {  	s7 =	sld [smem:$0x3FAF]  }
0x2d: {  	s3 =	simm.s32 $0x108;
	s8 =	sld [smem:$0x3FB0]  }
0x2e: {  	s3 =	simm.s32 @!p0 $0x1082;
	s9 =	sld [smem:$0x3FB1]  }
0x2f: {  	lr =	sadd.s32 s0, s3;
	s0 =	sld [smem:$0x3FA8]  }
0x30: {  	s3 =	sld [smem:$0x3FAB]  }
0x31: {  	[smem:$0x3FB4] =	sst s10  }
0x32: {  	s10 =	sld [smem:$0x3FB2];
	_ =	sdelay $0x3  }
0x33: {  	p0 =	seq.s32 s10, $0x1;
	s10 =	sld [smem:$0x3FB4];
	_ =	sdelay $0x3  }
0x34: {  	[smem:$0x3FB4] =	sst s10  }
0x35: {  	s10 =	sld [smem:$0x3FB3];
	_ =	sdelay $0x3  }
0x36: {  	p1 =	seq.s32 s10, $0x1;
	s10 =	sld [smem:$0x3FB4];
	_ =	sdelay $0x3  }
0x37: {  	[smem:$0x3FB4] =	sst s10  }
0x38: {  	s10 =	sld [smem:$0x3FB5]  }
0x39: {  	_ = 	snop;
	(pc) =	sbr.ind lr, $3  }
0x3a: {  	_ = 	snop  }
0x3b: {  	_ = 	snop  }
0x3c: {  	p2 =	seq.s32 s10, $0x1;
	s10 =	sld [smem:$0x3FB4]  }
0x3d: {  	_ =	shalt  }
0x3e: {  	_ =	shalt  }
0x3f: {  	_ =	shalt  }
0x40: {  	_ =	shalt  }
0x41: {  	_ =	shalt  }
0x42: {  	_ =	shalt  }
0x43: {  	_ =	shalt  }
0x44: {  	_ =	shalt  }
0x45: {  	_ =	shalt  }
0x46: {  	_ =	shalt  }
0x47: {  	_ =	shalt  }
0x48: {  	_ =	shalt  }
0x49: {  	_ =	shalt  }
0x4a: {  	_ =	shalt  }
0x4b: {  	_ =	shalt  }
0x4c: {  	_ =	shalt  }
0x4d: {  	_ =	shalt  }
0x4e: {  	_ =	shalt  }
0x4f: {  	_ =	shalt  }
0x50: {  	_ =	shalt  }
0x51: {  	_ =	shalt  }
0x52: {  	_ =	shalt  }
0x53: {  	_ =	shalt  }
0x54: {  	_ =	shalt  }
0x55: {  	_ =	shalt  }
0x56: {  	_ =	shalt  }
0x57: {  	_ =	shalt  }
0x58: {  	_ =	shalt  }
0x59: {  	_ =	shalt  }
0x5a: {  	_ =	shalt  }
0x5b: {  	_ =	shalt  }
0x5c: {  	_ =	shalt  }
0x5d: {  	_ =	shalt  }
0x5e: {  	_ =	shalt  }
0x5f: {  	_ =	shalt  }
0x60: {  	_ =	shalt  }
0x61: {  	_ =	shalt  }
0x62: {  	_ =	shalt  }
0x63: {  	_ =	shalt  }
0x64: {  	_ =	shalt  }
0x65: {  	_ =	shalt  }
0x66: {  	_ =	shalt  }
0x67: {  	_ =	shalt  }
0x68: {  	_ =	shalt  }
0x69: {  	_ =	shalt  }
0x6a: {  	_ =	shalt  }
0x6b: {  	_ =	shalt  }
0x6c: {  	_ =	shalt  }
0x6d: {  	_ =	shalt  }
0x6e: {  	_ =	shalt  }
0x6f: {  	_ =	shalt  }
0x70: {  	_ =	shalt  }
0x71: {  	_ =	shalt  }
0x72: {  	_ =	shalt  }
0x73: {  	_ =	shalt  }
0x74: {  	_ =	shalt  }
0x75: {  	_ =	shalt  }
0x76: {  	_ =	shalt  }
0x77: {  	_ =	shalt  }
0x78: {  	_ =	shalt  }
0x79: {  	_ =	shalt  }
0x7a: {  	_ =	shalt  }
0x7b: {  	_ =	shalt  }
0x7c: {  	_ =	shalt  }
0x7d: {  	_ =	shalt  }
0x7e: {  	_ =	shalt  }
0x7f: {  	_ =	shalt  }
0x80: {  	_ =	shalt  }
0x81: {  	_ =	shalt  }
0x82: {  	_ =	shalt  }
0x83: {  	_ =	shalt  }
0x84: {  	_ =	shalt  }
0x85: {  	_ =	shalt  }
0x86: {  	_ =	shalt  }
0x87: {  	_ =	shalt  }
.Lfunc_end0:
.L_simem_size_0:
called_computation.2_lowered:
.L_overlay_start_0:
0x88: {  	s2 =	sld [smem:$0x3FD9]  }
0x89: {  	s3 =	sld [smem:$0x3FFE];
	_ =	sdelay $0x1  }
0x8a: {  	s1 =	srdreg.scid  }
0x8b: {  	s0 =	sand.u32 $0x1, s1  }
0x8c: {  	s17 =	sshll.u32 s0, $0xA;
	s2 =	sadd.s32 s3, s2  }
0x8d: {  	s2 =	sadd.s32 s2, s17  }
0x8e: {  	[smem:$0x3FC0] =	sst s2  }
0x8f: {  	_ = 	snop  }
0x90: {  	s2 =	sld [smem:$0x3FD0];
	(tm) =	ssettm $0x1  }
0x91: {  	s18 =	sld [smem:$0x3FFB];
	_ =	sdelay $0x3  }
0x92: {  	_ =	strace s18  }
0x93: {  	s3 =	sld [smem:$0x3FFC];
	_ =	sdelay $0x3  }
0x94: {  	_ =	strace s3  }
0x95: {  	s3 =	sld [smem:$0x3FFD];
	_ =	sdelay $0x3  }
0x96: {  	_ =	strace s3  }
0x97: {  	_ =	strace $0x8FFFFFFF  }
0x98: {  	s19 =	sld [smem:$0x3FDB];
	_ =	sdelay $0x1  }
0x99: {  	s4 =	simm.s32 $_scs_section_size  }
0x9a: {  	s5 =	simm.s32 $_size__tile_overlayer_lowered;
	s6 =	simm.s32 $_tile_overlayer_lowered  }
0x9b: {  	s22 =	simm.s32 $0x1BFF;
	s21 =	sshll.u32 s6, $0x1;
	s3 =	sadd.s32 s4, s19  }
0x9c: {  	s7 =	simm.s32 $0x0;
	s20 =	sshll.u32 s5, $0x1;
	s5 =	sadd.s32 s21, s3  }
0x9d: {  	[timem:s7], [sflag:s22] =	dma.local [hbm:s5], s20  }
0x9e: {  	_ =	swait.ge [sflag:s22], s20  }
0x9f: {  	s4 =	ssub.s32 $0x0, s20;
	[sflag:s22] =	ssyncset.done $0x0  }
0xa0: {  	[sflag:s22] =	ssyncadd.s32 s4;
	_ =	sdelay $0x1  }
0xa1: {  	s23 =	simm.s32 $0x1B8B  }
0xa2: {  	_ =	swait.ge [sflag:s23], $0x1  }
0xa3: {  	[sflag:s23] =	ssyncset.done $0x0  }
0xa4: {  	s25 =	simm.s32 $0x1B8E;
	s24 =	sld [smem:$0x3FFE];
	[sflag:s23] =	ssyncadd.s32 $0xFFFFFFFF  }
0xa5: {  	s26 =	simm.s32 $execute0_lowered;
	[smem:$0x3FD2] =	sst s25  }
0xa6: {  	s5 =	sshll.u32 s26, $0x1;
	_ =	strace $0x8000004C;
	[dreg:$0x1] =	wrdreg $0xFFFFFFFF  }
0xa7: {  	s28 =	simm.s32 $_size_execute0_lowered;
	s3 =	sadd.s32 s3, s5;
	[dreg:$0x0] =	wrdreg $0x0  }
0xa8: {  	s5 =	sshll.u32 s28, $0x1;
	[dreg:$0x2] =	wrdreg s3  }
0xa9: {  	[dreg:$0x3] =	wrdreg s5  }
0xaa: {  	[dreg:$0x4] =	wrdreg $0xC0  }
0xab: {  	_ =	task [dreg:s7], $0x5FFFF  }
0xac: {  	[dreg:$0x1] =	wrdreg $0xFFFFFFFF  }
0xad: {  	[dreg:$0x0] =	wrdreg $0x60  }
0xae: {  	[dreg:$0x2] =	wrdreg s2  }
0xaf: {  	[dreg:$0x3] =	wrdreg s24  }
0xb0: {  	[dreg:$0x4] =	wrdreg $0x7B000  }
0xb1: {  	[dreg:$0x5] =	wrdreg $0x9  }
0xb2: {  	_ =	task.clear_ibuf [dreg:s7], $0x6FFFF;
	_ =	strace $0x9000004C  }
0xb3: {  	s29 =	simm.s32 $0x9;
	_ =	strace $0x8000004E  }
0xb4: {  	_ =	swait.ge [sflag:s29], $0x1  }
0xb5: {  	[sflag:s29] =	ssyncadd.s32 $0xFFFFFFFF  }
0xb6: {  	_ =	strace $0x9000004E  }
0xb7: {  	_ =	sfence  }
0xb8: {  	s30 =	sld [smem:$0x0];
	_ =	sdelay $0x2  }
0xb9: {  	s31 =	sshll.u32 s1, $0xD;
	s1 =	sshrl.u32 s1, $0x2  }
0xba: {  	s3 =	sand.u32 $0x4000, s31;
	s1 =	sadd.s32 s1, s30  }
0xbb: {  	s0 =	sor.u32 s3, s0;
	s1 =	sshll.u32 s1, $0x11  }
0xbc: {  	s0 =	sor.u32 s1, s0  }
0xbd: {  	s0 =	sadd.s32 $0x8F2B, s0  }
0xbe: {  	[sflag:s0] =	ssyncadd.remote.s32 $0x1  }
0xbf: {  	_ =	sfence.sel $0xFFFF  }
0xc0: {  	[dreg:$0x0] =	wrdreg $0xFFFFFFFF;
	(pc) =	sbr.abs _section_cstart, $3  }
0xc1: {  	[dreg:$0x1] =	wrdreg $0xFFFFFFFF  }
0xc2: {  	_ =	task.clear_ibuf [dreg:s7], $0x2FFFF;
	_ =	strace $0x9FFFFFFF  }
0xc3: {  	(tm) =	ssettm $0x7FFFFFFF  }
tec
execute0_lowered:
.L_overlay_start_1:
0x0: {  	(tag) =	ssettag $0x1  }
0x1: {  	s1 =	rddreg [dreg:$0x0]  }
0x2: {  	s0 =	rddreg [dreg:$0x1]  }
0x3: {  	s2 =	rddreg [dreg:$0x2];
	s3 =	srdreg.scid  }
0x4: {  	s4 =	simm.s32 $0x0;
	s5 =	stileid.u32;
	s28 =	simm.s32 $0x300  }
0x5: {  	s29 =	simm.s32 $0x2;
	s30 =	simm.s32 $0x2B00;
	s31 =	simm.s32 $0x3  }
0x6: {  	s13 =	simm.s32 $0x0;
	s3 =	sand.u32 $0x1, s3;
	s7 =	smul.u32 $0x14000, s5  }
0x7: {  	[smem:$0x7FF] =	sst s4;
	s12 =	sadd.s32 $0x2C00, s0;
	s15 =	smul.u32 $0x50000, s5  }
0x8: {  	s8 =	sadd.s32 $0xCA00, s0;
	s9 =	sadd.s32 $0x16800, s0;
	s18 =	smul.u32 $0x4E20, s5  }
0x9: {  	s14 =	sshll.u32 s5, $0x1;
	s17 =	sshll.u32 s5, $0x6;
	s6 =	smul.u32 $0x140000, s3  }
0xa: {  	_ =	strace $0x8000004D;
	[dreg:$0x5] =	wrdreg s9;
	s16 =	ssub.s32 $0x2, s3  }
0xb: {  	[dreg:$0x4] =	wrdreg s12;
	s10 =	sshrl.u32 s16, $0x1;
	s9 =	sshrl.u32 s15, $0x2  }
0xc: {  	s6 =	sadd.s32 s7, s6;
	s7 =	sor.u32 s3, s14;
	s9 =	sadd.s32 s9, s2  }
0xd: {  	s14 =	sor.u32 $0x1C0A, s17;
	s3 =	smul.u32 $0x2710, s3;
	s6 =	sshrl.u32 s6, $0x3  }
0xe: {  	s7 =	smul.u32 $0x2710, s7;
	[dreg:$0x6] =	wrdreg s14;
	s0 =	sadd.s32 s6, s0  }
0xf: {  	s6 =	ssub.s32 s16, s10;
	s23 =	sadd.s32 s3, s18;
	s3 =	simm.s32 $0x7  }
0x10: {  	s10 =	simm.s32 $0x5;
	s7 =	sshrl.u32 s7, $0x3;
	s0 =	sadd.s32 $0x19000, s0  }
0x11: {  	s24 =	smax.u32 s6, $0x1;
	s25 =	sadd.s32 $0xA0, s23;
	s26 =	sadd.s32 $0x50, s23  }
0x12: {  	s17 =	sshrl.u32 s23, $0x3;
	s6 =	sshrl.u32 s9, $0x3;
	s23 =	simm.s32 $0x100  }
0x13: {  	s9 =	simm.s32 $0x8;
	s11 =	sadd.s32 $0x4CE, s7;
	[dreg:$0xb] =	wrdreg s0  }
0x14: {  	s7 =	sadd.s32 $0x4D8, s7;
	[dreg:$0xc] =	wrdreg s24;
	s15 =	sshrl.u32 s25, $0x3  }
0x15: {  	s16 =	sshrl.u32 s26, $0x3;
	s24 =	simm.s32 $0x280;
	s25 =	simm.s32 $0x1  }
0x16: {  	s26 =	simm.s32 $0x50;
	[dreg:$0xd] =	wrdreg s6;
	s19 =	sadd.s32 s12, s11  }
0x17: {  	s0 =	simm.s32 $0x5300;
	s20 =	sadd.s32 s8, s11;
	[dreg:$0x7] =	wrdreg s19  }
0x18: {  	s21 =	sadd.s32 s12, s7;
	s22 =	sadd.s32 s8, s7;
	[dreg:$0x8] =	wrdreg s20  }
0x19: {  	s7 =	simm.s32 $0x4;
	s11 =	simm.s32 $0x9;
	[dreg:$0x9] =	wrdreg s21  }
0x1a: {  	s12 =	simm.s32 $0x6;
	[dreg:$0xa] =	wrdreg s22;
	s19 =	simm.s32 $0xA  }
0x1b: {  	s20 =	simm.s32 $0x180;
	s21 =	simm.s32 $0x80;
	s22 =	simm.s32 $0x200  }
.LBB2_1:
0x1c: {  	s5 =	rddreg [dreg:$0x5]  }
0x1d: {  	[spmem:s6], [sflag:s14] =	dma.local [hbm:s5], $0x2800  }
0x1e: {  	_ =	swait.ge [sflag:s19], $0x2800  }
0x1f: {  	[sflag:s19] =	ssyncset.done $0x0  }
0x20: {  	[sflag:s19] =	ssyncadd.s32 $0xFFFFD800  }
0x21: {  	[bflag:$0x0] =	sbarrier.arrive $0xFFFF  }
0x22: {  	s5 =	rddreg [dreg:$0x4]  }
0x23: {  	s14 =	sadd.s32 s5, s17  }
0x24: {  	[tilespmem:s4], [sflag:$0x1] =	stream.linear.gather [hbm4b:s14+s4], $0x50, $0x38;
	[tilespmem:$0x1BB00] =	vst v63  }
0x25: {  	s18 =	sadd.s32 s8, s17  }
0x26: {  	[tilespmem:s20], [sflag:$0x4] =	stream.linear.gather [hbm4b:s18+s4], $0x50, $0x38;
	[tilespmem:$0x1BB00] =	vst v63  }
0x27: {  	s14 =	sadd.s32 s5, s16  }
0x28: {  	[tilespmem:s21], [sflag:$0x2] =	stream.linear.gather [hbm4b:s14+s4], $0x50, $0x38;
	[tilespmem:$0x1BB00] =	vst v63  }
0x29: {  	s18 =	sadd.s32 s8, s16  }
0x2a: {  	[tilespmem:s22], [sflag:$0x5] =	stream.linear.gather [hbm4b:s18+s4], $0x50, $0x38;
	[tilespmem:$0x1BB00] =	vst v63  }
0x2b: {  	s14 =	sadd.s32 s5, s15  }
0x2c: {  	[tilespmem:s23], [sflag:$0x3] =	stream.linear.gather [hbm4b:s14+s4], $0x50, $0x38;
	[tilespmem:$0x1BB00] =	vst v63  }
0x2d: {  	s18 =	sadd.s32 s8, s15  }
0x2e: {  	[tilespmem:s24], [sflag:$0x6] =	stream.linear.gather [hbm4b:s18+s4], $0x50, $0x38;
	[tilespmem:$0x1BB00] =	vst v63  }
0x2f: {  	_ =	swait.ge [sflag:s25], $0x50  }
0x30: {  	[sflag:s25] =	ssyncset.done $0x0  }
0x31: {  	[sflag:s25] =	ssyncadd.s32 $0xFFFFFFB0  }
0x32: {  	[tilespmem:s28], [sflag:$0x7] =	stream.indirect.gather [hbm4b:s1+s26], $0x80, s4, s26, $0xb8;
	[tilespmem:$0x1BB00] =	vst v63  }
0x33: {  	_ =	swait.ge [sflag:s29], $0x50  }
0x34: {  	[sflag:s29] =	ssyncset.done $0x0  }
0x35: {  	[sflag:s29] =	ssyncadd.s32 $0xFFFFFFB0  }
0x36: {  	[tilespmem:s30], [sflag:$0x8] =	stream.indirect.gather [hbm4b:s1+s26], $0x80, s21, s26, $0xb8;
	[tilespmem:$0x1BB00] =	vst v63  }
0x37: {  	_ =	swait.ge [sflag:s31], $0x50  }
0x38: {  	[sflag:s31] =	ssyncset.done $0x0  }
0x39: {  	[sflag:s31] =	ssyncadd.s32 $0xFFFFFFB0  }
0x3a: {  	[tilespmem:s0], [sflag:$0x9] =	stream.indirect.gather [hbm4b:s1+s26], $0x80, s23, s26, $0xb8;
	[tilespmem:$0x1BB00] =	vst v63  }
0x3b: {  	_ =	swait.ge [sflag:s3], $0x2800  }
0x3c: {  	[sflag:s3] =	ssyncset.done $0x0  }
0x3d: {  	[sflag:s3] =	ssyncadd.s32 $0xFFFFD800  }
0x3e: {  	_ =	swait.ge [sflag:s7], $0x50  }
0x3f: {  	[sflag:s7] =	ssyncset.done $0x0  }
0x40: {  	[sflag:s7] =	ssyncadd.s32 $0xFFFFFFB0  }
0x41: {  	[spmem:s2] =	stream.indirect.scatter.add.f32 [tilespmem:s28], [sflag:$0xA], $0x80, s20, s26, $0xb8;
	[tilespmem:$0x1BB00] =	vst v63  }
0x42: {  	_ =	swait.ge [sflag:s19], $0x2800  }
0x43: {  	[sflag:s19] =	ssyncset.done $0x0  }
0x44: {  	[sflag:s19] =	ssyncadd.s32 $0xFFFFD800  }
0x45: {  	_ =	swait.ge [sflag:s9], $0x2800  }
0x46: {  	[sflag:s9] =	ssyncset.done $0x0  }
0x47: {  	[sflag:s9] =	ssyncadd.s32 $0xFFFFD800  }
0x48: {  	_ =	swait.ge [sflag:s10], $0x50  }
0x49: {  	[sflag:s10] =	ssyncset.done $0x0  }
0x4a: {  	[sflag:s10] =	ssyncadd.s32 $0xFFFFFFB0  }
0x4b: {  	[spmem:s2] =	stream.indirect.scatter.add.f32 [tilespmem:s30], [sflag:$0xA], $0x80, s22, s26, $0xb8;
	[tilespmem:$0x1BB00] =	vst v63  }
0x4c: {  	_ =	swait.ge [sflag:s19], $0x2800  }
0x4d: {  	[sflag:s19] =	ssyncset.done $0x0  }
0x4e: {  	[sflag:s19] =	ssyncadd.s32 $0xFFFFD800  }
0x4f: {  	_ =	swait.ge [sflag:s11], $0x2800  }
0x50: {  	[sflag:s11] =	ssyncset.done $0x0  }
0x51: {  	[sflag:s11] =	ssyncadd.s32 $0xFFFFD800  }
0x52: {  	_ =	swait.ge [sflag:s12], $0x50  }
0x53: {  	[sflag:s12] =	ssyncset.done $0x0  }
0x54: {  	[sflag:s12] =	ssyncadd.s32 $0xFFFFFFB0  }
0x55: {  	[spmem:s2] =	stream.indirect.scatter.add.f32 [tilespmem:s0], [sflag:$0xA], $0x80, s24, s26, $0xb8;
	[tilespmem:$0x1BB00] =	vst v63  }
0x56: {  	s6 =	smov.u32 s8;
	_ =	swait.ge [sflag:s19], $0x2800  }
0x57: {  	s14 =	sadd.s32 $0x1E, s5;
	s18 =	simm.s32 $0x27;
	[sflag:s19] =	ssyncset.done $0x0  }
.LBB2_2:
0x58: {  	s5 =	sadd.s32 s14, s17;
	[sflag:s19] =	ssyncadd.s32 $0xFFFFD800;
	s6 =	sadd.s32 $0x1E, s6  }
0x59: {  	[tilespmem:s4], [sflag:$0x1] =	stream.linear.gather [hbm4b:s5+s4], $0x50, $0x38;
	[tilespmem:$0x1BB00] =	vst v63  }
0x5a: {  	p0 =	sne.s32 s18, $0x1;
	s18 =	sadd.s32 $0xFFFFFFFF, s18;
	s5 =	sadd.s32 s6, s17  }
0x5b: {  	[tilespmem:s20], [sflag:$0x4] =	stream.linear.gather [hbm4b:s5+s4], $0x50, $0x38;
	[tilespmem:$0x1BB00] =	vst v63  }
0x5c: {  	s5 =	sadd.s32 s14, s16  }
0x5d: {  	[tilespmem:s21], [sflag:$0x2] =	stream.linear.gather [hbm4b:s5+s4], $0x50, $0x38;
	[tilespmem:$0x1BB00] =	vst v63  }
0x5e: {  	s5 =	sadd.s32 s6, s16  }
0x5f: {  	[tilespmem:s22], [sflag:$0x5] =	stream.linear.gather [hbm4b:s5+s4], $0x50, $0x38;
	[tilespmem:$0x1BB00] =	vst v63  }
0x60: {  	s5 =	sadd.s32 s14, s15  }
0x61: {  	[tilespmem:s23], [sflag:$0x3] =	stream.linear.gather [hbm4b:s5+s4], $0x50, $0x38;
	[tilespmem:$0x1BB00] =	vst v63  }
0x62: {  	s5 =	sadd.s32 s6, s15  }
0x63: {  	[tilespmem:s24], [sflag:$0x6] =	stream.linear.gather [hbm4b:s5+s4], $0x50, $0x38;
	[tilespmem:$0x1BB00] =	vst v63  }
0x64: {  	_ =	swait.ge [sflag:s25], $0x50  }
0x65: {  	[sflag:s25] =	ssyncset.done $0x0  }
0x66: {  	[sflag:s25] =	ssyncadd.s32 $0xFFFFFFB0  }
0x67: {  	[tilespmem:s28], [sflag:$0x7] =	stream.indirect.gather [hbm4b:s1+s26], $0x80, s4, s26, $0xb8;
	[tilespmem:$0x1BB00] =	vst v63  }
0x68: {  	_ =	swait.ge [sflag:s29], $0x50  }
0x69: {  	[sflag:s29] =	ssyncset.done $0x0  }
0x6a: {  	[sflag:s29] =	ssyncadd.s32 $0xFFFFFFB0  }
0x6b: {  	[tilespmem:s30], [sflag:$0x8] =	stream.indirect.gather [hbm4b:s1+s26], $0x80, s21, s26, $0xb8;
	[tilespmem:$0x1BB00] =	vst v63  }
0x6c: {  	_ =	swait.ge [sflag:s31], $0x50  }
0x6d: {  	[sflag:s31] =	ssyncset.done $0x0  }
0x6e: {  	[sflag:s31] =	ssyncadd.s32 $0xFFFFFFB0  }
0x6f: {  	[tilespmem:s0], [sflag:$0x9] =	stream.indirect.gather [hbm4b:s1+s26], $0x80, s23, s26, $0xb8;
	[tilespmem:$0x1BB00] =	vst v63  }
0x70: {  	_ =	swait.ge [sflag:s3], $0x2800  }
0x71: {  	[sflag:s3] =	ssyncset.done $0x0  }
0x72: {  	[sflag:s3] =	ssyncadd.s32 $0xFFFFD800  }
0x73: {  	_ =	swait.ge [sflag:s7], $0x50  }
0x74: {  	[sflag:s7] =	ssyncset.done $0x0  }
0x75: {  	[sflag:s7] =	ssyncadd.s32 $0xFFFFFFB0  }
0x76: {  	[spmem:s2] =	stream.indirect.scatter.add.f32 [tilespmem:s28], [sflag:$0xA], $0x80, s20, s26, $0xb8;
	[tilespmem:$0x1BB00] =	vst v63  }
0x77: {  	_ =	swait.ge [sflag:s19], $0x2800  }
0x78: {  	[sflag:s19] =	ssyncset.done $0x0  }
0x79: {  	[sflag:s19] =	ssyncadd.s32 $0xFFFFD800  }
0x7a: {  	_ =	swait.ge [sflag:s9], $0x2800  }
0x7b: {  	[sflag:s9] =	ssyncset.done $0x0  }
0x7c: {  	[sflag:s9] =	ssyncadd.s32 $0xFFFFD800  }
0x7d: {  	_ =	swait.ge [sflag:s10], $0x50  }
0x7e: {  	[sflag:s10] =	ssyncset.done $0x0  }
0x7f: {  	[sflag:s10] =	ssyncadd.s32 $0xFFFFFFB0  }
0x80: {  	[spmem:s2] =	stream.indirect.scatter.add.f32 [tilespmem:s30], [sflag:$0xA], $0x80, s22, s26, $0xb8;
	[tilespmem:$0x1BB00] =	vst v63  }
0x81: {  	_ =	swait.ge [sflag:s19], $0x2800  }
0x82: {  	[sflag:s19] =	ssyncset.done $0x0  }
0x83: {  	[sflag:s19] =	ssyncadd.s32 $0xFFFFD800  }
0x84: {  	_ =	swait.ge [sflag:s11], $0x2800  }
0x85: {  	[sflag:s11] =	ssyncset.done $0x0  }
0x86: {  	[sflag:s11] =	ssyncadd.s32 $0xFFFFD800  }
0x87: {  	_ =	swait.ge [sflag:s12], $0x50  }
.Ltmp0:
0x88: {  	[sflag:s12] =	ssyncset.done $0x0;
	(pc) =	sbr.rel @p0 .LBB2_2-.Ltmp0, $4  }
0x89: {  	[sflag:s12] =	ssyncadd.s32 $0xFFFFFFB0  }
0x8a: {  	[spmem:s2] =	stream.indirect.scatter.add.f32 [tilespmem:s0], [sflag:$0xA], $0x80, s24, s26, $0xb8;
	[tilespmem:$0x1BB00] =	vst v63  }
0x8b: {  	_ =	swait.ge [sflag:s19], $0x2800  }
0x8c: {  	s14 =	sadd.s32 $0x1E, s14;
	[sflag:s19] =	ssyncset.done $0x0  }
0x8d: {  	s5 =	sadd.s32 s14, s17;
	[sflag:s19] =	ssyncadd.s32 $0xFFFFD800;
	s6 =	sadd.s32 $0x1E, s6  }
0x8e: {  	[tilespmem:s4], [sflag:$0x1] =	stream.linear.gather [hbm4b:s5+s4], $0x50, $0x38;
	[tilespmem:$0x1BB00] =	vst v63  }
0x8f: {  	s18 =	sadd.s32 s6, s17  }
0x90: {  	[tilespmem:s20], [sflag:$0x4] =	stream.linear.gather [hbm4b:s18+s4], $0x50, $0x38;
	[tilespmem:$0x1BB00] =	vst v63  }
0x91: {  	s18 =	sadd.s32 s14, s16  }
0x92: {  	[tilespmem:s21], [sflag:$0x2] =	stream.linear.gather [hbm4b:s18+s4], $0x50, $0x38;
	[tilespmem:$0x1BB00] =	vst v63  }
0x93: {  	s18 =	sadd.s32 s6, s16  }
0x94: {  	[tilespmem:s22], [sflag:$0x5] =	stream.linear.gather [hbm4b:s18+s4], $0x50, $0x38;
	[tilespmem:$0x1BB00] =	vst v63  }
0x95: {  	s18 =	sadd.s32 s14, s15  }
0x96: {  	[tilespmem:s23], [sflag:$0x3] =	stream.linear.gather [hbm4b:s18+s4], $0x50, $0x38;
	[tilespmem:$0x1BB00] =	vst v63  }
0x97: {  	s6 =	sadd.s32 s6, s15  }
0x98: {  	[tilespmem:s24], [sflag:$0x6] =	stream.linear.gather [hbm4b:s6+s4], $0x50, $0x38;
	[tilespmem:$0x1BB00] =	vst v63  }
0x99: {  	_ =	swait.ge [sflag:s25], $0x50  }
0x9a: {  	[sflag:s25] =	ssyncset.done $0x0  }
0x9b: {  	[sflag:s25] =	ssyncadd.s32 $0xFFFFFFB0  }
0x9c: {  	[tilespmem:s28], [sflag:$0x7] =	stream.indirect.gather [hbm4b:s1+s26], $0x80, s4, s26, $0xb8;
	[tilespmem:$0x1BB00] =	vst v63  }
0x9d: {  	_ =	swait.ge [sflag:s29], $0x50  }
0x9e: {  	[sflag:s29] =	ssyncset.done $0x0  }
0x9f: {  	[sflag:s29] =	ssyncadd.s32 $0xFFFFFFB0  }
0xa0: {  	[tilespmem:s30], [sflag:$0x8] =	stream.indirect.gather [hbm4b:s1+s26], $0x80, s21, s26, $0xb8;
	[tilespmem:$0x1BB00] =	vst v63  }
0xa1: {  	_ =	swait.ge [sflag:s31], $0x50  }
0xa2: {  	[sflag:s31] =	ssyncset.done $0x0  }
0xa3: {  	[sflag:s31] =	ssyncadd.s32 $0xFFFFFFB0  }
0xa4: {  	[tilespmem:s0], [sflag:$0x9] =	stream.indirect.gather [hbm4b:s1+s26], $0x80, s23, s26, $0xb8;
	[tilespmem:$0x1BB00] =	vst v63  }
0xa5: {  	_ =	swait.ge [sflag:s3], $0x2800  }
0xa6: {  	[sflag:s3] =	ssyncset.done $0x0  }
0xa7: {  	[sflag:s3] =	ssyncadd.s32 $0xFFFFD800  }
0xa8: {  	_ =	swait.ge [sflag:s7], $0x50  }
0xa9: {  	[sflag:s7] =	ssyncset.done $0x0  }
0xaa: {  	[sflag:s7] =	ssyncadd.s32 $0xFFFFFFB0  }
0xab: {  	[spmem:s2] =	stream.indirect.scatter.add.f32 [tilespmem:s28], [sflag:$0xA], $0x80, s20, s26, $0xb8;
	[tilespmem:$0x1BB00] =	vst v63  }
0xac: {  	_ =	swait.ge [sflag:s19], $0x2800  }
0xad: {  	[sflag:s19] =	ssyncset.done $0x0  }
0xae: {  	[sflag:s19] =	ssyncadd.s32 $0xFFFFD800  }
0xaf: {  	_ =	swait.ge [sflag:s9], $0x2800  }
0xb0: {  	[sflag:s9] =	ssyncset.done $0x0  }
0xb1: {  	[sflag:s9] =	ssyncadd.s32 $0xFFFFD800  }
0xb2: {  	_ =	swait.ge [sflag:s10], $0x50  }
0xb3: {  	[sflag:s10] =	ssyncset.done $0x0  }
0xb4: {  	[sflag:s10] =	ssyncadd.s32 $0xFFFFFFB0  }
0xb5: {  	[spmem:s2] =	stream.indirect.scatter.add.f32 [tilespmem:s30], [sflag:$0xA], $0x80, s22, s26, $0xb8;
	[tilespmem:$0x1BB00] =	vst v63  }
0xb6: {  	_ =	swait.ge [sflag:s19], $0x2800  }
0xb7: {  	[sflag:s19] =	ssyncset.done $0x0  }
0xb8: {  	[sflag:s19] =	ssyncadd.s32 $0xFFFFD800  }
0xb9: {  	_ =	swait.ge [sflag:s11], $0x2800  }
0xba: {  	[sflag:s11] =	ssyncset.done $0x0  }
0xbb: {  	[sflag:s11] =	ssyncadd.s32 $0xFFFFD800  }
0xbc: {  	_ =	swait.ge [sflag:s12], $0x50  }
0xbd: {  	[sflag:s12] =	ssyncset.done $0x0  }
0xbe: {  	[sflag:s12] =	ssyncadd.s32 $0xFFFFFFB0  }
0xbf: {  	[spmem:s2] =	stream.indirect.scatter.add.f32 [tilespmem:s0], [sflag:$0xA], $0x80, s24, s26, $0xb8;
	[tilespmem:$0x1BB00] =	vst v63  }
0xc0: {  	_ =	swait.ge [sflag:s19], $0x2800  }
0xc1: {  	[sflag:s19] =	ssyncset.done $0x0  }
0xc2: {  	s14 =	rddreg [dreg:$0x7];
	[sflag:s19] =	ssyncadd.s32 $0xFFFFD800  }
0xc3: {  	[tilespmem:s4], [sflag:$0x1] =	stream.linear.gather [hbm4b:s14+s4], $0x50, $0x38;
	[tilespmem:$0x1BB00] =	vst v63  }
0xc4: {  	s18 =	rddreg [dreg:$0x8]  }
0xc5: {  	[tilespmem:s20], [sflag:$0x4] =	stream.linear.gather [hbm4b:s18+s4], $0x50, $0x38;
	[tilespmem:$0x1BB00] =	vst v63  }
0xc6: {  	s6 =	rddreg [dreg:$0x9]  }
0xc7: {  	[tilespmem:s21], [sflag:$0x2] =	stream.linear.gather [hbm4b:s6+s4], $0x50, $0x38;
	[tilespmem:$0x1BB00] =	vst v63  }
0xc8: {  	s14 =	rddreg [dreg:$0xa]  }
0xc9: {  	[tilespmem:s22], [sflag:$0x5] =	stream.linear.gather [hbm4b:s14+s4], $0x50, $0x38;
	[tilespmem:$0x1BB00] =	vst v63  }
0xca: {  	_ =	swait.ge [sflag:s25], $0x50  }
0xcb: {  	[sflag:s25] =	ssyncset.done $0x0  }
0xcc: {  	[sflag:s25] =	ssyncadd.s32 $0xFFFFFFB0  }
0xcd: {  	[tilespmem:s28], [sflag:$0x7] =	stream.indirect.gather [hbm4b:s1+s26], $0x80, s4, s26, $0xb8;
	[tilespmem:$0x1BB00] =	vst v63  }
0xce: {  	_ =	swait.ge [sflag:s29], $0x50  }
0xcf: {  	[sflag:s29] =	ssyncset.done $0x0  }
0xd0: {  	[sflag:s29] =	ssyncadd.s32 $0xFFFFFFB0  }
0xd1: {  	[tilespmem:s30], [sflag:$0x8] =	stream.indirect.gather [hbm4b:s1+s26], $0x80, s21, s26, $0xb8;
	[tilespmem:$0x1BB00] =	vst v63  }
0xd2: {  	_ =	swait.ge [sflag:s3], $0x2800  }
0xd3: {  	[sflag:s3] =	ssyncset.done $0x0  }
0xd4: {  	[sflag:s3] =	ssyncadd.s32 $0xFFFFD800  }
0xd5: {  	_ =	swait.ge [sflag:s7], $0x50  }
0xd6: {  	[sflag:s7] =	ssyncset.done $0x0  }
0xd7: {  	[sflag:s7] =	ssyncadd.s32 $0xFFFFFFB0  }
0xd8: {  	[spmem:s2] =	stream.indirect.scatter.add.f32 [tilespmem:s28], [sflag:$0xA], $0x80, s20, s26, $0xb8;
	[tilespmem:$0x1BB00] =	vst v63  }
0xd9: {  	_ =	swait.ge [sflag:s19], $0x2800  }
0xda: {  	[sflag:s19] =	ssyncset.done $0x0  }
0xdb: {  	[sflag:s19] =	ssyncadd.s32 $0xFFFFD800  }
0xdc: {  	_ =	swait.ge [sflag:s9], $0x2800  }
0xdd: {  	[sflag:s9] =	ssyncset.done $0x0  }
0xde: {  	[sflag:s9] =	ssyncadd.s32 $0xFFFFD800  }
0xdf: {  	_ =	swait.ge [sflag:s10], $0x50  }
0xe0: {  	[sflag:s10] =	ssyncset.done $0x0  }
0xe1: {  	[sflag:s10] =	ssyncadd.s32 $0xFFFFFFB0  }
0xe2: {  	[spmem:s2] =	stream.indirect.scatter.add.f32 [tilespmem:s30], [sflag:$0xA], $0x80, s22, s26, $0xb8;
	[tilespmem:$0x1BB00] =	vst v63  }
0xe3: {  	_ =	swait.ge [sflag:s19], $0x2800  }
0xe4: {  	[sflag:s19] =	ssyncset.done $0x0  }
0xe5: {  	[sflag:s19] =	ssyncadd.s32 $0xFFFFD800  }
0xe6: {  	[bflag:$0x0] =	sbarrier.arrive $0xFFFF  }
0xe7: {  	s14 =	rddreg [dreg:$0x6]  }
0xe8: {  	s18 =	rddreg [dreg:$0xb]  }
0xe9: {  	s6 =	rddreg [dreg:$0xd]  }
0xea: {  	[hbm:s18], [sflag:s14] =	dma.local [spmem:s6], $0x2800  }
0xeb: {  	_ =	swait.ge [sflag:s19], $0x2800  }
0xec: {  	s13 =	sadd.s32 $0x1, s13;
	s18 =	rddreg [dreg:$0xc]  }
0xed: {  	p0 =	sne.s32 s13, s18  }
.Ltmp1:
0xee: {  	_ = 	snop;
	(pc) =	sbr.rel @p0 .LBB2_1-.Ltmp1, $3  }
0xef: {  	_ =	sdelay $0x1  }
0xf0: {  	[sflag:s19] =	ssyncset.done $0x0  }
0xf1: {  	[sflag:s19] =	ssyncadd.s32 $0xFFFFD800  }
0xf2: {  	_ =	sfence.sel $0x180000  }
0xf3: {  	[bflag:$0x0] =	sbarrier.arrive $0xFFFF  }
0xf4: {  	_ =	strace $0x9000004D  }
0xf5: {  	s0 =	stileid.u32;
	[bflag:$0x2] =	sbarrier.arrive $0xFFFF  }
0xf6: {  	p0 =	sne.s32 s0, $0x0;
	s0 =	rddreg [dreg:$0x3]  }
0xf7: {  	s0 =	sadd.s32 @!p0 $0x100000, s0  }
0xf8: {  	[sflag:s0] =	ssyncadd.tile.s32 @!p0 $0x1;
	_ =	shalt  }
.Lfunc_end2:
_tile_overlayer_lowered:
.L_overlay_start_2:
0xf9: {  	(tag) =	ssettag $0x2  }
0xfa: {  	s0 =	rddreg [dreg:$0x0];
	s2 =	stileid.u32  }
0xfb: {  	s1 =	rddreg [dreg:$0x1];
	p0 =	sne.s32 s2, $0x0  }
0xfc: {  	s3 =	rddreg [dreg:$0x2];
	[bflag:$0x3] =	sbarrier.arrive $0xFFFF;
	s2 =	simm.s32 @!p0 $0x1C0A  }
0xfd: {  	[timem:s3], [sflag:s2] =	dma.local @!p0 [hbm:s0], s1  }
0xfe: {  	s0 =	simm.s32 @!p0 $0xA  }
0xff: {  	_ =	swait.ge @!p0 [sflag:s0], s1  }
0x100: {  	s1 =	ssub.s32 @!p0 $0x0, s1;
	[sflag:s0] =	ssyncset.done @!p0 $0x0  }
0x101: {  	[sflag:s0] =	ssyncadd.s32 @!p0 s1  }
0x102: {  	[bflag:$0x3] =	sbarrier.arrive $0xFFFF  }
0x103: {  	_ =	shalt  }

// kernel: kernel.20.cloned.1.call-start
scs
__scs_entry_jumppad:
0x0: {  	(pc) =	sbr.rel $0x88, $3  }
0x1: {  	(tag) =	ssettag $0x0;
	lr =	simm.s32 $0x1  }
0x2: {  	[smem:$0x3F99] =	sst lr;
	_ =	strace $0xD0000000  }
0x3: {  	_ = 	snop  }
0x4: {  	_ = 	snop  }
0x5: {  	_ = 	snop  }
0x6: {  	_ = 	snop  }
0x7: {  	_ = 	snop  }
__scs_overlays_trampoline_lowered:
0x8: {  	[smem:$0x3FA8] =	sst s0  }
0x9: {  	[smem:$0x3FA9] =	sst s1  }
0xa: {  	[smem:$0x3FAA] =	sst s2  }
0xb: {  	[smem:$0x3FAB] =	sst s3  }
0xc: {  	[smem:$0x3FAC] =	sst s4  }
0xd: {  	[smem:$0x3FAD] =	sst s5  }
0xe: {  	[smem:$0x3FAE] =	sst s6  }
0xf: {  	[smem:$0x3FAF] =	sst s7  }
0x10: {  	[smem:$0x3FB0] =	sst s8  }
0x11: {  	[smem:$0x3FB1] =	sst s9;
	s0 =	simm.s32 @!p0 $0x0  }
0x12: {  	s1 =	sld [smem:$0x3F97];
	s0 =	simm.s32 @p0 $0x1  }
0x13: {  	[smem:$0x3FB2] =	sst s0;
	s0 =	simm.s32 @!p1 $0x0  }
0x14: {  	s2 =	sld [smem:$0x3F96];
	s0 =	simm.s32 @p1 $0x1  }
0x15: {  	[smem:$0x3FB3] =	sst s0;
	s0 =	simm.s32 @!p2 $0x0  }
0x16: {  	s3 =	sld [smem:$0x3FDB];
	s0 =	simm.s32 @p2 $0x1  }
0x17: {  	s4 =	simm.s32 $0x1BF5;
	[smem:$0x3FB5] =	sst s0  }
0x18: {  	s0 =	sld [smem:$0x3F98];
	_ =	swait.ge [sflag:s4], $0x0  }
0x19: {  	s7 =	sld [smem:$0x3F99]  }
0x1a: {  	s8 =	sadd.s32 $0xFFFFE003, lr  }
0x1b: {  	s9 =	sadd.s32 $0xFFFFFEF7, lr;
	s5 =	simm.s32 $0xFFFFFFFF;
	p2 =	slt.u32 s8, $0xFFFFF086  }
0x1c: {  	p1 =	slt.u32 s9, $0xF7A;
	s5 =	simm.s32 @!p2 $0x0  }
0x1d: {  	s5 =	simm.s32 @p1 $0x1;
	p0 =	seq.s32 s7, s2  }
0x1e: {  	s7 =	smul.u32 @!p0 $0xF7A, s2;
	p2 =	seq.s32 @!p0 s5, $0x0  }
0x1f: {  	s9 =	smul.u32 $0xF7A, s1;
	s8 =	simm.s32 @!p0 $0x1BF5;
	p2 =	por !p2, p0  }
0x20: {  	[sflag:s8] =	ssyncset.s32 @!p0 $0xFFFFF086;
	s6 =	sadd.s32 @!p0 s3, s7;
	s7 =	simm.s32 @!p0 $0x108  }
0x21: {  	s3 =	sadd.s32 s3, s9;
	s6 =	sadd.s32 @!p0 $0x88, s6;
	s7 =	simm.s32 @p2 $0x1082  }
0x22: {  	[simem:s7], [sflag:s8] =	dma.local @!p0 [hbm:s6], $0xF7A  }
0x23: {  	s9 =	sor.u32 $0xD0000000, s2;
	s6 =	simm.s32 $0x108;
	_ =	swait.ge @!p0 [sflag:s8], $0x0  }
0x24: {  	s3 =	sadd.s32 $0x88, s3;
	s6 =	simm.s32 @!p1 $0x1082;
	[sflag:s4] =	ssyncset.s32 $0xFFFFF086  }
0x25: {  	[simem:s6], [sflag:s4] =	dma.local [hbm:s3], $0xF7A  }
0x26: {  	[smem:$0x3F99] =	sst s1;
	(tag) =	ssettag s2;
	_ =	strace s9  }
0x27: {  	s1 =	sld [smem:$0x3FA9]  }
0x28: {  	s2 =	sld [smem:$0x3FAA]  }
0x29: {  	s4 =	sld [smem:$0x3FAC]  }
0x2a: {  	p0 =	seq.s32 s5, $0x0;
	s5 =	sld [smem:$0x3FAD]  }
0x2b: {  	s6 =	sld [smem:$0x3FAE]  }
0x2c: {  	s7 =	sld [smem:$0x3FAF]  }
0x2d: {  	s3 =	simm.s32 $0x108;
	s8 =	sld [smem:$0x3FB0]  }
0x2e: {  	s3 =	simm.s32 @!p0 $0x1082;
	s9 =	sld [smem:$0x3FB1]  }
0x2f: {  	lr =	sadd.s32 s0, s3;
	s0 =	sld [smem:$0x3FA8]  }
0x30: {  	s3 =	sld [smem:$0x3FAB]  }
0x31: {  	[smem:$0x3FB4] =	sst s10  }
0x32: {  	s10 =	sld [smem:$0x3FB2];
	_ =	sdelay $0x3  }
0x33: {  	p0 =	seq.s32 s10, $0x1;
	s10 =	sld [smem:$0x3FB4];
	_ =	sdelay $0x3  }
0x34: {  	[smem:$0x3FB4] =	sst s10  }
0x35: {  	s10 =	sld [smem:$0x3FB3];
	_ =	sdelay $0x3  }
0x36: {  	p1 =	seq.s32 s10, $0x1;
	s10 =	sld [smem:$0x3FB4];
	_ =	sdelay $0x3  }
0x37: {  	[smem:$0x3FB4] =	sst s10  }
0x38: {  	s10 =	sld [smem:$0x3FB5]  }
0x39: {  	_ = 	snop;
	(pc) =	sbr.ind lr, $3  }
0x3a: {  	_ = 	snop  }
0x3b: {  	_ = 	snop  }
0x3c: {  	p2 =	seq.s32 s10, $0x1;
	s10 =	sld [smem:$0x3FB4]  }
0x3d: {  	_ =	shalt  }
0x3e: {  	_ =	shalt  }
0x3f: {  	_ =	shalt  }
0x40: {  	_ =	shalt  }
0x41: {  	_ =	shalt  }
0x42: {  	_ =	shalt  }
0x43: {  	_ =	shalt  }
0x44: {  	_ =	shalt  }
0x45: {  	_ =	shalt  }
0x46: {  	_ =	shalt  }
0x47: {  	_ =	shalt  }
0x48: {  	_ =	shalt  }
0x49: {  	_ =	shalt  }
0x4a: {  	_ =	shalt  }
0x4b: {  	_ =	shalt  }
0x4c: {  	_ =	shalt  }
0x4d: {  	_ =	shalt  }
0x4e: {  	_ =	shalt  }
0x4f: {  	_ =	shalt  }
0x50: {  	_ =	shalt  }
0x51: {  	_ =	shalt  }
0x52: {  	_ =	shalt  }
0x53: {  	_ =	shalt  }
0x54: {  	_ =	shalt  }
0x55: {  	_ =	shalt  }
0x56: {  	_ =	shalt  }
0x57: {  	_ =	shalt  }
0x58: {  	_ =	shalt  }
0x59: {  	_ =	shalt  }
0x5a: {  	_ =	shalt  }
0x5b: {  	_ =	shalt  }
0x5c: {  	_ =	shalt  }
0x5d: {  	_ =	shalt  }
0x5e: {  	_ =	shalt  }
0x5f: {  	_ =	shalt  }
0x60: {  	_ =	shalt  }
0x61: {  	_ =	shalt  }
0x62: {  	_ =	shalt  }
0x63: {  	_ =	shalt  }
0x64: {  	_ =	shalt  }
0x65: {  	_ =	shalt  }
0x66: {  	_ =	shalt  }
0x67: {  	_ =	shalt  }
0x68: {  	_ =	shalt  }
0x69: {  	_ =	shalt  }
0x6a: {  	_ =	shalt  }
0x6b: {  	_ =	shalt  }
0x6c: {  	_ =	shalt  }
0x6d: {  	_ =	shalt  }
0x6e: {  	_ =	shalt  }
0x6f: {  	_ =	shalt  }
0x70: {  	_ =	shalt  }
0x71: {  	_ =	shalt  }
0x72: {  	_ =	shalt  }
0x73: {  	_ =	shalt  }
0x74: {  	_ =	shalt  }
0x75: {  	_ =	shalt  }
0x76: {  	_ =	shalt  }
0x77: {  	_ =	shalt  }
0x78: {  	_ =	shalt  }
0x79: {  	_ =	shalt  }
0x7a: {  	_ =	shalt  }
0x7b: {  	_ =	shalt  }
0x7c: {  	_ =	shalt  }
0x7d: {  	_ =	shalt  }
0x7e: {  	_ =	shalt  }
0x7f: {  	_ =	shalt  }
0x80: {  	_ =	shalt  }
0x81: {  	_ =	shalt  }
0x82: {  	_ =	shalt  }
0x83: {  	_ =	shalt  }
0x84: {  	_ =	shalt  }
0x85: {  	_ =	shalt  }
0x86: {  	_ =	shalt  }
0x87: {  	_ =	shalt  }
.Lfunc_end0:
.L_simem_size_0:
called_computation.3_lowered:
.L_overlay_start_0:
0x88: {  	s2 =	sld [smem:$0x3FD9]  }
0x89: {  	s3 =	sld [smem:$0x3FFE];
	_ =	sdelay $0x1  }
0x8a: {  	s1 =	srdreg.scid  }
0x8b: {  	s0 =	sand.u32 $0x1, s1  }
0x8c: {  	s17 =	sshll.u32 s0, $0xA;
	s2 =	sadd.s32 s3, s2  }
0x8d: {  	s2 =	sadd.s32 s2, s17  }
0x8e: {  	[smem:$0x3FC0] =	sst s2  }
0x8f: {  	_ = 	snop  }
0x90: {  	s2 =	sld [smem:$0x3FD0];
	(tm) =	ssettm $0x1  }
0x91: {  	s18 =	sld [smem:$0x3FFB];
	_ =	sdelay $0x3  }
0x92: {  	_ =	strace s18  }
0x93: {  	s3 =	sld [smem:$0x3FFC];
	_ =	sdelay $0x3  }
0x94: {  	_ =	strace s3  }
0x95: {  	s3 =	sld [smem:$0x3FFD];
	_ =	sdelay $0x3  }
0x96: {  	_ =	strace s3  }
0x97: {  	_ =	strace $0x8FFFFFFF  }
0x98: {  	s19 =	sld [smem:$0x3FDB];
	_ =	sdelay $0x1  }
0x99: {  	s4 =	simm.s32 $_scs_section_size  }
0x9a: {  	s5 =	simm.s32 $_size__tile_overlayer_lowered;
	s6 =	simm.s32 $_tile_overlayer_lowered  }
0x9b: {  	s22 =	simm.s32 $0x1BFF;
	s21 =	sshll.u32 s6, $0x1;
	s3 =	sadd.s32 s4, s19  }
0x9c: {  	s7 =	simm.s32 $0x0;
	s20 =	sshll.u32 s5, $0x1;
	s5 =	sadd.s32 s21, s3  }
0x9d: {  	[timem:s7], [sflag:s22] =	dma.local [hbm:s5], s20  }
0x9e: {  	_ =	swait.ge [sflag:s22], s20  }
0x9f: {  	s4 =	ssub.s32 $0x0, s20;
	[sflag:s22] =	ssyncset.done $0x0  }
0xa0: {  	[sflag:s22] =	ssyncadd.s32 s4;
	_ =	sdelay $0x1  }
0xa1: {  	s23 =	simm.s32 $0x1B8B  }
0xa2: {  	_ =	swait.ge [sflag:s23], $0x1  }
0xa3: {  	[sflag:s23] =	ssyncset.done $0x0  }
0xa4: {  	s25 =	simm.s32 $0x1B8E;
	s24 =	sld [smem:$0x3FFE];
	[sflag:s23] =	ssyncadd.s32 $0xFFFFFFFF  }
0xa5: {  	s26 =	simm.s32 $execute0_lowered;
	[smem:$0x3FD2] =	sst s25  }
0xa6: {  	s5 =	sshll.u32 s26, $0x1;
	_ =	strace $0x8000004F;
	[dreg:$0x1] =	wrdreg $0xFFFFFFFF  }
0xa7: {  	s28 =	simm.s32 $_size_execute0_lowered;
	s3 =	sadd.s32 s3, s5;
	[dreg:$0x0] =	wrdreg $0x0  }
0xa8: {  	s5 =	sshll.u32 s28, $0x1;
	[dreg:$0x2] =	wrdreg s3  }
0xa9: {  	[dreg:$0x3] =	wrdreg s5  }
0xaa: {  	[dreg:$0x4] =	wrdreg $0xC0  }
0xab: {  	_ =	task [dreg:s7], $0x5FFFF  }
0xac: {  	[dreg:$0x1] =	wrdreg $0xFFFFFFFF  }
0xad: {  	[dreg:$0x0] =	wrdreg $0x60  }
0xae: {  	[dreg:$0x2] =	wrdreg s2  }
0xaf: {  	[dreg:$0x3] =	wrdreg s24  }
0xb0: {  	[dreg:$0x4] =	wrdreg $0x7B000  }
0xb1: {  	[dreg:$0x5] =	wrdreg $0x9  }
0xb2: {  	_ =	task.clear_ibuf [dreg:s7], $0x6FFFF;
	_ =	strace $0x9000004F  }
0xb3: {  	s29 =	simm.s32 $0x9;
	_ =	strace $0x80000051  }
0xb4: {  	_ =	swait.ge [sflag:s29], $0x1  }
0xb5: {  	[sflag:s29] =	ssyncadd.s32 $0xFFFFFFFF  }
0xb6: {  	_ =	strace $0x90000051  }
0xb7: {  	_ =	sfence  }
0xb8: {  	s30 =	sld [smem:$0x0];
	_ =	sdelay $0x2  }
0xb9: {  	s31 =	sshll.u32 s1, $0xD;
	s1 =	sshrl.u32 s1, $0x2  }
0xba: {  	s3 =	sand.u32 $0x4000, s31;
	s1 =	sadd.s32 s1, s30  }
0xbb: {  	s0 =	sor.u32 s3, s0;
	s1 =	sshll.u32 s1, $0x11  }
0xbc: {  	s0 =	sor.u32 s1, s0  }
0xbd: {  	s0 =	sadd.s32 $0x8F2B, s0  }
0xbe: {  	[sflag:s0] =	ssyncadd.remote.s32 $0x1  }
0xbf: {  	_ =	sfence.sel $0xFFFF  }
0xc0: {  	[dreg:$0x0] =	wrdreg $0xFFFFFFFF;
	(pc) =	sbr.abs _section_cstart, $3  }
0xc1: {  	[dreg:$0x1] =	wrdreg $0xFFFFFFFF  }
0xc2: {  	_ =	task.clear_ibuf [dreg:s7], $0x2FFFF;
	_ =	strace $0x9FFFFFFF  }
0xc3: {  	(tm) =	ssettm $0x7FFFFFFF  }
tec
execute0_lowered:
.L_overlay_start_1:
0x0: {  	(tag) =	ssettag $0x1  }
0x1: {  	s1 =	rddreg [dreg:$0x0]  }
0x2: {  	s0 =	rddreg [dreg:$0x1]  }
0x3: {  	s2 =	rddreg [dreg:$0x2];
	s3 =	srdreg.scid  }
0x4: {  	s4 =	simm.s32 $0x0;
	s5 =	stileid.u32;
	s28 =	simm.s32 $0x300  }
0x5: {  	s29 =	simm.s32 $0x2;
	s30 =	simm.s32 $0x2B00;
	s31 =	simm.s32 $0x3  }
0x6: {  	s13 =	simm.s32 $0x0;
	s3 =	sand.u32 $0x1, s3;
	s7 =	smul.u32 $0x14000, s5  }
0x7: {  	[smem:$0x7FF] =	sst s4;
	s12 =	sadd.s32 $0x2C00, s0;
	s15 =	smul.u32 $0x50000, s5  }
0x8: {  	s8 =	sadd.s32 $0xCA00, s0;
	s9 =	sadd.s32 $0x16800, s0;
	s18 =	smul.u32 $0x4E20, s5  }
0x9: {  	s14 =	sshll.u32 s5, $0x1;
	s17 =	sshll.u32 s5, $0x6;
	s6 =	smul.u32 $0x140000, s3  }
0xa: {  	_ =	strace $0x80000050;
	[dreg:$0x5] =	wrdreg s9;
	s16 =	ssub.s32 $0x2, s3  }
0xb: {  	[dreg:$0x4] =	wrdreg s12;
	s10 =	sshrl.u32 s16, $0x1;
	s9 =	sshrl.u32 s15, $0x2  }
0xc: {  	s6 =	sadd.s32 s7, s6;
	s7 =	sor.u32 s3, s14;
	s9 =	sadd.s32 s9, s2  }
0xd: {  	s14 =	sor.u32 $0x1C0A, s17;
	s3 =	smul.u32 $0x2710, s3;
	s6 =	sshrl.u32 s6, $0x3  }
0xe: {  	s7 =	smul.u32 $0x2710, s7;
	[dreg:$0x6] =	wrdreg s14;
	s0 =	sadd.s32 s6, s0  }
0xf: {  	s6 =	ssub.s32 s16, s10;
	s23 =	sadd.s32 s3, s18;
	s3 =	simm.s32 $0x7  }
0x10: {  	s10 =	simm.s32 $0x5;
	s7 =	sshrl.u32 s7, $0x3;
	s0 =	sadd.s32 $0x19000, s0  }
0x11: {  	s24 =	smax.u32 s6, $0x1;
	s25 =	sadd.s32 $0xA0, s23;
	s26 =	sadd.s32 $0x50, s23  }
0x12: {  	s17 =	sshrl.u32 s23, $0x3;
	s6 =	sshrl.u32 s9, $0x3;
	s23 =	simm.s32 $0x100  }
0x13: {  	s9 =	simm.s32 $0x8;
	s11 =	sadd.s32 $0x4CE, s7;
	[dreg:$0xb] =	wrdreg s0  }
0x14: {  	s7 =	sadd.s32 $0x4D8, s7;
	[dreg:$0xc] =	wrdreg s24;
	s15 =	sshrl.u32 s25, $0x3  }
0x15: {  	s16 =	sshrl.u32 s26, $0x3;
	s24 =	simm.s32 $0x280;
	s25 =	simm.s32 $0x1  }
0x16: {  	s26 =	simm.s32 $0x50;
	[dreg:$0xd] =	wrdreg s6;
	s19 =	sadd.s32 s12, s11  }
0x17: {  	s0 =	simm.s32 $0x5300;
	s20 =	sadd.s32 s8, s11;
	[dreg:$0x7] =	wrdreg s19  }
0x18: {  	s21 =	sadd.s32 s12, s7;
	s22 =	sadd.s32 s8, s7;
	[dreg:$0x8] =	wrdreg s20  }
0x19: {  	s7 =	simm.s32 $0x4;
	s11 =	simm.s32 $0x9;
	[dreg:$0x9] =	wrdreg s21  }
0x1a: {  	s12 =	simm.s32 $0x6;
	[dreg:$0xa] =	wrdreg s22;
	s19 =	simm.s32 $0xA  }
0x1b: {  	s20 =	simm.s32 $0x180;
	s21 =	simm.s32 $0x80;
	s22 =	simm.s32 $0x200  }
.LBB2_1:
0x1c: {  	s5 =	rddreg [dreg:$0x5]  }
0x1d: {  	[spmem:s6], [sflag:s14] =	dma.local [hbm:s5], $0x2800  }
0x1e: {  	_ =	swait.ge [sflag:s19], $0x2800  }
0x1f: {  	[sflag:s19] =	ssyncset.done $0x0  }
0x20: {  	[sflag:s19] =	ssyncadd.s32 $0xFFFFD800  }
0x21: {  	[bflag:$0x0] =	sbarrier.arrive $0xFFFF  }
0x22: {  	s5 =	rddreg [dreg:$0x4]  }
0x23: {  	s14 =	sadd.s32 s5, s17  }
0x24: {  	[tilespmem:s4], [sflag:$0x1] =	stream.linear.gather [hbm4b:s14+s4], $0x50, $0x38;
	[tilespmem:$0x1BB00] =	vst v63  }
0x25: {  	s18 =	sadd.s32 s8, s17  }
0x26: {  	[tilespmem:s20], [sflag:$0x4] =	stream.linear.gather [hbm4b:s18+s4], $0x50, $0x38;
	[tilespmem:$0x1BB00] =	vst v63  }
0x27: {  	s14 =	sadd.s32 s5, s16  }
0x28: {  	[tilespmem:s21], [sflag:$0x2] =	stream.linear.gather [hbm4b:s14+s4], $0x50, $0x38;
	[tilespmem:$0x1BB00] =	vst v63  }
0x29: {  	s18 =	sadd.s32 s8, s16  }
0x2a: {  	[tilespmem:s22], [sflag:$0x5] =	stream.linear.gather [hbm4b:s18+s4], $0x50, $0x38;
	[tilespmem:$0x1BB00] =	vst v63  }
0x2b: {  	s14 =	sadd.s32 s5, s15  }
0x2c: {  	[tilespmem:s23], [sflag:$0x3] =	stream.linear.gather [hbm4b:s14+s4], $0x50, $0x38;
	[tilespmem:$0x1BB00] =	vst v63  }
0x2d: {  	s18 =	sadd.s32 s8, s15  }
0x2e: {  	[tilespmem:s24], [sflag:$0x6] =	stream.linear.gather [hbm4b:s18+s4], $0x50, $0x38;
	[tilespmem:$0x1BB00] =	vst v63  }
0x2f: {  	_ =	swait.ge [sflag:s25], $0x50  }
0x30: {  	[sflag:s25] =	ssyncset.done $0x0  }
0x31: {  	[sflag:s25] =	ssyncadd.s32 $0xFFFFFFB0  }
0x32: {  	[tilespmem:s28], [sflag:$0x7] =	stream.indirect.gather [hbm4b:s1+s26], $0x80, s4, s26, $0xb8;
	[tilespmem:$0x1BB00] =	vst v63  }
0x33: {  	_ =	swait.ge [sflag:s29], $0x50  }
0x34: {  	[sflag:s29] =	ssyncset.done $0x0  }
0x35: {  	[sflag:s29] =	ssyncadd.s32 $0xFFFFFFB0  }
0x36: {  	[tilespmem:s30], [sflag:$0x8] =	stream.indirect.gather [hbm4b:s1+s26], $0x80, s21, s26, $0xb8;
	[tilespmem:$0x1BB00] =	vst v63  }
0x37: {  	_ =	swait.ge [sflag:s31], $0x50  }
0x38: {  	[sflag:s31] =	ssyncset.done $0x0  }
0x39: {  	[sflag:s31] =	ssyncadd.s32 $0xFFFFFFB0  }
0x3a: {  	[tilespmem:s0], [sflag:$0x9] =	stream.indirect.gather [hbm4b:s1+s26], $0x80, s23, s26, $0xb8;
	[tilespmem:$0x1BB00] =	vst v63  }
0x3b: {  	_ =	swait.ge [sflag:s3], $0x2800  }
0x3c: {  	[sflag:s3] =	ssyncset.done $0x0  }
0x3d: {  	[sflag:s3] =	ssyncadd.s32 $0xFFFFD800  }
0x3e: {  	_ =	swait.ge [sflag:s7], $0x50  }
0x3f: {  	[sflag:s7] =	ssyncset.done $0x0  }
0x40: {  	[sflag:s7] =	ssyncadd.s32 $0xFFFFFFB0  }
0x41: {  	[spmem:s2] =	stream.indirect.scatter.add.f32 [tilespmem:s28], [sflag:$0xA], $0x80, s20, s26, $0xb8;
	[tilespmem:$0x1BB00] =	vst v63  }
0x42: {  	_ =	swait.ge [sflag:s19], $0x2800  }
0x43: {  	[sflag:s19] =	ssyncset.done $0x0  }
0x44: {  	[sflag:s19] =	ssyncadd.s32 $0xFFFFD800  }
0x45: {  	_ =	swait.ge [sflag:s9], $0x2800  }
0x46: {  	[sflag:s9] =	ssyncset.done $0x0  }
0x47: {  	[sflag:s9] =	ssyncadd.s32 $0xFFFFD800  }
0x48: {  	_ =	swait.ge [sflag:s10], $0x50  }
0x49: {  	[sflag:s10] =	ssyncset.done $0x0  }
0x4a: {  	[sflag:s10] =	ssyncadd.s32 $0xFFFFFFB0  }
0x4b: {  	[spmem:s2] =	stream.indirect.scatter.add.f32 [tilespmem:s30], [sflag:$0xA], $0x80, s22, s26, $0xb8;
	[tilespmem:$0x1BB00] =	vst v63  }
0x4c: {  	_ =	swait.ge [sflag:s19], $0x2800  }
0x4d: {  	[sflag:s19] =	ssyncset.done $0x0  }
0x4e: {  	[sflag:s19] =	ssyncadd.s32 $0xFFFFD800  }
0x4f: {  	_ =	swait.ge [sflag:s11], $0x2800  }
0x50: {  	[sflag:s11] =	ssyncset.done $0x0  }
0x51: {  	[sflag:s11] =	ssyncadd.s32 $0xFFFFD800  }
0x52: {  	_ =	swait.ge [sflag:s12], $0x50  }
0x53: {  	[sflag:s12] =	ssyncset.done $0x0  }
0x54: {  	[sflag:s12] =	ssyncadd.s32 $0xFFFFFFB0  }
0x55: {  	[spmem:s2] =	stream.indirect.scatter.add.f32 [tilespmem:s0], [sflag:$0xA], $0x80, s24, s26, $0xb8;
	[tilespmem:$0x1BB00] =	vst v63  }
0x56: {  	s6 =	smov.u32 s8;
	_ =	swait.ge [sflag:s19], $0x2800  }
0x57: {  	s14 =	sadd.s32 $0x1E, s5;
	s18 =	simm.s32 $0x27;
	[sflag:s19] =	ssyncset.done $0x0  }
.LBB2_2:
0x58: {  	s5 =	sadd.s32 s14, s17;
	[sflag:s19] =	ssyncadd.s32 $0xFFFFD800;
	s6 =	sadd.s32 $0x1E, s6  }
0x59: {  	[tilespmem:s4], [sflag:$0x1] =	stream.linear.gather [hbm4b:s5+s4], $0x50, $0x38;
	[tilespmem:$0x1BB00] =	vst v63  }
0x5a: {  	p0 =	sne.s32 s18, $0x1;
	s18 =	sadd.s32 $0xFFFFFFFF, s18;
	s5 =	sadd.s32 s6, s17  }
0x5b: {  	[tilespmem:s20], [sflag:$0x4] =	stream.linear.gather [hbm4b:s5+s4], $0x50, $0x38;
	[tilespmem:$0x1BB00] =	vst v63  }
0x5c: {  	s5 =	sadd.s32 s14, s16  }
0x5d: {  	[tilespmem:s21], [sflag:$0x2] =	stream.linear.gather [hbm4b:s5+s4], $0x50, $0x38;
	[tilespmem:$0x1BB00] =	vst v63  }
0x5e: {  	s5 =	sadd.s32 s6, s16  }
0x5f: {  	[tilespmem:s22], [sflag:$0x5] =	stream.linear.gather [hbm4b:s5+s4], $0x50, $0x38;
	[tilespmem:$0x1BB00] =	vst v63  }
0x60: {  	s5 =	sadd.s32 s14, s15  }
0x61: {  	[tilespmem:s23], [sflag:$0x3] =	stream.linear.gather [hbm4b:s5+s4], $0x50, $0x38;
	[tilespmem:$0x1BB00] =	vst v63  }
0x62: {  	s5 =	sadd.s32 s6, s15  }
0x63: {  	[tilespmem:s24], [sflag:$0x6] =	stream.linear.gather [hbm4b:s5+s4], $0x50, $0x38;
	[tilespmem:$0x1BB00] =	vst v63  }
0x64: {  	_ =	swait.ge [sflag:s25], $0x50  }
0x65: {  	[sflag:s25] =	ssyncset.done $0x0  }
0x66: {  	[sflag:s25] =	ssyncadd.s32 $0xFFFFFFB0  }
0x67: {  	[tilespmem:s28], [sflag:$0x7] =	stream.indirect.gather [hbm4b:s1+s26], $0x80, s4, s26, $0xb8;
	[tilespmem:$0x1BB00] =	vst v63  }
0x68: {  	_ =	swait.ge [sflag:s29], $0x50  }
0x69: {  	[sflag:s29] =	ssyncset.done $0x0  }
0x6a: {  	[sflag:s29] =	ssyncadd.s32 $0xFFFFFFB0  }
0x6b: {  	[tilespmem:s30], [sflag:$0x8] =	stream.indirect.gather [hbm4b:s1+s26], $0x80, s21, s26, $0xb8;
	[tilespmem:$0x1BB00] =	vst v63  }
0x6c: {  	_ =	swait.ge [sflag:s31], $0x50  }
0x6d: {  	[sflag:s31] =	ssyncset.done $0x0  }
0x6e: {  	[sflag:s31] =	ssyncadd.s32 $0xFFFFFFB0  }
0x6f: {  	[tilespmem:s0], [sflag:$0x9] =	stream.indirect.gather [hbm4b:s1+s26], $0x80, s23, s26, $0xb8;
	[tilespmem:$0x1BB00] =	vst v63  }
0x70: {  	_ =	swait.ge [sflag:s3], $0x2800  }
0x71: {  	[sflag:s3] =	ssyncset.done $0x0  }
0x72: {  	[sflag:s3] =	ssyncadd.s32 $0xFFFFD800  }
0x73: {  	_ =	swait.ge [sflag:s7], $0x50  }
0x74: {  	[sflag:s7] =	ssyncset.done $0x0  }
0x75: {  	[sflag:s7] =	ssyncadd.s32 $0xFFFFFFB0  }
0x76: {  	[spmem:s2] =	stream.indirect.scatter.add.f32 [tilespmem:s28], [sflag:$0xA], $0x80, s20, s26, $0xb8;
	[tilespmem:$0x1BB00] =	vst v63  }
0x77: {  	_ =	swait.ge [sflag:s19], $0x2800  }
0x78: {  	[sflag:s19] =	ssyncset.done $0x0  }
0x79: {  	[sflag:s19] =	ssyncadd.s32 $0xFFFFD800  }
0x7a: {  	_ =	swait.ge [sflag:s9], $0x2800  }
0x7b: {  	[sflag:s9] =	ssyncset.done $0x0  }
0x7c: {  	[sflag:s9] =	ssyncadd.s32 $0xFFFFD800  }
0x7d: {  	_ =	swait.ge [sflag:s10], $0x50  }
0x7e: {  	[sflag:s10] =	ssyncset.done $0x0  }
0x7f: {  	[sflag:s10] =	ssyncadd.s32 $0xFFFFFFB0  }
0x80: {  	[spmem:s2] =	stream.indirect.scatter.add.f32 [tilespmem:s30], [sflag:$0xA], $0x80, s22, s26, $0xb8;
	[tilespmem:$0x1BB00] =	vst v63  }
0x81: {  	_ =	swait.ge [sflag:s19], $0x2800  }
0x82: {  	[sflag:s19] =	ssyncset.done $0x0  }
0x83: {  	[sflag:s19] =	ssyncadd.s32 $0xFFFFD800  }
0x84: {  	_ =	swait.ge [sflag:s11], $0x2800  }
0x85: {  	[sflag:s11] =	ssyncset.done $0x0  }
0x86: {  	[sflag:s11] =	ssyncadd.s32 $0xFFFFD800  }
0x87: {  	_ =	swait.ge [sflag:s12], $0x50  }
.Ltmp0:
0x88: {  	[sflag:s12] =	ssyncset.done $0x0;
	(pc) =	sbr.rel @p0 .LBB2_2-.Ltmp0, $4  }
0x89: {  	[sflag:s12] =	ssyncadd.s32 $0xFFFFFFB0  }
0x8a: {  	[spmem:s2] =	stream.indirect.scatter.add.f32 [tilespmem:s0], [sflag:$0xA], $0x80, s24, s26, $0xb8;
	[tilespmem:$0x1BB00] =	vst v63  }
0x8b: {  	_ =	swait.ge [sflag:s19], $0x2800  }
0x8c: {  	s14 =	sadd.s32 $0x1E, s14;
	[sflag:s19] =	ssyncset.done $0x0  }
0x8d: {  	s5 =	sadd.s32 s14, s17;
	[sflag:s19] =	ssyncadd.s32 $0xFFFFD800;
	s6 =	sadd.s32 $0x1E, s6  }
0x8e: {  	[tilespmem:s4], [sflag:$0x1] =	stream.linear.gather [hbm4b:s5+s4], $0x50, $0x38;
	[tilespmem:$0x1BB00] =	vst v63  }
0x8f: {  	s18 =	sadd.s32 s6, s17  }
0x90: {  	[tilespmem:s20], [sflag:$0x4] =	stream.linear.gather [hbm4b:s18+s4], $0x50, $0x38;
	[tilespmem:$0x1BB00] =	vst v63  }
0x91: {  	s18 =	sadd.s32 s14, s16  }
0x92: {  	[tilespmem:s21], [sflag:$0x2] =	stream.linear.gather [hbm4b:s18+s4], $0x50, $0x38;
	[tilespmem:$0x1BB00] =	vst v63  }
0x93: {  	s18 =	sadd.s32 s6, s16  }
0x94: {  	[tilespmem:s22], [sflag:$0x5] =	stream.linear.gather [hbm4b:s18+s4], $0x50, $0x38;
	[tilespmem:$0x1BB00] =	vst v63  }
0x95: {  	s18 =	sadd.s32 s14, s15  }
0x96: {  	[tilespmem:s23], [sflag:$0x3] =	stream.linear.gather [hbm4b:s18+s4], $0x50, $0x38;
	[tilespmem:$0x1BB00] =	vst v63  }
0x97: {  	s6 =	sadd.s32 s6, s15  }
0x98: {  	[tilespmem:s24], [sflag:$0x6] =	stream.linear.gather [hbm4b:s6+s4], $0x50, $0x38;
	[tilespmem:$0x1BB00] =	vst v63  }
0x99: {  	_ =	swait.ge [sflag:s25], $0x50  }
0x9a: {  	[sflag:s25] =	ssyncset.done $0x0  }
0x9b: {  	[sflag:s25] =	ssyncadd.s32 $0xFFFFFFB0  }
0x9c: {  	[tilespmem:s28], [sflag:$0x7] =	stream.indirect.gather [hbm4b:s1+s26], $0x80, s4, s26, $0xb8;
	[tilespmem:$0x1BB00] =	vst v63  }
0x9d: {  	_ =	swait.ge [sflag:s29], $0x50  }
0x9e: {  	[sflag:s29] =	ssyncset.done $0x0  }
0x9f: {  	[sflag:s29] =	ssyncadd.s32 $0xFFFFFFB0  }
0xa0: {  	[tilespmem:s30], [sflag:$0x8] =	stream.indirect.gather [hbm4b:s1+s26], $0x80, s21, s26, $0xb8;
	[tilespmem:$0x1BB00] =	vst v63  }
0xa1: {  	_ =	swait.ge [sflag:s31], $0x50  }
0xa2: {  	[sflag:s31] =	ssyncset.done $0x0  }
0xa3: {  	[sflag:s31] =	ssyncadd.s32 $0xFFFFFFB0  }
0xa4: {  	[tilespmem:s0], [sflag:$0x9] =	stream.indirect.gather [hbm4b:s1+s26], $0x80, s23, s26, $0xb8;
	[tilespmem:$0x1BB00] =	vst v63  }
0xa5: {  	_ =	swait.ge [sflag:s3], $0x2800  }
0xa6: {  	[sflag:s3] =	ssyncset.done $0x0  }
0xa7: {  	[sflag:s3] =	ssyncadd.s32 $0xFFFFD800  }
0xa8: {  	_ =	swait.ge [sflag:s7], $0x50  }
0xa9: {  	[sflag:s7] =	ssyncset.done $0x0  }
0xaa: {  	[sflag:s7] =	ssyncadd.s32 $0xFFFFFFB0  }
0xab: {  	[spmem:s2] =	stream.indirect.scatter.add.f32 [tilespmem:s28], [sflag:$0xA], $0x80, s20, s26, $0xb8;
	[tilespmem:$0x1BB00] =	vst v63  }
0xac: {  	_ =	swait.ge [sflag:s19], $0x2800  }
0xad: {  	[sflag:s19] =	ssyncset.done $0x0  }
0xae: {  	[sflag:s19] =	ssyncadd.s32 $0xFFFFD800  }
0xaf: {  	_ =	swait.ge [sflag:s9], $0x2800  }
0xb0: {  	[sflag:s9] =	ssyncset.done $0x0  }
0xb1: {  	[sflag:s9] =	ssyncadd.s32 $0xFFFFD800  }
0xb2: {  	_ =	swait.ge [sflag:s10], $0x50  }
0xb3: {  	[sflag:s10] =	ssyncset.done $0x0  }
0xb4: {  	[sflag:s10] =	ssyncadd.s32 $0xFFFFFFB0  }
0xb5: {  	[spmem:s2] =	stream.indirect.scatter.add.f32 [tilespmem:s30], [sflag:$0xA], $0x80, s22, s26, $0xb8;
	[tilespmem:$0x1BB00] =	vst v63  }
0xb6: {  	_ =	swait.ge [sflag:s19], $0x2800  }
0xb7: {  	[sflag:s19] =	ssyncset.done $0x0  }
0xb8: {  	[sflag:s19] =	ssyncadd.s32 $0xFFFFD800  }
0xb9: {  	_ =	swait.ge [sflag:s11], $0x2800  }
0xba: {  	[sflag:s11] =	ssyncset.done $0x0  }
0xbb: {  	[sflag:s11] =	ssyncadd.s32 $0xFFFFD800  }
0xbc: {  	_ =	swait.ge [sflag:s12], $0x50  }
0xbd: {  	[sflag:s12] =	ssyncset.done $0x0  }
0xbe: {  	[sflag:s12] =	ssyncadd.s32 $0xFFFFFFB0  }
0xbf: {  	[spmem:s2] =	stream.indirect.scatter.add.f32 [tilespmem:s0], [sflag:$0xA], $0x80, s24, s26, $0xb8;
	[tilespmem:$0x1BB00] =	vst v63  }
0xc0: {  	_ =	swait.ge [sflag:s19], $0x2800  }
0xc1: {  	[sflag:s19] =	ssyncset.done $0x0  }
0xc2: {  	s14 =	rddreg [dreg:$0x7];
	[sflag:s19] =	ssyncadd.s32 $0xFFFFD800  }
0xc3: {  	[tilespmem:s4], [sflag:$0x1] =	stream.linear.gather [hbm4b:s14+s4], $0x50, $0x38;
	[tilespmem:$0x1BB00] =	vst v63  }
0xc4: {  	s18 =	rddreg [dreg:$0x8]  }
0xc5: {  	[tilespmem:s20], [sflag:$0x4] =	stream.linear.gather [hbm4b:s18+s4], $0x50, $0x38;
	[tilespmem:$0x1BB00] =	vst v63  }
0xc6: {  	s6 =	rddreg [dreg:$0x9]  }
0xc7: {  	[tilespmem:s21], [sflag:$0x2] =	stream.linear.gather [hbm4b:s6+s4], $0x50, $0x38;
	[tilespmem:$0x1BB00] =	vst v63  }
0xc8: {  	s14 =	rddreg [dreg:$0xa]  }
0xc9: {  	[tilespmem:s22], [sflag:$0x5] =	stream.linear.gather [hbm4b:s14+s4], $0x50, $0x38;
	[tilespmem:$0x1BB00] =	vst v63  }
0xca: {  	_ =	swait.ge [sflag:s25], $0x50  }
0xcb: {  	[sflag:s25] =	ssyncset.done $0x0  }
0xcc: {  	[sflag:s25] =	ssyncadd.s32 $0xFFFFFFB0  }
0xcd: {  	[tilespmem:s28], [sflag:$0x7] =	stream.indirect.gather [hbm4b:s1+s26], $0x80, s4, s26, $0xb8;
	[tilespmem:$0x1BB00] =	vst v63  }
0xce: {  	_ =	swait.ge [sflag:s29], $0x50  }
0xcf: {  	[sflag:s29] =	ssyncset.done $0x0  }
0xd0: {  	[sflag:s29] =	ssyncadd.s32 $0xFFFFFFB0  }
0xd1: {  	[tilespmem:s30], [sflag:$0x8] =	stream.indirect.gather [hbm4b:s1+s26], $0x80, s21, s26, $0xb8;
	[tilespmem:$0x1BB00] =	vst v63  }
0xd2: {  	_ =	swait.ge [sflag:s3], $0x2800  }
0xd3: {  	[sflag:s3] =	ssyncset.done $0x0  }
0xd4: {  	[sflag:s3] =	ssyncadd.s32 $0xFFFFD800  }
0xd5: {  	_ =	swait.ge [sflag:s7], $0x50  }
0xd6: {  	[sflag:s7] =	ssyncset.done $0x0  }
0xd7: {  	[sflag:s7] =	ssyncadd.s32 $0xFFFFFFB0  }
0xd8: {  	[spmem:s2] =	stream.indirect.scatter.add.f32 [tilespmem:s28], [sflag:$0xA], $0x80, s20, s26, $0xb8;
	[tilespmem:$0x1BB00] =	vst v63  }
0xd9: {  	_ =	swait.ge [sflag:s19], $0x2800  }
0xda: {  	[sflag:s19] =	ssyncset.done $0x0  }
0xdb: {  	[sflag:s19] =	ssyncadd.s32 $0xFFFFD800  }
0xdc: {  	_ =	swait.ge [sflag:s9], $0x2800  }
0xdd: {  	[sflag:s9] =	ssyncset.done $0x0  }
0xde: {  	[sflag:s9] =	ssyncadd.s32 $0xFFFFD800  }
0xdf: {  	_ =	swait.ge [sflag:s10], $0x50  }
0xe0: {  	[sflag:s10] =	ssyncset.done $0x0  }
0xe1: {  	[sflag:s10] =	ssyncadd.s32 $0xFFFFFFB0  }
0xe2: {  	[spmem:s2] =	stream.indirect.scatter.add.f32 [tilespmem:s30], [sflag:$0xA], $0x80, s22, s26, $0xb8;
	[tilespmem:$0x1BB00] =	vst v63  }
0xe3: {  	_ =	swait.ge [sflag:s19], $0x2800  }
0xe4: {  	[sflag:s19] =	ssyncset.done $0x0  }
0xe5: {  	[sflag:s19] =	ssyncadd.s32 $0xFFFFD800  }
0xe6: {  	[bflag:$0x0] =	sbarrier.arrive $0xFFFF  }
0xe7: {  	s14 =	rddreg [dreg:$0x6]  }
0xe8: {  	s18 =	rddreg [dreg:$0xb]  }
0xe9: {  	s6 =	rddreg [dreg:$0xd]  }
0xea: {  	[hbm:s18], [sflag:s14] =	dma.local [spmem:s6], $0x2800  }
0xeb: {  	_ =	swait.ge [sflag:s19], $0x2800  }
0xec: {  	s13 =	sadd.s32 $0x1, s13;
	s18 =	rddreg [dreg:$0xc]  }
0xed: {  	p0 =	sne.s32 s13, s18  }
.Ltmp1:
0xee: {  	_ = 	snop;
	(pc) =	sbr.rel @p0 .LBB2_1-.Ltmp1, $3  }
0xef: {  	_ =	sdelay $0x1  }
0xf0: {  	[sflag:s19] =	ssyncset.done $0x0  }
0xf1: {  	[sflag:s19] =	ssyncadd.s32 $0xFFFFD800  }
0xf2: {  	_ =	sfence.sel $0x180000  }
0xf3: {  	[bflag:$0x0] =	sbarrier.arrive $0xFFFF  }
0xf4: {  	_ =	strace $0x90000050  }
0xf5: {  	s0 =	stileid.u32;
	[bflag:$0x2] =	sbarrier.arrive $0xFFFF  }
0xf6: {  	p0 =	sne.s32 s0, $0x0;
	s0 =	rddreg [dreg:$0x3]  }
0xf7: {  	s0 =	sadd.s32 @!p0 $0x100000, s0  }
0xf8: {  	[sflag:s0] =	ssyncadd.tile.s32 @!p0 $0x1;
	_ =	shalt  }
.Lfunc_end2:
_tile_overlayer_lowered:
.L_overlay_start_2:
0xf9: {  	(tag) =	ssettag $0x2  }
0xfa: {  	s0 =	rddreg [dreg:$0x0];
	s2 =	stileid.u32  }
0xfb: {  	s1 =	rddreg [dreg:$0x1];
	p0 =	sne.s32 s2, $0x0  }
0xfc: {  	s3 =	rddreg [dreg:$0x2];
	[bflag:$0x3] =	sbarrier.arrive $0xFFFF;
	s2 =	simm.s32 @!p0 $0x1C0A  }
0xfd: {  	[timem:s3], [sflag:s2] =	dma.local @!p0 [hbm:s0], s1  }
0xfe: {  	s0 =	simm.s32 @!p0 $0xA  }
0xff: {  	_ =	swait.ge @!p0 [sflag:s0], s1  }
0x100: {  	s1 =	ssub.s32 @!p0 $0x0, s1;
	[sflag:s0] =	ssyncset.done @!p0 $0x0  }
0x101: {  	[sflag:s0] =	ssyncadd.s32 @!p0 s1  }
0x102: {  	[bflag:$0x3] =	sbarrier.arrive $0xFFFF  }
0x103: {  	_ =	shalt  }

</sc_bundles>
